<compile_context>
chip_gen: v7x
topology: tpu7x:2x2x1
jax: 0.10.2.dev20260603
libtpu: 0.0.44.dev20260713+nightly
codegen_flags: <defaults>
</compile_context>

<pallas_src>
import functools

import jax
import jax.numpy as jnp
from jax import lax
from jax.experimental import pallas as pl
from jax.experimental.pallas import tpu as pltpu
from jax.experimental.pallas import tpu_sc as plsc

B, S, H = 1, 2048, 2048
NH, NKV, HD = 16, 8, 128
E, TOPK, FF = 8, 2, 2048
EPS = 1e-5
ATTN_CAP = 30.0
ROUTER_CAP = 30.0
THETA = 10000.0
ATTN_MULT = 1.0

TM = 128
G = S * TOPK // TM + E
XS = G * TM
FN = 512
RT = 256


def _rms(x, w):
    v = jnp.mean(jnp.square(x), axis=-1, keepdims=True)
    return (x * lax.rsqrt(v + EPS)) * w


def _rope(x, pos):
    inv = 1.0 / (THETA ** (jnp.arange(0, HD, 2, dtype=jnp.float32) / HD))
    f = pos.astype(jnp.float32)[..., None] * inv
    cos = jnp.concatenate([jnp.cos(f), jnp.cos(f)], axis=-1)[:, :, None, :]
    sin = jnp.concatenate([jnp.sin(f), jnp.sin(f)], axis=-1)[:, :, None, :]
    x1, x2 = jnp.split(x, 2, axis=-1)
    rot = jnp.concatenate([-x2, x1], axis=-1)
    return x * cos + rot * sin



def _route_body(ti_ref, tv_ref, p0_ref, p1_ref, w0_ref, w1_ref, te_ref, tot_ref):
    T = S
    A = T * TOPK
    NB = A // TM

    tv = tv_ref[...]
    denom = tv[:, 0:1] + tv[:, 1:2]
    w0_ref[...] = tv[:, 0:1] / denom
    w1_ref[...] = tv[:, 1:2] / denom

    ti = ti_ref[...]
    ei = lax.broadcasted_iota(jnp.int32, (T, E), 1)
    oh1 = (ei == ti[:, 0:1]).astype(jnp.float32)
    oh2 = (ei == ti[:, 1:2]).astype(jnp.float32)

    M = jnp.concatenate([oh1, oh2], axis=0)

    ri = lax.broadcasted_iota(jnp.int32, (TM, TM), 0)
    ci = lax.broadcasted_iota(jnp.int32, (TM, TM), 1)
    Linc = (ri >= ci).astype(jnp.float32)
    hp = lax.Precision.HIGHEST
    Cb = [jnp.dot(Linc, M[b * TM : (b + 1) * TM, :], precision=hp,
                  preferred_element_type=jnp.float32) for b in range(NB)]
    C = jnp.concatenate(Cb, axis=0)
    Ssum = jnp.concatenate([c[TM - 1 : TM, :] for c in Cb], axis=0)
    rb = lax.broadcasted_iota(jnp.int32, (NB, NB), 0)
    cb = lax.broadcasted_iota(jnp.int32, (NB, NB), 1)
    Lstr = (rb > cb).astype(jnp.float32)
    P = jnp.dot(Lstr, Ssum, precision=hp, preferred_element_type=jnp.float32)
    blk = lax.broadcasted_iota(jnp.int32, (A, 1), 0) // TM
    Rep = (blk == lax.broadcasted_iota(jnp.int32, (A, NB), 1)).astype(jnp.float32)
    Pbig = jnp.dot(Rep, P, precision=hp, preferred_element_type=jnp.float32)
    rank = jnp.sum((C + Pbig - 1.0) * M, axis=1, keepdims=True)

    counts = Ssum[NB - 1 : NB, :] + P[NB - 1 : NB, :]
    ci32 = counts.astype(jnp.int32)
    tiles = (ci32 + (TM - 1)) >> 7
    re8 = lax.broadcasted_iota(jnp.int32, (E, E), 0)
    ce8 = lax.broadcasted_iota(jnp.int32, (E, E), 1)
    U8 = (re8 < ce8).astype(jnp.float32)
    toff = jnp.dot(tiles.astype(jnp.float32), U8, precision=hp,
                   preferred_element_type=jnp.float32)
    padded_off = toff * float(TM)
    offa = jnp.sum(M * padded_off, axis=1, keepdims=True)
    pos = (rank + offa).astype(jnp.int32)
    p0_ref[...] = pos[:T]
    p1_ref[...] = pos[T:]

    tei = lax.broadcasted_iota(jnp.int32, (TM, E), 0)
    cnt = jnp.sum((tei >= toff.astype(jnp.int32)).astype(jnp.int32),
                  axis=1, keepdims=True)
    te_ref[...] = jnp.maximum(cnt - 1, 0)
    tot_ref[...] = jnp.sum(tiles, axis=1, keepdims=True)


def _route(topi, topv):
    return pl.pallas_call(
        _route_body,
        out_shape=[
            jax.ShapeDtypeStruct((S, 1), jnp.int32),
            jax.ShapeDtypeStruct((S, 1), jnp.int32),
            jax.ShapeDtypeStruct((S, 1), jnp.float32),
            jax.ShapeDtypeStruct((S, 1), jnp.float32),
            jax.ShapeDtypeStruct((TM, 1), jnp.int32),
            jax.ShapeDtypeStruct((1, 1), jnp.int32),
        ],
    )(topi, topv)



def _sc_info():
    info = plsc.get_sparse_core_info()
    return info.num_cores, info.num_subcores


def _dispatch_sc(xn, p0, p1):
    NC, NS = _sc_info()
    NW = NC * NS
    tpw = S // NW
    CH = 16
    mesh = plsc.VectorSubcoreMesh(core_axis_name="c", subcore_axis_name="s")

    @functools.partial(
        pl.kernel, mesh=mesh,
        out_type=jax.ShapeDtypeStruct((XS, H), jnp.float32),
        scratch_types=[
            pltpu.VMEM((CH,), jnp.int32),
            pltpu.VMEM((CH,), jnp.int32),
            pltpu.VMEM((CH, H), jnp.float32),
            pltpu.SemaphoreType.DMA,
        ],
    )
    def k(x_hbm, p0_hbm, p1_hbm, xs_hbm, i0_v, i1_v, rows_v, sem):
        wid = lax.axis_index("s") * NC + lax.axis_index("c")
        base0 = wid * tpw
        for c in range(tpw // CH):
            base = base0 + c * CH
            pltpu.sync_copy(p0_hbm.at[pl.ds(base, CH)], i0_v)
            pltpu.sync_copy(p1_hbm.at[pl.ds(base, CH)], i1_v)
            pltpu.sync_copy(x_hbm.at[pl.ds(base, CH)], rows_v)
            pltpu.async_copy(rows_v, xs_hbm.at[i0_v], sem).wait()
            pltpu.async_copy(rows_v, xs_hbm.at[i1_v], sem).wait()

    return k(xn, p0, p1)


def _combine_sc(ys, p0, p1):
    NC, NS = _sc_info()
    NW = NC * NS
    tpw = S // NW
    CH = 16
    mesh = plsc.VectorSubcoreMesh(core_axis_name="c", subcore_axis_name="s")

    @functools.partial(
        pl.kernel, mesh=mesh,
        out_type=jax.ShapeDtypeStruct((TOPK * S, H), jnp.float32),
        scratch_types=[
            pltpu.VMEM((CH,), jnp.int32),
            pltpu.VMEM((CH, H), jnp.float32),
            pltpu.SemaphoreType.DMA,
        ],
    )
    def k(ys_hbm, p0_hbm, p1_hbm, yp_hbm, idx_v, rows_v, sem):
        wid = lax.axis_index("s") * NC + lax.axis_index("c")
        base0 = wid * tpw
        for kk, p_hbm in ((0, p0_hbm), (1, p1_hbm)):
            for c in range(tpw // CH):
                base = base0 + c * CH
                pltpu.sync_copy(p_hbm.at[pl.ds(base, CH)], idx_v)
                pltpu.async_copy(ys_hbm.at[idx_v], rows_v, sem).wait()
                pltpu.sync_copy(rows_v, yp_hbm.at[pl.ds(kk * S + base, CH)])

    return k(ys, p0, p1)



def _gelu(x):
    return 0.5 * x * (1.0 + lax.erf(x * 0.7071067811865475))


def _gmm1_body(te_ref, tot_ref, xs_ref, wg_ref, wu_ref, o_ref):
    m = pl.program_id(1)

    @pl.when(m < tot_ref[0])
    def _():
        x = xs_ref[...].astype(jnp.bfloat16)
        g = jnp.dot(x, wg_ref[0], preferred_element_type=jnp.float32)
        u = jnp.dot(x, wu_ref[0], preferred_element_type=jnp.float32)
        o_ref[...] = (_gelu(g) * u).astype(jnp.bfloat16)


def _gmm1(te, tot, xs, w_gate_up):
    grid_spec = pltpu.PrefetchScalarGridSpec(
        num_scalar_prefetch=2,
        grid=(FF // FN, G),
        in_specs=[
            pl.BlockSpec((TM, H), lambda n, m, te, tot: (m, 0)),
            pl.BlockSpec((1, H, FN), lambda n, m, te, tot: (te[m], 0, n)),
            pl.BlockSpec((1, H, FN), lambda n, m, te, tot: (te[m], 0, n + FF // FN)),
        ],
        out_specs=pl.BlockSpec((TM, FN), lambda n, m, te, tot: (m, n)),
    )
    return pl.pallas_call(
        _gmm1_body,
        grid_spec=grid_spec,
        out_shape=jax.ShapeDtypeStruct((XS, FF), jnp.bfloat16),
    )(te, tot, xs, w_gate_up, w_gate_up)


def _gmm2_body(te_ref, tot_ref, a_ref, wd_ref, o_ref):
    m = pl.program_id(1)

    @pl.when(m < tot_ref[0])
    def _():
        o_ref[...] = jnp.dot(a_ref[...], wd_ref[0],
                             preferred_element_type=jnp.float32)


def _gmm2(te, tot, act, w_down):
    grid_spec = pltpu.PrefetchScalarGridSpec(
        num_scalar_prefetch=2,
        grid=(H // FN, G),
        in_specs=[
            pl.BlockSpec((TM, FF), lambda n, m, te, tot: (m, 0)),
            pl.BlockSpec((1, FF, FN), lambda n, m, te, tot: (te[m], 0, n)),
        ],
        out_specs=pl.BlockSpec((TM, FN), lambda n, m, te, tot: (m, n)),
    )
    return pl.pallas_call(
        _gmm2_body,
        grid_spec=grid_spec,
        out_shape=jax.ShapeDtypeStruct((XS, H), jnp.float32),
    )(te, tot, act, w_down)



def _fin_body(y0_ref, y1_ref, w0_ref, w1_ref, hid_ref, qm_ref, o_ref):
    moe = y0_ref[...] * w0_ref[...] + y1_ref[...] * w1_ref[...]
    o_ref[...] = hid_ref[...] + _rms(moe, qm_ref[...])


def _finalize(yp, w0, w1, hidden, qm):
    return pl.pallas_call(
        _fin_body,
        grid=(S // RT,),
        in_specs=[
            pl.BlockSpec((RT, H), lambda r: (r, 0)),
            pl.BlockSpec((RT, H), lambda r: (r + S // RT, 0)),
            pl.BlockSpec((RT, 1), lambda r: (r, 0)),
            pl.BlockSpec((RT, 1), lambda r: (r, 0)),
            pl.BlockSpec((RT, H), lambda r: (r, 0)),
            pl.BlockSpec((1, H), lambda r: (0, 0)),
        ],
        out_specs=pl.BlockSpec((RT, H), lambda r: (r, 0)),
        out_shape=jax.ShapeDtypeStruct((S, H), jnp.float32),
    )(yp, yp, w0, w1, hidden, qm)



def kernel(positions, hidden_states, w_qkv, w_o, gate_w, w_gate_up, w_down,
           pre_attn_norm_w, post_attn_norm_w, pre_moe_norm_w, post_moe_norm_w):
    h = _rms(hidden_states, pre_attn_norm_w)
    qkv = h @ w_qkv
    q = qkv[..., : NH * HD].reshape(B, S, NH, HD)
    k = qkv[..., NH * HD : NH * HD + NKV * HD].reshape(B, S, NKV, HD)
    v = qkv[..., NH * HD + NKV * HD :].reshape(B, S, NKV, HD)
    q = _rope(q, positions)
    k = _rope(k, positions)
    k = jnp.repeat(k, NH // NKV, axis=2)
    v = jnp.repeat(v, NH // NKV, axis=2)
    scores = jnp.einsum('bqhd,bkhd->bhqk', q, k) * (HD ** -0.5)
    scores = ATTN_CAP * jnp.tanh(scores / ATTN_CAP)
    mask = jnp.tril(jnp.ones((S, S), dtype=bool))
    scores = jnp.where(mask[None, None], scores, -1e9)
    p = jax.nn.softmax(scores, axis=-1)
    ao = jnp.einsum('bhqk,bkhd->bqhd', p, v).reshape(B, S, NH * HD)
    ao = (ao @ w_o) * ATTN_MULT
    ao = _rms(ao, post_attn_norm_w)
    hidden = hidden_states + ao
    x = _rms(hidden, pre_moe_norm_w).reshape(-1, H)
    logits = x @ gate_w
    logits = ROUTER_CAP * jnp.tanh(logits / ROUTER_CAP)
    probs = jax.nn.softmax(logits, axis=-1)
    topv, topi = jax.lax.top_k(probs, TOPK)

    p0, p1, w0, w1, te, tot = _route(topi, topv)
    p0f = p0.reshape(S)
    p1f = p1.reshape(S)
    xs = _dispatch_sc(x, p0f, p1f)
    act = _gmm1(te.reshape(TM), tot.reshape(1), xs,
                w_gate_up.astype(jnp.bfloat16))
    ys = _gmm2(te.reshape(TM), tot.reshape(1), act,
               w_down.astype(jnp.bfloat16))
    yp = _combine_sc(ys, p0f, p1f)
    out = _finalize(yp, w0, w1, hidden.reshape(S, H), post_moe_norm_w.reshape(1, H))
    return out.reshape(B, S, H)

# --- scband reference (transcript-rebuilt; emitter-appended) ---
"""Pipeline reference for scband-grok1-decoder-layer-19705309954126 (READ-ONLY COPY).

The authoritative reference and input builder live on the scoring server;
editing this copy changes nothing except your own understanding.
"""

import jax, jax.numpy as jnp
import numpy as np

B, S, H = 1, 2048, 2048
NH, NKV, HD = 16, 8, 128
E, TOPK, FF = 8, 2, 2048
EPS = 1e-5
ATTN_CAP = 30.0
ROUTER_CAP = 30.0
THETA = 10000.0
ATTN_MULT = 1.0


def setup_inputs(seed: int = 0) -> dict:
    key = jax.random.key(seed)
    ks = jax.random.split(key, 8)
    inp = {}
    inp['positions'] = jnp.arange(B * S).reshape(B, S)
    inp['hidden_states'] = jax.random.normal(ks[0], (B, S, H), dtype=jnp.float32)
    inp['w_qkv'] = jax.random.normal(ks[1], (H, (NH + 2 * NKV) * HD), dtype=jnp.float32) * (1.0 / np.sqrt(H))
    inp['w_o'] = jax.random.normal(ks[2], (NH * HD, H), dtype=jnp.float32) * (1.0 / np.sqrt(NH * HD))
    inp['gate_w'] = jax.random.normal(ks[3], (H, E), dtype=jnp.float32) * (1.0 / np.sqrt(H))
    inp['w_gate_up'] = jax.random.normal(ks[4], (E, H, 2 * FF), dtype=jnp.float32) * (1.0 / np.sqrt(H))
    inp['w_down'] = jax.random.normal(ks[5], (E, FF, H), dtype=jnp.float32) * (1.0 / np.sqrt(FF))
    inp['pre_attn_norm_w'] = jnp.ones((H,), dtype=jnp.float32)
    inp['post_attn_norm_w'] = jnp.ones((H,), dtype=jnp.float32)
    inp['pre_moe_norm_w'] = jnp.ones((H,), dtype=jnp.float32)
    inp['post_moe_norm_w'] = jnp.ones((H,), dtype=jnp.float32)
    return inp


def _rms(x, w):
    v = jnp.mean(jnp.square(x), axis=-1, keepdims=True)
    return (x * jax.lax.rsqrt(v + EPS)) * w


def _rope(x, pos):
    # neox-style rotary embedding
    inv = 1.0 / (THETA ** (jnp.arange(0, HD, 2, dtype=jnp.float32) / HD))
    f = pos.astype(jnp.float32)[..., None] * inv  # [B,S,HD/2]
    cos = jnp.concatenate([jnp.cos(f), jnp.cos(f)], axis=-1)[:, :, None, :]
    sin = jnp.concatenate([jnp.sin(f), jnp.sin(f)], axis=-1)[:, :, None, :]
    x1, x2 = jnp.split(x, 2, axis=-1)
    rot = jnp.concatenate([-x2, x1], axis=-1)
    return x * cos + rot * sin


def _forward(hidden_states, positions, w_qkv, w_o, gate_w, w_gate_up, w_down, pa, qa, pm, qm):
    # --- attention block ---
    h = _rms(hidden_states, pa)
    qkv = h @ w_qkv
    q = qkv[..., : NH * HD].reshape(B, S, NH, HD)
    k = qkv[..., NH * HD : NH * HD + NKV * HD].reshape(B, S, NKV, HD)
    v = qkv[..., NH * HD + NKV * HD :].reshape(B, S, NKV, HD)
    q = _rope(q, positions)
    k = _rope(k, positions)
    k = jnp.repeat(k, NH // NKV, axis=2)
    v = jnp.repeat(v, NH // NKV, axis=2)
    scores = jnp.einsum('bqhd,bkhd->bhqk', q, k) * (HD ** -0.5)
    scores = ATTN_CAP * jnp.tanh(scores / ATTN_CAP)
    mask = jnp.tril(jnp.ones((S, S), dtype=bool))
    scores = jnp.where(mask[None, None], scores, -1e9)
    p = jax.nn.softmax(scores, axis=-1)
    ao = jnp.einsum('bhqk,bkhd->bqhd', p, v).reshape(B, S, NH * HD)
    ao = (ao @ w_o) * ATTN_MULT
    ao = _rms(ao, qa)
    hidden = hidden_states + ao
    # --- MoE block ---
    x = _rms(hidden, pm).reshape(-1, H)
    logits = x @ gate_w
    logits = ROUTER_CAP * jnp.tanh(logits / ROUTER_CAP)
    probs = jax.nn.softmax(logits, axis=-1)
    topv, topi = jax.lax.top_k(probs, TOPK)
    topv = topv / jnp.sum(topv, axis=-1, keepdims=True)  # renormalize
    weights = jnp.sum(jax.nn.one_hot(topi, E, dtype=x.dtype) * topv[..., None], axis=1)  # [T,E]
    gu = jnp.einsum('th,ehf->tef', x, w_gate_up)
    g, u = jnp.split(gu, 2, axis=-1)
    act = jax.nn.gelu(g, approximate=False) * u  # GeluAndMul
    down = jnp.einsum('tef,efh->teh', act, w_down)
    moe_out = jnp.sum(down * weights[..., None], axis=1).reshape(B, S, H)
    moe_out = _rms(moe_out, qm)
    return hidden + moe_out


def reference(positions, hidden_states, w_qkv, w_o, gate_w, w_gate_up, w_down, pre_attn_norm_w, post_attn_norm_w, pre_moe_norm_w, post_moe_norm_w):
    return _forward(hidden_states, positions, w_qkv, w_o, gate_w, w_gate_up, w_down, pre_attn_norm_w, post_attn_norm_w, pre_moe_norm_w, post_moe_norm_w)

if __name__ == "__main__":
    import jax
    _d = setup_inputs()
    print(jax.jit(kernel)(*tuple(_d.values())))

</pallas_src>

<mosaic_0001>
#map = affine_map<(d0, d1) -> (0, 0)>
#map1 = affine_map<(d0, d1) -> (0)>
module attributes {stable_mosaic.version = 14 : i64} {
  func.func @k(%arg0: i32, %arg1: i32, %arg2: memref<5120x2048xf32, #tpu.memory_space<hbm>>, %arg3: memref<2048xi32, #tpu.memory_space<hbm>>, %arg4: memref<2048xi32, #tpu.memory_space<hbm>>, %arg5: memref<4096x2048xf32, #tpu.memory_space<hbm>>, %arg6: memref<16xi32, #tpu.memory_space<vmem>>, %arg7: memref<16x2048xf32, #tpu.memory_space<vmem>>, %arg8: memref<!tpu.dma_semaphore, #tpu.memory_space<semaphore_mem>>) attributes {dimension_semantics = [#tpu.dimension_semantics<core_parallel>, #tpu.dimension_semantics<subcore_parallel>], iteration_bounds = array<i64: 2, 16>, scalar_prefetch = 0 : i64, scratch_operands = 3 : i64, tpu.core_type = #tpu.core_type<sc_vector_subcore>, window_params = [{transform_indices = #map}, {transform_indices = #map1}, {transform_indices = #map1}, {transform_indices = #map}]} {
    %mul3A = arith.constant 2 : i32
    %mul3A_0 = arith.muli %arg1, %mul3A : i32
    %add3A = arith.addi %mul3A_0, %arg0 : i32
    %mul3A_1 = arith.constant 64 : i32
    %mul3A_2 = arith.muli %add3A, %mul3A_1 : i32
    %add3A_3 = arith.constant 0 : i32
    %add3A_4 = arith.addi %mul3A_2, %add3A_3 : i32
    "tpu.region"() ({
      %run_scoped3A = tpu.sem_alloc : memref<!tpu.dma_semaphore, #tpu.memory_space<semaphore_mem>>
      %dma_start3A_81 = tpu.memref_slice %arg3[%add3A_4] : memref<2048xi32, #tpu.memory_space<hbm>> -> memref<16xi32, #tpu.memory_space<hbm>>
      %dma_start3A_82 = tpu.memref_slice %arg3[%add3A_4] : memref<2048xi32, #tpu.memory_space<hbm>> -> memref<16xi32, #tpu.memory_space<hbm>>
      tpu.enqueue_dma source(%dma_start3A_82 : memref<16xi32, #tpu.memory_space<hbm>>) target(%arg6 : memref<16xi32, #tpu.memory_space<vmem>>) target_semaphore(%run_scoped3A : memref<!tpu.dma_semaphore, #tpu.memory_space<semaphore_mem>>)
      %dma_wait3A_83 = tpu.memref_slice %arg3[%add3A_4] : memref<2048xi32, #tpu.memory_space<hbm>> -> memref<16xi32, #tpu.memory_space<hbm>>
      %dma_wait3A_84 = tpu.memref_slice %arg3[%add3A_4] : memref<2048xi32, #tpu.memory_space<hbm>> -> memref<16xi32, #tpu.memory_space<hbm>>
      tpu.wait_dma2 semaphore(%run_scoped3A : memref<!tpu.dma_semaphore, #tpu.memory_space<semaphore_mem>>) src(%dma_wait3A_84 : memref<16xi32, #tpu.memory_space<hbm>>) dst(%arg6 : memref<16xi32, #tpu.memory_space<vmem>>)
      tpu.yield
    }) : () -> ()
    %dma_start3A = arith.constant 0 : i32
    %dma_start3A_5 = arith.constant 0 : i32
    %dma_start3A_6 = tpu.memref_slice %arg2[%dma_start3A, %dma_start3A_5] : memref<5120x2048xf32, #tpu.memory_space<hbm>> -> memref<5120x2048xf32, #tpu.memory_space<hbm>>
    tpu.enqueue_indirect_dma source(%dma_start3A_6 : memref<5120x2048xf32, #tpu.memory_space<hbm>>) target(%arg7 : memref<16x2048xf32, #tpu.memory_space<vmem>>) offsets(%arg6 : memref<16xi32, #tpu.memory_space<vmem>>) semaphore(%arg8 : memref<!tpu.dma_semaphore, #tpu.memory_space<semaphore_mem>>)
    %dma_wait3A = arith.constant 0 : i32
    %dma_wait3A_7 = arith.constant 0 : i32
    %dma_wait3A_8 = tpu.memref_slice %arg2[%dma_wait3A, %dma_wait3A_7] : memref<5120x2048xf32, #tpu.memory_space<hbm>> -> memref<5120x2048xf32, #tpu.memory_space<hbm>>
    tpu.wait_indirect_dma semaphore(%arg8 : memref<!tpu.dma_semaphore, #tpu.memory_space<semaphore_mem>>) src(%dma_wait3A_8 : memref<5120x2048xf32, #tpu.memory_space<hbm>>) dst(%arg7 : memref<16x2048xf32, #tpu.memory_space<vmem>>)
    %add3A_9 = arith.constant 0 : i32
    %add3A_10 = arith.addi %add3A_9, %add3A_4 : i32
    "tpu.region"() ({
      %run_scoped3A = tpu.sem_alloc : memref<!tpu.dma_semaphore, #tpu.memory_space<semaphore_mem>>
      %dma_start3A_81 = arith.constant 0 : i32
      %dma_start3A_82 = tpu.memref_slice %arg5[%add3A_10, %dma_start3A_81] : memref<4096x2048xf32, #tpu.memory_space<hbm>> -> memref<16x2048xf32, #tpu.memory_space<hbm>>
      %dma_start3A_83 = arith.constant 0 : i32
      %dma_start3A_84 = tpu.memref_slice %arg5[%add3A_10, %dma_start3A_83] : memref<4096x2048xf32, #tpu.memory_space<hbm>> -> memref<16x2048xf32, #tpu.memory_space<hbm>>
      tpu.enqueue_dma source(%arg7 : memref<16x2048xf32, #tpu.memory_space<vmem>>) target(%dma_start3A_84 : memref<16x2048xf32, #tpu.memory_space<hbm>>) target_semaphore(%run_scoped3A : memref<!tpu.dma_semaphore, #tpu.memory_space<semaphore_mem>>)
      %dma_wait3A_85 = arith.constant 0 : i32
      %dma_wait3A_86 = tpu.memref_slice %arg5[%add3A_10, %dma_wait3A_85] : memref<4096x2048xf32, #tpu.memory_space<hbm>> -> memref<16x2048xf32, #tpu.memory_space<hbm>>
      %dma_wait3A_87 = arith.constant 0 : i32
      %dma_wait3A_88 = tpu.memref_slice %arg5[%add3A_10, %dma_wait3A_87] : memref<4096x2048xf32, #tpu.memory_space<hbm>> -> memref<16x2048xf32, #tpu.memory_space<hbm>>
      tpu.wait_dma2 semaphore(%run_scoped3A : memref<!tpu.dma_semaphore, #tpu.memory_space<semaphore_mem>>) src(%arg7 : memref<16x2048xf32, #tpu.memory_space<vmem>>) dst(%dma_wait3A_88 : memref<16x2048xf32, #tpu.memory_space<hbm>>)
      tpu.yield
    }) : () -> ()
    %add3A_11 = arith.constant 16 : i32
    %add3A_12 = arith.addi %mul3A_2, %add3A_11 : i32
    "tpu.region"() ({
      %run_scoped3A = tpu.sem_alloc : memref<!tpu.dma_semaphore, #tpu.memory_space<semaphore_mem>>
      %dma_start3A_81 = tpu.memref_slice %arg3[%add3A_12] : memref<2048xi32, #tpu.memory_space<hbm>> -> memref<16xi32, #tpu.memory_space<hbm>>
      %dma_start3A_82 = tpu.memref_slice %arg3[%add3A_12] : memref<2048xi32, #tpu.memory_space<hbm>> -> memref<16xi32, #tpu.memory_space<hbm>>
      tpu.enqueue_dma source(%dma_start3A_82 : memref<16xi32, #tpu.memory_space<hbm>>) target(%arg6 : memref<16xi32, #tpu.memory_space<vmem>>) target_semaphore(%run_scoped3A : memref<!tpu.dma_semaphore, #tpu.memory_space<semaphore_mem>>)
      %dma_wait3A_83 = tpu.memref_slice %arg3[%add3A_12] : memref<2048xi32, #tpu.memory_space<hbm>> -> memref<16xi32, #tpu.memory_space<hbm>>
      %dma_wait3A_84 = tpu.memref_slice %arg3[%add3A_12] : memref<2048xi32, #tpu.memory_space<hbm>> -> memref<16xi32, #tpu.memory_space<hbm>>
      tpu.wait_dma2 semaphore(%run_scoped3A : memref<!tpu.dma_semaphore, #tpu.memory_space<semaphore_mem>>) src(%dma_wait3A_84 : memref<16xi32, #tpu.memory_space<hbm>>) dst(%arg6 : memref<16xi32, #tpu.memory_space<vmem>>)
      tpu.yield
    }) : () -> ()
    %dma_start3A_13 = arith.constant 0 : i32
    %dma_start3A_14 = arith.constant 0 : i32
    %dma_start3A_15 = tpu.memref_slice %arg2[%dma_start3A_13, %dma_start3A_14] : memref<5120x2048xf32, #tpu.memory_space<hbm>> -> memref<5120x2048xf32, #tpu.memory_space<hbm>>
    tpu.enqueue_indirect_dma source(%dma_start3A_15 : memref<5120x2048xf32, #tpu.memory_space<hbm>>) target(%arg7 : memref<16x2048xf32, #tpu.memory_space<vmem>>) offsets(%arg6 : memref<16xi32, #tpu.memory_space<vmem>>) semaphore(%arg8 : memref<!tpu.dma_semaphore, #tpu.memory_space<semaphore_mem>>)
    %dma_wait3A_16 = arith.constant 0 : i32
    %dma_wait3A_17 = arith.constant 0 : i32
    %dma_wait3A_18 = tpu.memref_slice %arg2[%dma_wait3A_16, %dma_wait3A_17] : memref<5120x2048xf32, #tpu.memory_space<hbm>> -> memref<5120x2048xf32, #tpu.memory_space<hbm>>
    tpu.wait_indirect_dma semaphore(%arg8 : memref<!tpu.dma_semaphore, #tpu.memory_space<semaphore_mem>>) src(%dma_wait3A_18 : memref<5120x2048xf32, #tpu.memory_space<hbm>>) dst(%arg7 : memref<16x2048xf32, #tpu.memory_space<vmem>>)
    %add3A_19 = arith.constant 0 : i32
    %add3A_20 = arith.addi %add3A_19, %add3A_12 : i32
    "tpu.region"() ({
      %run_scoped3A = tpu.sem_alloc : memref<!tpu.dma_semaphore, #tpu.memory_space<semaphore_mem>>
      %dma_start3A_81 = arith.constant 0 : i32
      %dma_start3A_82 = tpu.memref_slice %arg5[%add3A_20, %dma_start3A_81] : memref<4096x2048xf32, #tpu.memory_space<hbm>> -> memref<16x2048xf32, #tpu.memory_space<hbm>>
      %dma_start3A_83 = arith.constant 0 : i32
      %dma_start3A_84 = tpu.memref_slice %arg5[%add3A_20, %dma_start3A_83] : memref<4096x2048xf32, #tpu.memory_space<hbm>> -> memref<16x2048xf32, #tpu.memory_space<hbm>>
      tpu.enqueue_dma source(%arg7 : memref<16x2048xf32, #tpu.memory_space<vmem>>) target(%dma_start3A_84 : memref<16x2048xf32, #tpu.memory_space<hbm>>) target_semaphore(%run_scoped3A : memref<!tpu.dma_semaphore, #tpu.memory_space<semaphore_mem>>)
      %dma_wait3A_85 = arith.constant 0 : i32
      %dma_wait3A_86 = tpu.memref_slice %arg5[%add3A_20, %dma_wait3A_85] : memref<4096x2048xf32, #tpu.memory_space<hbm>> -> memref<16x2048xf32, #tpu.memory_space<hbm>>
      %dma_wait3A_87 = arith.constant 0 : i32
      %dma_wait3A_88 = tpu.memref_slice %arg5[%add3A_20, %dma_wait3A_87] : memref<4096x2048xf32, #tpu.memory_space<hbm>> -> memref<16x2048xf32, #tpu.memory_space<hbm>>
      tpu.wait_dma2 semaphore(%run_scoped3A : memref<!tpu.dma_semaphore, #tpu.memory_space<semaphore_mem>>) src(%arg7 : memref<16x2048xf32, #tpu.memory_space<vmem>>) dst(%dma_wait3A_88 : memref<16x2048xf32, #tpu.memory_space<hbm>>)
      tpu.yield
    }) : () -> ()
    %add3A_21 = arith.constant 32 : i32
    %add3A_22 = arith.addi %mul3A_2, %add3A_21 : i32
    "tpu.region"() ({
      %run_scoped3A = tpu.sem_alloc : memref<!tpu.dma_semaphore, #tpu.memory_space<semaphore_mem>>
      %dma_start3A_81 = tpu.memref_slice %arg3[%add3A_22] : memref<2048xi32, #tpu.memory_space<hbm>> -> memref<16xi32, #tpu.memory_space<hbm>>
      %dma_start3A_82 = tpu.memref_slice %arg3[%add3A_22] : memref<2048xi32, #tpu.memory_space<hbm>> -> memref<16xi32, #tpu.memory_space<hbm>>
      tpu.enqueue_dma source(%dma_start3A_82 : memref<16xi32, #tpu.memory_space<hbm>>) target(%arg6 : memref<16xi32, #tpu.memory_space<vmem>>) target_semaphore(%run_scoped3A : memref<!tpu.dma_semaphore, #tpu.memory_space<semaphore_mem>>)
      %dma_wait3A_83 = tpu.memref_slice %arg3[%add3A_22] : memref<2048xi32, #tpu.memory_space<hbm>> -> memref<16xi32, #tpu.memory_space<hbm>>
      %dma_wait3A_84 = tpu.memref_slice %arg3[%add3A_22] : memref<2048xi32, #tpu.memory_space<hbm>> -> memref<16xi32, #tpu.memory_space<hbm>>
      tpu.wait_dma2 semaphore(%run_scoped3A : memref<!tpu.dma_semaphore, #tpu.memory_space<semaphore_mem>>) src(%dma_wait3A_84 : memref<16xi32, #tpu.memory_space<hbm>>) dst(%arg6 : memref<16xi32, #tpu.memory_space<vmem>>)
      tpu.yield
    }) : () -> ()
    %dma_start3A_23 = arith.constant 0 : i32
    %dma_start3A_24 = arith.constant 0 : i32
    %dma_start3A_25 = tpu.memref_slice %arg2[%dma_start3A_23, %dma_start3A_24] : memref<5120x2048xf32, #tpu.memory_space<hbm>> -> memref<5120x2048xf32, #tpu.memory_space<hbm>>
    tpu.enqueue_indirect_dma source(%dma_start3A_25 : memref<5120x2048xf32, #tpu.memory_space<hbm>>) target(%arg7 : memref<16x2048xf32, #tpu.memory_space<vmem>>) offsets(%arg6 : memref<16xi32, #tpu.memory_space<vmem>>) semaphore(%arg8 : memref<!tpu.dma_semaphore, #tpu.memory_space<semaphore_mem>>)
    %dma_wait3A_26 = arith.constant 0 : i32
    %dma_wait3A_27 = arith.constant 0 : i32
    %dma_wait3A_28 = tpu.memref_slice %arg2[%dma_wait3A_26, %dma_wait3A_27] : memref<5120x2048xf32, #tpu.memory_space<hbm>> -> memref<5120x2048xf32, #tpu.memory_space<hbm>>
    tpu.wait_indirect_dma semaphore(%arg8 : memref<!tpu.dma_semaphore, #tpu.memory_space<semaphore_mem>>) src(%dma_wait3A_28 : memref<5120x2048xf32, #tpu.memory_space<hbm>>) dst(%arg7 : memref<16x2048xf32, #tpu.memory_space<vmem>>)
    %add3A_29 = arith.constant 0 : i32
    %add3A_30 = arith.addi %add3A_29, %add3A_22 : i32
    "tpu.region"() ({
      %run_scoped3A = tpu.sem_alloc : memref<!tpu.dma_semaphore, #tpu.memory_space<semaphore_mem>>
      %dma_start3A_81 = arith.constant 0 : i32
      %dma_start3A_82 = tpu.memref_slice %arg5[%add3A_30, %dma_start3A_81] : memref<4096x2048xf32, #tpu.memory_space<hbm>> -> memref<16x2048xf32, #tpu.memory_space<hbm>>
      %dma_start3A_83 = arith.constant 0 : i32
      %dma_start3A_84 = tpu.memref_slice %arg5[%add3A_30, %dma_start3A_83] : memref<4096x2048xf32, #tpu.memory_space<hbm>> -> memref<16x2048xf32, #tpu.memory_space<hbm>>
      tpu.enqueue_dma source(%arg7 : memref<16x2048xf32, #tpu.memory_space<vmem>>) target(%dma_start3A_84 : memref<16x2048xf32, #tpu.memory_space<hbm>>) target_semaphore(%run_scoped3A : memref<!tpu.dma_semaphore, #tpu.memory_space<semaphore_mem>>)
      %dma_wait3A_85 = arith.constant 0 : i32
      %dma_wait3A_86 = tpu.memref_slice %arg5[%add3A_30, %dma_wait3A_85] : memref<4096x2048xf32, #tpu.memory_space<hbm>> -> memref<16x2048xf32, #tpu.memory_space<hbm>>
      %dma_wait3A_87 = arith.constant 0 : i32
      %dma_wait3A_88 = tpu.memref_slice %arg5[%add3A_30, %dma_wait3A_87] : memref<4096x2048xf32, #tpu.memory_space<hbm>> -> memref<16x2048xf32, #tpu.memory_space<hbm>>
      tpu.wait_dma2 semaphore(%run_scoped3A : memref<!tpu.dma_semaphore, #tpu.memory_space<semaphore_mem>>) src(%arg7 : memref<16x2048xf32, #tpu.memory_space<vmem>>) dst(%dma_wait3A_88 : memref<16x2048xf32, #tpu.memory_space<hbm>>)
      tpu.yield
    }) : () -> ()
    %add3A_31 = arith.constant 48 : i32
    %add3A_32 = arith.addi %mul3A_2, %add3A_31 : i32
    "tpu.region"() ({
      %run_scoped3A = tpu.sem_alloc : memref<!tpu.dma_semaphore, #tpu.memory_space<semaphore_mem>>
      %dma_start3A_81 = tpu.memref_slice %arg3[%add3A_32] : memref<2048xi32, #tpu.memory_space<hbm>> -> memref<16xi32, #tpu.memory_space<hbm>>
      %dma_start3A_82 = tpu.memref_slice %arg3[%add3A_32] : memref<2048xi32, #tpu.memory_space<hbm>> -> memref<16xi32, #tpu.memory_space<hbm>>
      tpu.enqueue_dma source(%dma_start3A_82 : memref<16xi32, #tpu.memory_space<hbm>>) target(%arg6 : memref<16xi32, #tpu.memory_space<vmem>>) target_semaphore(%run_scoped3A : memref<!tpu.dma_semaphore, #tpu.memory_space<semaphore_mem>>)
      %dma_wait3A_83 = tpu.memref_slice %arg3[%add3A_32] : memref<2048xi32, #tpu.memory_space<hbm>> -> memref<16xi32, #tpu.memory_space<hbm>>
      %dma_wait3A_84 = tpu.memref_slice %arg3[%add3A_32] : memref<2048xi32, #tpu.memory_space<hbm>> -> memref<16xi32, #tpu.memory_space<hbm>>
      tpu.wait_dma2 semaphore(%run_scoped3A : memref<!tpu.dma_semaphore, #tpu.memory_space<semaphore_mem>>) src(%dma_wait3A_84 : memref<16xi32, #tpu.memory_space<hbm>>) dst(%arg6 : memref<16xi32, #tpu.memory_space<vmem>>)
      tpu.yield
    }) : () -> ()
    %dma_start3A_33 = arith.constant 0 : i32
    %dma_start3A_34 = arith.constant 0 : i32
    %dma_start3A_35 = tpu.memref_slice %arg2[%dma_start3A_33, %dma_start3A_34] : memref<5120x2048xf32, #tpu.memory_space<hbm>> -> memref<5120x2048xf32, #tpu.memory_space<hbm>>
    tpu.enqueue_indirect_dma source(%dma_start3A_35 : memref<5120x2048xf32, #tpu.memory_space<hbm>>) target(%arg7 : memref<16x2048xf32, #tpu.memory_space<vmem>>) offsets(%arg6 : memref<16xi32, #tpu.memory_space<vmem>>) semaphore(%arg8 : memref<!tpu.dma_semaphore, #tpu.memory_space<semaphore_mem>>)
    %dma_wait3A_36 = arith.constant 0 : i32
    %dma_wait3A_37 = arith.constant 0 : i32
    %dma_wait3A_38 = tpu.memref_slice %arg2[%dma_wait3A_36, %dma_wait3A_37] : memref<5120x2048xf32, #tpu.memory_space<hbm>> -> memref<5120x2048xf32, #tpu.memory_space<hbm>>
    tpu.wait_indirect_dma semaphore(%arg8 : memref<!tpu.dma_semaphore, #tpu.memory_space<semaphore_mem>>) src(%dma_wait3A_38 : memref<5120x2048xf32, #tpu.memory_space<hbm>>) dst(%arg7 : memref<16x2048xf32, #tpu.memory_space<vmem>>)
    %add3A_39 = arith.constant 0 : i32
    %add3A_40 = arith.addi %add3A_39, %add3A_32 : i32
    "tpu.region"() ({
      %run_scoped3A = tpu.sem_alloc : memref<!tpu.dma_semaphore, #tpu.memory_space<semaphore_mem>>
      %dma_start3A_81 = arith.constant 0 : i32
      %dma_start3A_82 = tpu.memref_slice %arg5[%add3A_40, %dma_start3A_81] : memref<4096x2048xf32, #tpu.memory_space<hbm>> -> memref<16x2048xf32, #tpu.memory_space<hbm>>
      %dma_start3A_83 = arith.constant 0 : i32
      %dma_start3A_84 = tpu.memref_slice %arg5[%add3A_40, %dma_start3A_83] : memref<4096x2048xf32, #tpu.memory_space<hbm>> -> memref<16x2048xf32, #tpu.memory_space<hbm>>
      tpu.enqueue_dma source(%arg7 : memref<16x2048xf32, #tpu.memory_space<vmem>>) target(%dma_start3A_84 : memref<16x2048xf32, #tpu.memory_space<hbm>>) target_semaphore(%run_scoped3A : memref<!tpu.dma_semaphore, #tpu.memory_space<semaphore_mem>>)
      %dma_wait3A_85 = arith.constant 0 : i32
      %dma_wait3A_86 = tpu.memref_slice %arg5[%add3A_40, %dma_wait3A_85] : memref<4096x2048xf32, #tpu.memory_space<hbm>> -> memref<16x2048xf32, #tpu.memory_space<hbm>>
      %dma_wait3A_87 = arith.constant 0 : i32
      %dma_wait3A_88 = tpu.memref_slice %arg5[%add3A_40, %dma_wait3A_87] : memref<4096x2048xf32, #tpu.memory_space<hbm>> -> memref<16x2048xf32, #tpu.memory_space<hbm>>
      tpu.wait_dma2 semaphore(%run_scoped3A : memref<!tpu.dma_semaphore, #tpu.memory_space<semaphore_mem>>) src(%arg7 : memref<16x2048xf32, #tpu.memory_space<vmem>>) dst(%dma_wait3A_88 : memref<16x2048xf32, #tpu.memory_space<hbm>>)
      tpu.yield
    }) : () -> ()
    %add3A_41 = arith.constant 0 : i32
    %add3A_42 = arith.addi %mul3A_2, %add3A_41 : i32
    "tpu.region"() ({
      %run_scoped3A = tpu.sem_alloc : memref<!tpu.dma_semaphore, #tpu.memory_space<semaphore_mem>>
      %dma_start3A_81 = tpu.memref_slice %arg4[%add3A_42] : memref<2048xi32, #tpu.memory_space<hbm>> -> memref<16xi32, #tpu.memory_space<hbm>>
      %dma_start3A_82 = tpu.memref_slice %arg4[%add3A_42] : memref<2048xi32, #tpu.memory_space<hbm>> -> memref<16xi32, #tpu.memory_space<hbm>>
      tpu.enqueue_dma source(%dma_start3A_82 : memref<16xi32, #tpu.memory_space<hbm>>) target(%arg6 : memref<16xi32, #tpu.memory_space<vmem>>) target_semaphore(%run_scoped3A : memref<!tpu.dma_semaphore, #tpu.memory_space<semaphore_mem>>)
      %dma_wait3A_83 = tpu.memref_slice %arg4[%add3A_42] : memref<2048xi32, #tpu.memory_space<hbm>> -> memref<16xi32, #tpu.memory_space<hbm>>
      %dma_wait3A_84 = tpu.memref_slice %arg4[%add3A_42] : memref<2048xi32, #tpu.memory_space<hbm>> -> memref<16xi32, #tpu.memory_space<hbm>>
      tpu.wait_dma2 semaphore(%run_scoped3A : memref<!tpu.dma_semaphore, #tpu.memory_space<semaphore_mem>>) src(%dma_wait3A_84 : memref<16xi32, #tpu.memory_space<hbm>>) dst(%arg6 : memref<16xi32, #tpu.memory_space<vmem>>)
      tpu.yield
    }) : () -> ()
    %dma_start3A_43 = arith.constant 0 : i32
    %dma_start3A_44 = arith.constant 0 : i32
    %dma_start3A_45 = tpu.memref_slice %arg2[%dma_start3A_43, %dma_start3A_44] : memref<5120x2048xf32, #tpu.memory_space<hbm>> -> memref<5120x2048xf32, #tpu.memory_space<hbm>>
    tpu.enqueue_indirect_dma source(%dma_start3A_45 : memref<5120x2048xf32, #tpu.memory_space<hbm>>) target(%arg7 : memref<16x2048xf32, #tpu.memory_space<vmem>>) offsets(%arg6 : memref<16xi32, #tpu.memory_space<vmem>>) semaphore(%arg8 : memref<!tpu.dma_semaphore, #tpu.memory_space<semaphore_mem>>)
    %dma_wait3A_46 = arith.constant 0 : i32
    %dma_wait3A_47 = arith.constant 0 : i32
    %dma_wait3A_48 = tpu.memref_slice %arg2[%dma_wait3A_46, %dma_wait3A_47] : memref<5120x2048xf32, #tpu.memory_space<hbm>> -> memref<5120x2048xf32, #tpu.memory_space<hbm>>
    tpu.wait_indirect_dma semaphore(%arg8 : memref<!tpu.dma_semaphore, #tpu.memory_space<semaphore_mem>>) src(%dma_wait3A_48 : memref<5120x2048xf32, #tpu.memory_space<hbm>>) dst(%arg7 : memref<16x2048xf32, #tpu.memory_space<vmem>>)
    %add3A_49 = arith.constant 2048 : i32
    %add3A_50 = arith.addi %add3A_49, %add3A_42 : i32
    "tpu.region"() ({
      %run_scoped3A = tpu.sem_alloc : memref<!tpu.dma_semaphore, #tpu.memory_space<semaphore_mem>>
      %dma_start3A_81 = arith.constant 0 : i32
      %dma_start3A_82 = tpu.memref_slice %arg5[%add3A_50, %dma_start3A_81] : memref<4096x2048xf32, #tpu.memory_space<hbm>> -> memref<16x2048xf32, #tpu.memory_space<hbm>>
      %dma_start3A_83 = arith.constant 0 : i32
      %dma_start3A_84 = tpu.memref_slice %arg5[%add3A_50, %dma_start3A_83] : memref<4096x2048xf32, #tpu.memory_space<hbm>> -> memref<16x2048xf32, #tpu.memory_space<hbm>>
      tpu.enqueue_dma source(%arg7 : memref<16x2048xf32, #tpu.memory_space<vmem>>) target(%dma_start3A_84 : memref<16x2048xf32, #tpu.memory_space<hbm>>) target_semaphore(%run_scoped3A : memref<!tpu.dma_semaphore, #tpu.memory_space<semaphore_mem>>)
      %dma_wait3A_85 = arith.constant 0 : i32
      %dma_wait3A_86 = tpu.memref_slice %arg5[%add3A_50, %dma_wait3A_85] : memref<4096x2048xf32, #tpu.memory_space<hbm>> -> memref<16x2048xf32, #tpu.memory_space<hbm>>
      %dma_wait3A_87 = arith.constant 0 : i32
      %dma_wait3A_88 = tpu.memref_slice %arg5[%add3A_50, %dma_wait3A_87] : memref<4096x2048xf32, #tpu.memory_space<hbm>> -> memref<16x2048xf32, #tpu.memory_space<hbm>>
      tpu.wait_dma2 semaphore(%run_scoped3A : memref<!tpu.dma_semaphore, #tpu.memory_space<semaphore_mem>>) src(%arg7 : memref<16x2048xf32, #tpu.memory_space<vmem>>) dst(%dma_wait3A_88 : memref<16x2048xf32, #tpu.memory_space<hbm>>)
      tpu.yield
    }) : () -> ()
    %add3A_51 = arith.constant 16 : i32
    %add3A_52 = arith.addi %mul3A_2, %add3A_51 : i32
    "tpu.region"() ({
      %run_scoped3A = tpu.sem_alloc : memref<!tpu.dma_semaphore, #tpu.memory_space<semaphore_mem>>
      %dma_start3A_81 = tpu.memref_slice %arg4[%add3A_52] : memref<2048xi32, #tpu.memory_space<hbm>> -> memref<16xi32, #tpu.memory_space<hbm>>
      %dma_start3A_82 = tpu.memref_slice %arg4[%add3A_52] : memref<2048xi32, #tpu.memory_space<hbm>> -> memref<16xi32, #tpu.memory_space<hbm>>
      tpu.enqueue_dma source(%dma_start3A_82 : memref<16xi32, #tpu.memory_space<hbm>>) target(%arg6 : memref<16xi32, #tpu.memory_space<vmem>>) target_semaphore(%run_scoped3A : memref<!tpu.dma_semaphore, #tpu.memory_space<semaphore_mem>>)
      %dma_wait3A_83 = tpu.memref_slice %arg4[%add3A_52] : memref<2048xi32, #tpu.memory_space<hbm>> -> memref<16xi32, #tpu.memory_space<hbm>>
      %dma_wait3A_84 = tpu.memref_slice %arg4[%add3A_52] : memref<2048xi32, #tpu.memory_space<hbm>> -> memref<16xi32, #tpu.memory_space<hbm>>
      tpu.wait_dma2 semaphore(%run_scoped3A : memref<!tpu.dma_semaphore, #tpu.memory_space<semaphore_mem>>) src(%dma_wait3A_84 : memref<16xi32, #tpu.memory_space<hbm>>) dst(%arg6 : memref<16xi32, #tpu.memory_space<vmem>>)
      tpu.yield
    }) : () -> ()
    %dma_start3A_53 = arith.constant 0 : i32
    %dma_start3A_54 = arith.constant 0 : i32
    %dma_start3A_55 = tpu.memref_slice %arg2[%dma_start3A_53, %dma_start3A_54] : memref<5120x2048xf32, #tpu.memory_space<hbm>> -> memref<5120x2048xf32, #tpu.memory_space<hbm>>
    tpu.enqueue_indirect_dma source(%dma_start3A_55 : memref<5120x2048xf32, #tpu.memory_space<hbm>>) target(%arg7 : memref<16x2048xf32, #tpu.memory_space<vmem>>) offsets(%arg6 : memref<16xi32, #tpu.memory_space<vmem>>) semaphore(%arg8 : memref<!tpu.dma_semaphore, #tpu.memory_space<semaphore_mem>>)
    %dma_wait3A_56 = arith.constant 0 : i32
    %dma_wait3A_57 = arith.constant 0 : i32
    %dma_wait3A_58 = tpu.memref_slice %arg2[%dma_wait3A_56, %dma_wait3A_57] : memref<5120x2048xf32, #tpu.memory_space<hbm>> -> memref<5120x2048xf32, #tpu.memory_space<hbm>>
    tpu.wait_indirect_dma semaphore(%arg8 : memref<!tpu.dma_semaphore, #tpu.memory_space<semaphore_mem>>) src(%dma_wait3A_58 : memref<5120x2048xf32, #tpu.memory_space<hbm>>) dst(%arg7 : memref<16x2048xf32, #tpu.memory_space<vmem>>)
    %add3A_59 = arith.constant 2048 : i32
    %add3A_60 = arith.addi %add3A_59, %add3A_52 : i32
    "tpu.region"() ({
      %run_scoped3A = tpu.sem_alloc : memref<!tpu.dma_semaphore, #tpu.memory_space<semaphore_mem>>
      %dma_start3A_81 = arith.constant 0 : i32
      %dma_start3A_82 = tpu.memref_slice %arg5[%add3A_60, %dma_start3A_81] : memref<4096x2048xf32, #tpu.memory_space<hbm>> -> memref<16x2048xf32, #tpu.memory_space<hbm>>
      %dma_start3A_83 = arith.constant 0 : i32
      %dma_start3A_84 = tpu.memref_slice %arg5[%add3A_60, %dma_start3A_83] : memref<4096x2048xf32, #tpu.memory_space<hbm>> -> memref<16x2048xf32, #tpu.memory_space<hbm>>
      tpu.enqueue_dma source(%arg7 : memref<16x2048xf32, #tpu.memory_space<vmem>>) target(%dma_start3A_84 : memref<16x2048xf32, #tpu.memory_space<hbm>>) target_semaphore(%run_scoped3A : memref<!tpu.dma_semaphore, #tpu.memory_space<semaphore_mem>>)
      %dma_wait3A_85 = arith.constant 0 : i32
      %dma_wait3A_86 = tpu.memref_slice %arg5[%add3A_60, %dma_wait3A_85] : memref<4096x2048xf32, #tpu.memory_space<hbm>> -> memref<16x2048xf32, #tpu.memory_space<hbm>>
      %dma_wait3A_87 = arith.constant 0 : i32
      %dma_wait3A_88 = tpu.memref_slice %arg5[%add3A_60, %dma_wait3A_87] : memref<4096x2048xf32, #tpu.memory_space<hbm>> -> memref<16x2048xf32, #tpu.memory_space<hbm>>
      tpu.wait_dma2 semaphore(%run_scoped3A : memref<!tpu.dma_semaphore, #tpu.memory_space<semaphore_mem>>) src(%arg7 : memref<16x2048xf32, #tpu.memory_space<vmem>>) dst(%dma_wait3A_88 : memref<16x2048xf32, #tpu.memory_space<hbm>>)
      tpu.yield
    }) : () -> ()
    %add3A_61 = arith.constant 32 : i32
    %add3A_62 = arith.addi %mul3A_2, %add3A_61 : i32
    "tpu.region"() ({
      %run_scoped3A = tpu.sem_alloc : memref<!tpu.dma_semaphore, #tpu.memory_space<semaphore_mem>>
      %dma_start3A_81 = tpu.memref_slice %arg4[%add3A_62] : memref<2048xi32, #tpu.memory_space<hbm>> -> memref<16xi32, #tpu.memory_space<hbm>>
      %dma_start3A_82 = tpu.memref_slice %arg4[%add3A_62] : memref<2048xi32, #tpu.memory_space<hbm>> -> memref<16xi32, #tpu.memory_space<hbm>>
      tpu.enqueue_dma source(%dma_start3A_82 : memref<16xi32, #tpu.memory_space<hbm>>) target(%arg6 : memref<16xi32, #tpu.memory_space<vmem>>) target_semaphore(%run_scoped3A : memref<!tpu.dma_semaphore, #tpu.memory_space<semaphore_mem>>)
      %dma_wait3A_83 = tpu.memref_slice %arg4[%add3A_62] : memref<2048xi32, #tpu.memory_space<hbm>> -> memref<16xi32, #tpu.memory_space<hbm>>
      %dma_wait3A_84 = tpu.memref_slice %arg4[%add3A_62] : memref<2048xi32, #tpu.memory_space<hbm>> -> memref<16xi32, #tpu.memory_space<hbm>>
      tpu.wait_dma2 semaphore(%run_scoped3A : memref<!tpu.dma_semaphore, #tpu.memory_space<semaphore_mem>>) src(%dma_wait3A_84 : memref<16xi32, #tpu.memory_space<hbm>>) dst(%arg6 : memref<16xi32, #tpu.memory_space<vmem>>)
      tpu.yield
    }) : () -> ()
    %dma_start3A_63 = arith.constant 0 : i32
    %dma_start3A_64 = arith.constant 0 : i32
    %dma_start3A_65 = tpu.memref_slice %arg2[%dma_start3A_63, %dma_start3A_64] : memref<5120x2048xf32, #tpu.memory_space<hbm>> -> memref<5120x2048xf32, #tpu.memory_space<hbm>>
    tpu.enqueue_indirect_dma source(%dma_start3A_65 : memref<5120x2048xf32, #tpu.memory_space<hbm>>) target(%arg7 : memref<16x2048xf32, #tpu.memory_space<vmem>>) offsets(%arg6 : memref<16xi32, #tpu.memory_space<vmem>>) semaphore(%arg8 : memref<!tpu.dma_semaphore, #tpu.memory_space<semaphore_mem>>)
    %dma_wait3A_66 = arith.constant 0 : i32
    %dma_wait3A_67 = arith.constant 0 : i32
    %dma_wait3A_68 = tpu.memref_slice %arg2[%dma_wait3A_66, %dma_wait3A_67] : memref<5120x2048xf32, #tpu.memory_space<hbm>> -> memref<5120x2048xf32, #tpu.memory_space<hbm>>
    tpu.wait_indirect_dma semaphore(%arg8 : memref<!tpu.dma_semaphore, #tpu.memory_space<semaphore_mem>>) src(%dma_wait3A_68 : memref<5120x2048xf32, #tpu.memory_space<hbm>>) dst(%arg7 : memref<16x2048xf32, #tpu.memory_space<vmem>>)
    %add3A_69 = arith.constant 2048 : i32
    %add3A_70 = arith.addi %add3A_69, %add3A_62 : i32
    "tpu.region"() ({
      %run_scoped3A = tpu.sem_alloc : memref<!tpu.dma_semaphore, #tpu.memory_space<semaphore_mem>>
      %dma_start3A_81 = arith.constant 0 : i32
      %dma_start3A_82 = tpu.memref_slice %arg5[%add3A_70, %dma_start3A_81] : memref<4096x2048xf32, #tpu.memory_space<hbm>> -> memref<16x2048xf32, #tpu.memory_space<hbm>>
      %dma_start3A_83 = arith.constant 0 : i32
      %dma_start3A_84 = tpu.memref_slice %arg5[%add3A_70, %dma_start3A_83] : memref<4096x2048xf32, #tpu.memory_space<hbm>> -> memref<16x2048xf32, #tpu.memory_space<hbm>>
      tpu.enqueue_dma source(%arg7 : memref<16x2048xf32, #tpu.memory_space<vmem>>) target(%dma_start3A_84 : memref<16x2048xf32, #tpu.memory_space<hbm>>) target_semaphore(%run_scoped3A : memref<!tpu.dma_semaphore, #tpu.memory_space<semaphore_mem>>)
      %dma_wait3A_85 = arith.constant 0 : i32
      %dma_wait3A_86 = tpu.memref_slice %arg5[%add3A_70, %dma_wait3A_85] : memref<4096x2048xf32, #tpu.memory_space<hbm>> -> memref<16x2048xf32, #tpu.memory_space<hbm>>
      %dma_wait3A_87 = arith.constant 0 : i32
      %dma_wait3A_88 = tpu.memref_slice %arg5[%add3A_70, %dma_wait3A_87] : memref<4096x2048xf32, #tpu.memory_space<hbm>> -> memref<16x2048xf32, #tpu.memory_space<hbm>>
      tpu.wait_dma2 semaphore(%run_scoped3A : memref<!tpu.dma_semaphore, #tpu.memory_space<semaphore_mem>>) src(%arg7 : memref<16x2048xf32, #tpu.memory_space<vmem>>) dst(%dma_wait3A_88 : memref<16x2048xf32, #tpu.memory_space<hbm>>)
      tpu.yield
    }) : () -> ()
    %add3A_71 = arith.constant 48 : i32
    %add3A_72 = arith.addi %mul3A_2, %add3A_71 : i32
    "tpu.region"() ({
      %run_scoped3A = tpu.sem_alloc : memref<!tpu.dma_semaphore, #tpu.memory_space<semaphore_mem>>
      %dma_start3A_81 = tpu.memref_slice %arg4[%add3A_72] : memref<2048xi32, #tpu.memory_space<hbm>> -> memref<16xi32, #tpu.memory_space<hbm>>
      %dma_start3A_82 = tpu.memref_slice %arg4[%add3A_72] : memref<2048xi32, #tpu.memory_space<hbm>> -> memref<16xi32, #tpu.memory_space<hbm>>
      tpu.enqueue_dma source(%dma_start3A_82 : memref<16xi32, #tpu.memory_space<hbm>>) target(%arg6 : memref<16xi32, #tpu.memory_space<vmem>>) target_semaphore(%run_scoped3A : memref<!tpu.dma_semaphore, #tpu.memory_space<semaphore_mem>>)
      %dma_wait3A_83 = tpu.memref_slice %arg4[%add3A_72] : memref<2048xi32, #tpu.memory_space<hbm>> -> memref<16xi32, #tpu.memory_space<hbm>>
      %dma_wait3A_84 = tpu.memref_slice %arg4[%add3A_72] : memref<2048xi32, #tpu.memory_space<hbm>> -> memref<16xi32, #tpu.memory_space<hbm>>
      tpu.wait_dma2 semaphore(%run_scoped3A : memref<!tpu.dma_semaphore, #tpu.memory_space<semaphore_mem>>) src(%dma_wait3A_84 : memref<16xi32, #tpu.memory_space<hbm>>) dst(%arg6 : memref<16xi32, #tpu.memory_space<vmem>>)
      tpu.yield
    }) : () -> ()
    %dma_start3A_73 = arith.constant 0 : i32
    %dma_start3A_74 = arith.constant 0 : i32
    %dma_start3A_75 = tpu.memref_slice %arg2[%dma_start3A_73, %dma_start3A_74] : memref<5120x2048xf32, #tpu.memory_space<hbm>> -> memref<5120x2048xf32, #tpu.memory_space<hbm>>
    tpu.enqueue_indirect_dma source(%dma_start3A_75 : memref<5120x2048xf32, #tpu.memory_space<hbm>>) target(%arg7 : memref<16x2048xf32, #tpu.memory_space<vmem>>) offsets(%arg6 : memref<16xi32, #tpu.memory_space<vmem>>) semaphore(%arg8 : memref<!tpu.dma_semaphore, #tpu.memory_space<semaphore_mem>>)
    %dma_wait3A_76 = arith.constant 0 : i32
    %dma_wait3A_77 = arith.constant 0 : i32
    %dma_wait3A_78 = tpu.memref_slice %arg2[%dma_wait3A_76, %dma_wait3A_77] : memref<5120x2048xf32, #tpu.memory_space<hbm>> -> memref<5120x2048xf32, #tpu.memory_space<hbm>>
    tpu.wait_indirect_dma semaphore(%arg8 : memref<!tpu.dma_semaphore, #tpu.memory_space<semaphore_mem>>) src(%dma_wait3A_78 : memref<5120x2048xf32, #tpu.memory_space<hbm>>) dst(%arg7 : memref<16x2048xf32, #tpu.memory_space<vmem>>)
    %add3A_79 = arith.constant 2048 : i32
    %add3A_80 = arith.addi %add3A_79, %add3A_72 : i32
    "tpu.region"() ({
      %run_scoped3A = tpu.sem_alloc : memref<!tpu.dma_semaphore, #tpu.memory_space<semaphore_mem>>
      %dma_start3A_81 = arith.constant 0 : i32
      %dma_start3A_82 = tpu.memref_slice %arg5[%add3A_80, %dma_start3A_81] : memref<4096x2048xf32, #tpu.memory_space<hbm>> -> memref<16x2048xf32, #tpu.memory_space<hbm>>
      %dma_start3A_83 = arith.constant 0 : i32
      %dma_start3A_84 = tpu.memref_slice %arg5[%add3A_80, %dma_start3A_83] : memref<4096x2048xf32, #tpu.memory_space<hbm>> -> memref<16x2048xf32, #tpu.memory_space<hbm>>
      tpu.enqueue_dma source(%arg7 : memref<16x2048xf32, #tpu.memory_space<vmem>>) target(%dma_start3A_84 : memref<16x2048xf32, #tpu.memory_space<hbm>>) target_semaphore(%run_scoped3A : memref<!tpu.dma_semaphore, #tpu.memory_space<semaphore_mem>>)
      %dma_wait3A_85 = arith.constant 0 : i32
      %dma_wait3A_86 = tpu.memref_slice %arg5[%add3A_80, %dma_wait3A_85] : memref<4096x2048xf32, #tpu.memory_space<hbm>> -> memref<16x2048xf32, #tpu.memory_space<hbm>>
      %dma_wait3A_87 = arith.constant 0 : i32
      %dma_wait3A_88 = tpu.memref_slice %arg5[%add3A_80, %dma_wait3A_87] : memref<4096x2048xf32, #tpu.memory_space<hbm>> -> memref<16x2048xf32, #tpu.memory_space<hbm>>
      tpu.wait_dma2 semaphore(%run_scoped3A : memref<!tpu.dma_semaphore, #tpu.memory_space<semaphore_mem>>) src(%arg7 : memref<16x2048xf32, #tpu.memory_space<vmem>>) dst(%dma_wait3A_88 : memref<16x2048xf32, #tpu.memory_space<hbm>>)
      tpu.yield
    }) : () -> ()
    return
  }
}

#map = affine_map<(d0, d1) -> (0, 0)>
#map1 = affine_map<(d0, d1) -> (0)>
module attributes {stable_mosaic.version = 14 : i64} {
  func.func @k(%arg0: i32, %arg1: i32, %arg2: memref<2048x2048xf32, #tpu.memory_space<hbm>>, %arg3: memref<2048xi32, #tpu.memory_space<hbm>>, %arg4: memref<2048xi32, #tpu.memory_space<hbm>>, %arg5: memref<5120x2048xf32, #tpu.memory_space<hbm>>, %arg6: memref<16xi32, #tpu.memory_space<vmem>>, %arg7: memref<16xi32, #tpu.memory_space<vmem>>, %arg8: memref<16x2048xf32, #tpu.memory_space<vmem>>, %arg9: memref<!tpu.dma_semaphore, #tpu.memory_space<semaphore_mem>>) attributes {dimension_semantics = [#tpu.dimension_semantics<core_parallel>, #tpu.dimension_semantics<subcore_parallel>], iteration_bounds = array<i64: 2, 16>, scalar_prefetch = 0 : i64, scratch_operands = 4 : i64, tpu.core_type = #tpu.core_type<sc_vector_subcore>, window_params = [{transform_indices = #map}, {transform_indices = #map1}, {transform_indices = #map1}, {transform_indices = #map}]} {
    %mul3A = arith.constant 2 : i32
    %mul3A_0 = arith.muli %arg1, %mul3A : i32
    %add3A = arith.addi %mul3A_0, %arg0 : i32
    %mul3A_1 = arith.constant 64 : i32
    %mul3A_2 = arith.muli %add3A, %mul3A_1 : i32
    %add3A_3 = arith.constant 0 : i32
    %add3A_4 = arith.addi %mul3A_2, %add3A_3 : i32
    "tpu.region"() ({
      %run_scoped3A = tpu.sem_alloc : memref<!tpu.dma_semaphore, #tpu.memory_space<semaphore_mem>>
      %dma_start3A_57 = tpu.memref_slice %arg3[%add3A_4] : memref<2048xi32, #tpu.memory_space<hbm>> -> memref<16xi32, #tpu.memory_space<hbm>>
      %dma_start3A_58 = tpu.memref_slice %arg3[%add3A_4] : memref<2048xi32, #tpu.memory_space<hbm>> -> memref<16xi32, #tpu.memory_space<hbm>>
      tpu.enqueue_dma source(%dma_start3A_58 : memref<16xi32, #tpu.memory_space<hbm>>) target(%arg6 : memref<16xi32, #tpu.memory_space<vmem>>) target_semaphore(%run_scoped3A : memref<!tpu.dma_semaphore, #tpu.memory_space<semaphore_mem>>)
      %dma_wait3A_59 = tpu.memref_slice %arg3[%add3A_4] : memref<2048xi32, #tpu.memory_space<hbm>> -> memref<16xi32, #tpu.memory_space<hbm>>
      %dma_wait3A_60 = tpu.memref_slice %arg3[%add3A_4] : memref<2048xi32, #tpu.memory_space<hbm>> -> memref<16xi32, #tpu.memory_space<hbm>>
      tpu.wait_dma2 semaphore(%run_scoped3A : memref<!tpu.dma_semaphore, #tpu.memory_space<semaphore_mem>>) src(%dma_wait3A_60 : memref<16xi32, #tpu.memory_space<hbm>>) dst(%arg6 : memref<16xi32, #tpu.memory_space<vmem>>)
      tpu.yield
    }) : () -> ()
    "tpu.region"() ({
      %run_scoped3A = tpu.sem_alloc : memref<!tpu.dma_semaphore, #tpu.memory_space<semaphore_mem>>
      %dma_start3A_57 = tpu.memref_slice %arg4[%add3A_4] : memref<2048xi32, #tpu.memory_space<hbm>> -> memref<16xi32, #tpu.memory_space<hbm>>
      %dma_start3A_58 = tpu.memref_slice %arg4[%add3A_4] : memref<2048xi32, #tpu.memory_space<hbm>> -> memref<16xi32, #tpu.memory_space<hbm>>
      tpu.enqueue_dma source(%dma_start3A_58 : memref<16xi32, #tpu.memory_space<hbm>>) target(%arg7 : memref<16xi32, #tpu.memory_space<vmem>>) target_semaphore(%run_scoped3A : memref<!tpu.dma_semaphore, #tpu.memory_space<semaphore_mem>>)
      %dma_wait3A_59 = tpu.memref_slice %arg4[%add3A_4] : memref<2048xi32, #tpu.memory_space<hbm>> -> memref<16xi32, #tpu.memory_space<hbm>>
      %dma_wait3A_60 = tpu.memref_slice %arg4[%add3A_4] : memref<2048xi32, #tpu.memory_space<hbm>> -> memref<16xi32, #tpu.memory_space<hbm>>
      tpu.wait_dma2 semaphore(%run_scoped3A : memref<!tpu.dma_semaphore, #tpu.memory_space<semaphore_mem>>) src(%dma_wait3A_60 : memref<16xi32, #tpu.memory_space<hbm>>) dst(%arg7 : memref<16xi32, #tpu.memory_space<vmem>>)
      tpu.yield
    }) : () -> ()
    "tpu.region"() ({
      %run_scoped3A = tpu.sem_alloc : memref<!tpu.dma_semaphore, #tpu.memory_space<semaphore_mem>>
      %dma_start3A_57 = arith.constant 0 : i32
      %dma_start3A_58 = tpu.memref_slice %arg2[%add3A_4, %dma_start3A_57] : memref<2048x2048xf32, #tpu.memory_space<hbm>> -> memref<16x2048xf32, #tpu.memory_space<hbm>>
      %dma_start3A_59 = arith.constant 0 : i32
      %dma_start3A_60 = tpu.memref_slice %arg2[%add3A_4, %dma_start3A_59] : memref<2048x2048xf32, #tpu.memory_space<hbm>> -> memref<16x2048xf32, #tpu.memory_space<hbm>>
      tpu.enqueue_dma source(%dma_start3A_60 : memref<16x2048xf32, #tpu.memory_space<hbm>>) target(%arg8 : memref<16x2048xf32, #tpu.memory_space<vmem>>) target_semaphore(%run_scoped3A : memref<!tpu.dma_semaphore, #tpu.memory_space<semaphore_mem>>)
      %dma_wait3A_61 = arith.constant 0 : i32
      %dma_wait3A_62 = tpu.memref_slice %arg2[%add3A_4, %dma_wait3A_61] : memref<2048x2048xf32, #tpu.memory_space<hbm>> -> memref<16x2048xf32, #tpu.memory_space<hbm>>
      %dma_wait3A_63 = arith.constant 0 : i32
      %dma_wait3A_64 = tpu.memref_slice %arg2[%add3A_4, %dma_wait3A_63] : memref<2048x2048xf32, #tpu.memory_space<hbm>> -> memref<16x2048xf32, #tpu.memory_space<hbm>>
      tpu.wait_dma2 semaphore(%run_scoped3A : memref<!tpu.dma_semaphore, #tpu.memory_space<semaphore_mem>>) src(%dma_wait3A_64 : memref<16x2048xf32, #tpu.memory_space<hbm>>) dst(%arg8 : memref<16x2048xf32, #tpu.memory_space<vmem>>)
      tpu.yield
    }) : () -> ()
    %dma_start3A = arith.constant 0 : i32
    %dma_start3A_5 = arith.constant 0 : i32
    %dma_start3A_6 = tpu.memref_slice %arg5[%dma_start3A, %dma_start3A_5] : memref<5120x2048xf32, #tpu.memory_space<hbm>> -> memref<5120x2048xf32, #tpu.memory_space<hbm>>
    tpu.enqueue_indirect_dma source(%arg8 : memref<16x2048xf32, #tpu.memory_space<vmem>>) target(%dma_start3A_6 : memref<5120x2048xf32, #tpu.memory_space<hbm>>) offsets(%arg6 : memref<16xi32, #tpu.memory_space<vmem>>) semaphore(%arg9 : memref<!tpu.dma_semaphore, #tpu.memory_space<semaphore_mem>>)
    %dma_wait3A = arith.constant 0 : i32
    %dma_wait3A_7 = arith.constant 0 : i32
    %dma_wait3A_8 = tpu.memref_slice %arg5[%dma_wait3A, %dma_wait3A_7] : memref<5120x2048xf32, #tpu.memory_space<hbm>> -> memref<5120x2048xf32, #tpu.memory_space<hbm>>
    tpu.wait_indirect_dma semaphore(%arg9 : memref<!tpu.dma_semaphore, #tpu.memory_space<semaphore_mem>>) src(%arg8 : memref<16x2048xf32, #tpu.memory_space<vmem>>) dst(%dma_wait3A_8 : memref<5120x2048xf32, #tpu.memory_space<hbm>>)
    %dma_start3A_9 = arith.constant 0 : i32
    %dma_start3A_10 = arith.constant 0 : i32
    %dma_start3A_11 = tpu.memref_slice %arg5[%dma_start3A_9, %dma_start3A_10] : memref<5120x2048xf32, #tpu.memory_space<hbm>> -> memref<5120x2048xf32, #tpu.memory_space<hbm>>
    tpu.enqueue_indirect_dma source(%arg8 : memref<16x2048xf32, #tpu.memory_space<vmem>>) target(%dma_start3A_11 : memref<5120x2048xf32, #tpu.memory_space<hbm>>) offsets(%arg7 : memref<16xi32, #tpu.memory_space<vmem>>) semaphore(%arg9 : memref<!tpu.dma_semaphore, #tpu.memory_space<semaphore_mem>>)
    %dma_wait3A_12 = arith.constant 0 : i32
    %dma_wait3A_13 = arith.constant 0 : i32
    %dma_wait3A_14 = tpu.memref_slice %arg5[%dma_wait3A_12, %dma_wait3A_13] : memref<5120x2048xf32, #tpu.memory_space<hbm>> -> memref<5120x2048xf32, #tpu.memory_space<hbm>>
    tpu.wait_indirect_dma semaphore(%arg9 : memref<!tpu.dma_semaphore, #tpu.memory_space<semaphore_mem>>) src(%arg8 : memref<16x2048xf32, #tpu.memory_space<vmem>>) dst(%dma_wait3A_14 : memref<5120x2048xf32, #tpu.memory_space<hbm>>)
    %add3A_15 = arith.constant 16 : i32
    %add3A_16 = arith.addi %mul3A_2, %add3A_15 : i32
    "tpu.region"() ({
      %run_scoped3A = tpu.sem_alloc : memref<!tpu.dma_semaphore, #tpu.memory_space<semaphore_mem>>
      %dma_start3A_57 = tpu.memref_slice %arg3[%add3A_16] : memref<2048xi32, #tpu.memory_space<hbm>> -> memref<16xi32, #tpu.memory_space<hbm>>
      %dma_start3A_58 = tpu.memref_slice %arg3[%add3A_16] : memref<2048xi32, #tpu.memory_space<hbm>> -> memref<16xi32, #tpu.memory_space<hbm>>
      tpu.enqueue_dma source(%dma_start3A_58 : memref<16xi32, #tpu.memory_space<hbm>>) target(%arg6 : memref<16xi32, #tpu.memory_space<vmem>>) target_semaphore(%run_scoped3A : memref<!tpu.dma_semaphore, #tpu.memory_space<semaphore_mem>>)
      %dma_wait3A_59 = tpu.memref_slice %arg3[%add3A_16] : memref<2048xi32, #tpu.memory_space<hbm>> -> memref<16xi32, #tpu.memory_space<hbm>>
      %dma_wait3A_60 = tpu.memref_slice %arg3[%add3A_16] : memref<2048xi32, #tpu.memory_space<hbm>> -> memref<16xi32, #tpu.memory_space<hbm>>
      tpu.wait_dma2 semaphore(%run_scoped3A : memref<!tpu.dma_semaphore, #tpu.memory_space<semaphore_mem>>) src(%dma_wait3A_60 : memref<16xi32, #tpu.memory_space<hbm>>) dst(%arg6 : memref<16xi32, #tpu.memory_space<vmem>>)
      tpu.yield
    }) : () -> ()
    "tpu.region"() ({
      %run_scoped3A = tpu.sem_alloc : memref<!tpu.dma_semaphore, #tpu.memory_space<semaphore_mem>>
      %dma_start3A_57 = tpu.memref_slice %arg4[%add3A_16] : memref<2048xi32, #tpu.memory_space<hbm>> -> memref<16xi32, #tpu.memory_space<hbm>>
      %dma_start3A_58 = tpu.memref_slice %arg4[%add3A_16] : memref<2048xi32, #tpu.memory_space<hbm>> -> memref<16xi32, #tpu.memory_space<hbm>>
      tpu.enqueue_dma source(%dma_start3A_58 : memref<16xi32, #tpu.memory_space<hbm>>) target(%arg7 : memref<16xi32, #tpu.memory_space<vmem>>) target_semaphore(%run_scoped3A : memref<!tpu.dma_semaphore, #tpu.memory_space<semaphore_mem>>)
      %dma_wait3A_59 = tpu.memref_slice %arg4[%add3A_16] : memref<2048xi32, #tpu.memory_space<hbm>> -> memref<16xi32, #tpu.memory_space<hbm>>
      %dma_wait3A_60 = tpu.memref_slice %arg4[%add3A_16] : memref<2048xi32, #tpu.memory_space<hbm>> -> memref<16xi32, #tpu.memory_space<hbm>>
      tpu.wait_dma2 semaphore(%run_scoped3A : memref<!tpu.dma_semaphore, #tpu.memory_space<semaphore_mem>>) src(%dma_wait3A_60 : memref<16xi32, #tpu.memory_space<hbm>>) dst(%arg7 : memref<16xi32, #tpu.memory_space<vmem>>)
      tpu.yield
    }) : () -> ()
    "tpu.region"() ({
      %run_scoped3A = tpu.sem_alloc : memref<!tpu.dma_semaphore, #tpu.memory_space<semaphore_mem>>
      %dma_start3A_57 = arith.constant 0 : i32
      %dma_start3A_58 = tpu.memref_slice %arg2[%add3A_16, %dma_start3A_57] : memref<2048x2048xf32, #tpu.memory_space<hbm>> -> memref<16x2048xf32, #tpu.memory_space<hbm>>
      %dma_start3A_59 = arith.constant 0 : i32
      %dma_start3A_60 = tpu.memref_slice %arg2[%add3A_16, %dma_start3A_59] : memref<2048x2048xf32, #tpu.memory_space<hbm>> -> memref<16x2048xf32, #tpu.memory_space<hbm>>
      tpu.enqueue_dma source(%dma_start3A_60 : memref<16x2048xf32, #tpu.memory_space<hbm>>) target(%arg8 : memref<16x2048xf32, #tpu.memory_space<vmem>>) target_semaphore(%run_scoped3A : memref<!tpu.dma_semaphore, #tpu.memory_space<semaphore_mem>>)
      %dma_wait3A_61 = arith.constant 0 : i32
      %dma_wait3A_62 = tpu.memref_slice %arg2[%add3A_16, %dma_wait3A_61] : memref<2048x2048xf32, #tpu.memory_space<hbm>> -> memref<16x2048xf32, #tpu.memory_space<hbm>>
      %dma_wait3A_63 = arith.constant 0 : i32
      %dma_wait3A_64 = tpu.memref_slice %arg2[%add3A_16, %dma_wait3A_63] : memref<2048x2048xf32, #tpu.memory_space<hbm>> -> memref<16x2048xf32, #tpu.memory_space<hbm>>
      tpu.wait_dma2 semaphore(%run_scoped3A : memref<!tpu.dma_semaphore, #tpu.memory_space<semaphore_mem>>) src(%dma_wait3A_64 : memref<16x2048xf32, #tpu.memory_space<hbm>>) dst(%arg8 : memref<16x2048xf32, #tpu.memory_space<vmem>>)
      tpu.yield
    }) : () -> ()
    %dma_start3A_17 = arith.constant 0 : i32
    %dma_start3A_18 = arith.constant 0 : i32
    %dma_start3A_19 = tpu.memref_slice %arg5[%dma_start3A_17, %dma_start3A_18] : memref<5120x2048xf32, #tpu.memory_space<hbm>> -> memref<5120x2048xf32, #tpu.memory_space<hbm>>
    tpu.enqueue_indirect_dma source(%arg8 : memref<16x2048xf32, #tpu.memory_space<vmem>>) target(%dma_start3A_19 : memref<5120x2048xf32, #tpu.memory_space<hbm>>) offsets(%arg6 : memref<16xi32, #tpu.memory_space<vmem>>) semaphore(%arg9 : memref<!tpu.dma_semaphore, #tpu.memory_space<semaphore_mem>>)
    %dma_wait3A_20 = arith.constant 0 : i32
    %dma_wait3A_21 = arith.constant 0 : i32
    %dma_wait3A_22 = tpu.memref_slice %arg5[%dma_wait3A_20, %dma_wait3A_21] : memref<5120x2048xf32, #tpu.memory_space<hbm>> -> memref<5120x2048xf32, #tpu.memory_space<hbm>>
    tpu.wait_indirect_dma semaphore(%arg9 : memref<!tpu.dma_semaphore, #tpu.memory_space<semaphore_mem>>) src(%arg8 : memref<16x2048xf32, #tpu.memory_space<vmem>>) dst(%dma_wait3A_22 : memref<5120x2048xf32, #tpu.memory_space<hbm>>)
    %dma_start3A_23 = arith.constant 0 : i32
    %dma_start3A_24 = arith.constant 0 : i32
    %dma_start3A_25 = tpu.memref_slice %arg5[%dma_start3A_23, %dma_start3A_24] : memref<5120x2048xf32, #tpu.memory_space<hbm>> -> memref<5120x2048xf32, #tpu.memory_space<hbm>>
    tpu.enqueue_indirect_dma source(%arg8 : memref<16x2048xf32, #tpu.memory_space<vmem>>) target(%dma_start3A_25 : memref<5120x2048xf32, #tpu.memory_space<hbm>>) offsets(%arg7 : memref<16xi32, #tpu.memory_space<vmem>>) semaphore(%arg9 : memref<!tpu.dma_semaphore, #tpu.memory_space<semaphore_mem>>)
    %dma_wait3A_26 = arith.constant 0 : i32
    %dma_wait3A_27 = arith.constant 0 : i32
    %dma_wait3A_28 = tpu.memref_slice %arg5[%dma_wait3A_26, %dma_wait3A_27] : memref<5120x2048xf32, #tpu.memory_space<hbm>> -> memref<5120x2048xf32, #tpu.memory_space<hbm>>
    tpu.wait_indirect_dma semaphore(%arg9 : memref<!tpu.dma_semaphore, #tpu.memory_space<semaphore_mem>>) src(%arg8 : memref<16x2048xf32, #tpu.memory_space<vmem>>) dst(%dma_wait3A_28 : memref<5120x2048xf32, #tpu.memory_space<hbm>>)
    %add3A_29 = arith.constant 32 : i32
    %add3A_30 = arith.addi %mul3A_2, %add3A_29 : i32
    "tpu.region"() ({
      %run_scoped3A = tpu.sem_alloc : memref<!tpu.dma_semaphore, #tpu.memory_space<semaphore_mem>>
      %dma_start3A_57 = tpu.memref_slice %arg3[%add3A_30] : memref<2048xi32, #tpu.memory_space<hbm>> -> memref<16xi32, #tpu.memory_space<hbm>>
      %dma_start3A_58 = tpu.memref_slice %arg3[%add3A_30] : memref<2048xi32, #tpu.memory_space<hbm>> -> memref<16xi32, #tpu.memory_space<hbm>>
      tpu.enqueue_dma source(%dma_start3A_58 : memref<16xi32, #tpu.memory_space<hbm>>) target(%arg6 : memref<16xi32, #tpu.memory_space<vmem>>) target_semaphore(%run_scoped3A : memref<!tpu.dma_semaphore, #tpu.memory_space<semaphore_mem>>)
      %dma_wait3A_59 = tpu.memref_slice %arg3[%add3A_30] : memref<2048xi32, #tpu.memory_space<hbm>> -> memref<16xi32, #tpu.memory_space<hbm>>
      %dma_wait3A_60 = tpu.memref_slice %arg3[%add3A_30] : memref<2048xi32, #tpu.memory_space<hbm>> -> memref<16xi32, #tpu.memory_space<hbm>>
      tpu.wait_dma2 semaphore(%run_scoped3A : memref<!tpu.dma_semaphore, #tpu.memory_space<semaphore_mem>>) src(%dma_wait3A_60 : memref<16xi32, #tpu.memory_space<hbm>>) dst(%arg6 : memref<16xi32, #tpu.memory_space<vmem>>)
      tpu.yield
    }) : () -> ()
    "tpu.region"() ({
      %run_scoped3A = tpu.sem_alloc : memref<!tpu.dma_semaphore, #tpu.memory_space<semaphore_mem>>
      %dma_start3A_57 = tpu.memref_slice %arg4[%add3A_30] : memref<2048xi32, #tpu.memory_space<hbm>> -> memref<16xi32, #tpu.memory_space<hbm>>
      %dma_start3A_58 = tpu.memref_slice %arg4[%add3A_30] : memref<2048xi32, #tpu.memory_space<hbm>> -> memref<16xi32, #tpu.memory_space<hbm>>
      tpu.enqueue_dma source(%dma_start3A_58 : memref<16xi32, #tpu.memory_space<hbm>>) target(%arg7 : memref<16xi32, #tpu.memory_space<vmem>>) target_semaphore(%run_scoped3A : memref<!tpu.dma_semaphore, #tpu.memory_space<semaphore_mem>>)
      %dma_wait3A_59 = tpu.memref_slice %arg4[%add3A_30] : memref<2048xi32, #tpu.memory_space<hbm>> -> memref<16xi32, #tpu.memory_space<hbm>>
      %dma_wait3A_60 = tpu.memref_slice %arg4[%add3A_30] : memref<2048xi32, #tpu.memory_space<hbm>> -> memref<16xi32, #tpu.memory_space<hbm>>
      tpu.wait_dma2 semaphore(%run_scoped3A : memref<!tpu.dma_semaphore, #tpu.memory_space<semaphore_mem>>) src(%dma_wait3A_60 : memref<16xi32, #tpu.memory_space<hbm>>) dst(%arg7 : memref<16xi32, #tpu.memory_space<vmem>>)
      tpu.yield
    }) : () -> ()
    "tpu.region"() ({
      %run_scoped3A = tpu.sem_alloc : memref<!tpu.dma_semaphore, #tpu.memory_space<semaphore_mem>>
      %dma_start3A_57 = arith.constant 0 : i32
      %dma_start3A_58 = tpu.memref_slice %arg2[%add3A_30, %dma_start3A_57] : memref<2048x2048xf32, #tpu.memory_space<hbm>> -> memref<16x2048xf32, #tpu.memory_space<hbm>>
      %dma_start3A_59 = arith.constant 0 : i32
      %dma_start3A_60 = tpu.memref_slice %arg2[%add3A_30, %dma_start3A_59] : memref<2048x2048xf32, #tpu.memory_space<hbm>> -> memref<16x2048xf32, #tpu.memory_space<hbm>>
      tpu.enqueue_dma source(%dma_start3A_60 : memref<16x2048xf32, #tpu.memory_space<hbm>>) target(%arg8 : memref<16x2048xf32, #tpu.memory_space<vmem>>) target_semaphore(%run_scoped3A : memref<!tpu.dma_semaphore, #tpu.memory_space<semaphore_mem>>)
      %dma_wait3A_61 = arith.constant 0 : i32
      %dma_wait3A_62 = tpu.memref_slice %arg2[%add3A_30, %dma_wait3A_61] : memref<2048x2048xf32, #tpu.memory_space<hbm>> -> memref<16x2048xf32, #tpu.memory_space<hbm>>
      %dma_wait3A_63 = arith.constant 0 : i32
      %dma_wait3A_64 = tpu.memref_slice %arg2[%add3A_30, %dma_wait3A_63] : memref<2048x2048xf32, #tpu.memory_space<hbm>> -> memref<16x2048xf32, #tpu.memory_space<hbm>>
      tpu.wait_dma2 semaphore(%run_scoped3A : memref<!tpu.dma_semaphore, #tpu.memory_space<semaphore_mem>>) src(%dma_wait3A_64 : memref<16x2048xf32, #tpu.memory_space<hbm>>) dst(%arg8 : memref<16x2048xf32, #tpu.memory_space<vmem>>)
      tpu.yield
    }) : () -> ()
    %dma_start3A_31 = arith.constant 0 : i32
    %dma_start3A_32 = arith.constant 0 : i32
    %dma_start3A_33 = tpu.memref_slice %arg5[%dma_start3A_31, %dma_start3A_32] : memref<5120x2048xf32, #tpu.memory_space<hbm>> -> memref<5120x2048xf32, #tpu.memory_space<hbm>>
    tpu.enqueue_indirect_dma source(%arg8 : memref<16x2048xf32, #tpu.memory_space<vmem>>) target(%dma_start3A_33 : memref<5120x2048xf32, #tpu.memory_space<hbm>>) offsets(%arg6 : memref<16xi32, #tpu.memory_space<vmem>>) semaphore(%arg9 : memref<!tpu.dma_semaphore, #tpu.memory_space<semaphore_mem>>)
    %dma_wait3A_34 = arith.constant 0 : i32
    %dma_wait3A_35 = arith.constant 0 : i32
    %dma_wait3A_36 = tpu.memref_slice %arg5[%dma_wait3A_34, %dma_wait3A_35] : memref<5120x2048xf32, #tpu.memory_space<hbm>> -> memref<5120x2048xf32, #tpu.memory_space<hbm>>
    tpu.wait_indirect_dma semaphore(%arg9 : memref<!tpu.dma_semaphore, #tpu.memory_space<semaphore_mem>>) src(%arg8 : memref<16x2048xf32, #tpu.memory_space<vmem>>) dst(%dma_wait3A_36 : memref<5120x2048xf32, #tpu.memory_space<hbm>>)
    %dma_start3A_37 = arith.constant 0 : i32
    %dma_start3A_38 = arith.constant 0 : i32
    %dma_start3A_39 = tpu.memref_slice %arg5[%dma_start3A_37, %dma_start3A_38] : memref<5120x2048xf32, #tpu.memory_space<hbm>> -> memref<5120x2048xf32, #tpu.memory_space<hbm>>
    tpu.enqueue_indirect_dma source(%arg8 : memref<16x2048xf32, #tpu.memory_space<vmem>>) target(%dma_start3A_39 : memref<5120x2048xf32, #tpu.memory_space<hbm>>) offsets(%arg7 : memref<16xi32, #tpu.memory_space<vmem>>) semaphore(%arg9 : memref<!tpu.dma_semaphore, #tpu.memory_space<semaphore_mem>>)
    %dma_wait3A_40 = arith.constant 0 : i32
    %dma_wait3A_41 = arith.constant 0 : i32
    %dma_wait3A_42 = tpu.memref_slice %arg5[%dma_wait3A_40, %dma_wait3A_41] : memref<5120x2048xf32, #tpu.memory_space<hbm>> -> memref<5120x2048xf32, #tpu.memory_space<hbm>>
    tpu.wait_indirect_dma semaphore(%arg9 : memref<!tpu.dma_semaphore, #tpu.memory_space<semaphore_mem>>) src(%arg8 : memref<16x2048xf32, #tpu.memory_space<vmem>>) dst(%dma_wait3A_42 : memref<5120x2048xf32, #tpu.memory_space<hbm>>)
    %add3A_43 = arith.constant 48 : i32
    %add3A_44 = arith.addi %mul3A_2, %add3A_43 : i32
    "tpu.region"() ({
      %run_scoped3A = tpu.sem_alloc : memref<!tpu.dma_semaphore, #tpu.memory_space<semaphore_mem>>
      %dma_start3A_57 = tpu.memref_slice %arg3[%add3A_44] : memref<2048xi32, #tpu.memory_space<hbm>> -> memref<16xi32, #tpu.memory_space<hbm>>
      %dma_start3A_58 = tpu.memref_slice %arg3[%add3A_44] : memref<2048xi32, #tpu.memory_space<hbm>> -> memref<16xi32, #tpu.memory_space<hbm>>
      tpu.enqueue_dma source(%dma_start3A_58 : memref<16xi32, #tpu.memory_space<hbm>>) target(%arg6 : memref<16xi32, #tpu.memory_space<vmem>>) target_semaphore(%run_scoped3A : memref<!tpu.dma_semaphore, #tpu.memory_space<semaphore_mem>>)
      %dma_wait3A_59 = tpu.memref_slice %arg3[%add3A_44] : memref<2048xi32, #tpu.memory_space<hbm>> -> memref<16xi32, #tpu.memory_space<hbm>>
      %dma_wait3A_60 = tpu.memref_slice %arg3[%add3A_44] : memref<2048xi32, #tpu.memory_space<hbm>> -> memref<16xi32, #tpu.memory_space<hbm>>
      tpu.wait_dma2 semaphore(%run_scoped3A : memref<!tpu.dma_semaphore, #tpu.memory_space<semaphore_mem>>) src(%dma_wait3A_60 : memref<16xi32, #tpu.memory_space<hbm>>) dst(%arg6 : memref<16xi32, #tpu.memory_space<vmem>>)
      tpu.yield
    }) : () -> ()
    "tpu.region"() ({
      %run_scoped3A = tpu.sem_alloc : memref<!tpu.dma_semaphore, #tpu.memory_space<semaphore_mem>>
      %dma_start3A_57 = tpu.memref_slice %arg4[%add3A_44] : memref<2048xi32, #tpu.memory_space<hbm>> -> memref<16xi32, #tpu.memory_space<hbm>>
      %dma_start3A_58 = tpu.memref_slice %arg4[%add3A_44] : memref<2048xi32, #tpu.memory_space<hbm>> -> memref<16xi32, #tpu.memory_space<hbm>>
      tpu.enqueue_dma source(%dma_start3A_58 : memref<16xi32, #tpu.memory_space<hbm>>) target(%arg7 : memref<16xi32, #tpu.memory_space<vmem>>) target_semaphore(%run_scoped3A : memref<!tpu.dma_semaphore, #tpu.memory_space<semaphore_mem>>)
      %dma_wait3A_59 = tpu.memref_slice %arg4[%add3A_44] : memref<2048xi32, #tpu.memory_space<hbm>> -> memref<16xi32, #tpu.memory_space<hbm>>
      %dma_wait3A_60 = tpu.memref_slice %arg4[%add3A_44] : memref<2048xi32, #tpu.memory_space<hbm>> -> memref<16xi32, #tpu.memory_space<hbm>>
      tpu.wait_dma2 semaphore(%run_scoped3A : memref<!tpu.dma_semaphore, #tpu.memory_space<semaphore_mem>>) src(%dma_wait3A_60 : memref<16xi32, #tpu.memory_space<hbm>>) dst(%arg7 : memref<16xi32, #tpu.memory_space<vmem>>)
      tpu.yield
    }) : () -> ()
    "tpu.region"() ({
      %run_scoped3A = tpu.sem_alloc : memref<!tpu.dma_semaphore, #tpu.memory_space<semaphore_mem>>
      %dma_start3A_57 = arith.constant 0 : i32
      %dma_start3A_58 = tpu.memref_slice %arg2[%add3A_44, %dma_start3A_57] : memref<2048x2048xf32, #tpu.memory_space<hbm>> -> memref<16x2048xf32, #tpu.memory_space<hbm>>
      %dma_start3A_59 = arith.constant 0 : i32
      %dma_start3A_60 = tpu.memref_slice %arg2[%add3A_44, %dma_start3A_59] : memref<2048x2048xf32, #tpu.memory_space<hbm>> -> memref<16x2048xf32, #tpu.memory_space<hbm>>
      tpu.enqueue_dma source(%dma_start3A_60 : memref<16x2048xf32, #tpu.memory_space<hbm>>) target(%arg8 : memref<16x2048xf32, #tpu.memory_space<vmem>>) target_semaphore(%run_scoped3A : memref<!tpu.dma_semaphore, #tpu.memory_space<semaphore_mem>>)
      %dma_wait3A_61 = arith.constant 0 : i32
      %dma_wait3A_62 = tpu.memref_slice %arg2[%add3A_44, %dma_wait3A_61] : memref<2048x2048xf32, #tpu.memory_space<hbm>> -> memref<16x2048xf32, #tpu.memory_space<hbm>>
      %dma_wait3A_63 = arith.constant 0 : i32
      %dma_wait3A_64 = tpu.memref_slice %arg2[%add3A_44, %dma_wait3A_63] : memref<2048x2048xf32, #tpu.memory_space<hbm>> -> memref<16x2048xf32, #tpu.memory_space<hbm>>
      tpu.wait_dma2 semaphore(%run_scoped3A : memref<!tpu.dma_semaphore, #tpu.memory_space<semaphore_mem>>) src(%dma_wait3A_64 : memref<16x2048xf32, #tpu.memory_space<hbm>>) dst(%arg8 : memref<16x2048xf32, #tpu.memory_space<vmem>>)
      tpu.yield
    }) : () -> ()
    %dma_start3A_45 = arith.constant 0 : i32
    %dma_start3A_46 = arith.constant 0 : i32
    %dma_start3A_47 = tpu.memref_slice %arg5[%dma_start3A_45, %dma_start3A_46] : memref<5120x2048xf32, #tpu.memory_space<hbm>> -> memref<5120x2048xf32, #tpu.memory_space<hbm>>
    tpu.enqueue_indirect_dma source(%arg8 : memref<16x2048xf32, #tpu.memory_space<vmem>>) target(%dma_start3A_47 : memref<5120x2048xf32, #tpu.memory_space<hbm>>) offsets(%arg6 : memref<16xi32, #tpu.memory_space<vmem>>) semaphore(%arg9 : memref<!tpu.dma_semaphore, #tpu.memory_space<semaphore_mem>>)
    %dma_wait3A_48 = arith.constant 0 : i32
    %dma_wait3A_49 = arith.constant 0 : i32
    %dma_wait3A_50 = tpu.memref_slice %arg5[%dma_wait3A_48, %dma_wait3A_49] : memref<5120x2048xf32, #tpu.memory_space<hbm>> -> memref<5120x2048xf32, #tpu.memory_space<hbm>>
    tpu.wait_indirect_dma semaphore(%arg9 : memref<!tpu.dma_semaphore, #tpu.memory_space<semaphore_mem>>) src(%arg8 : memref<16x2048xf32, #tpu.memory_space<vmem>>) dst(%dma_wait3A_50 : memref<5120x2048xf32, #tpu.memory_space<hbm>>)
    %dma_start3A_51 = arith.constant 0 : i32
    %dma_start3A_52 = arith.constant 0 : i32
    %dma_start3A_53 = tpu.memref_slice %arg5[%dma_start3A_51, %dma_start3A_52] : memref<5120x2048xf32, #tpu.memory_space<hbm>> -> memref<5120x2048xf32, #tpu.memory_space<hbm>>
    tpu.enqueue_indirect_dma source(%arg8 : memref<16x2048xf32, #tpu.memory_space<vmem>>) target(%dma_start3A_53 : memref<5120x2048xf32, #tpu.memory_space<hbm>>) offsets(%arg7 : memref<16xi32, #tpu.memory_space<vmem>>) semaphore(%arg9 : memref<!tpu.dma_semaphore, #tpu.memory_space<semaphore_mem>>)
    %dma_wait3A_54 = arith.constant 0 : i32
    %dma_wait3A_55 = arith.constant 0 : i32
    %dma_wait3A_56 = tpu.memref_slice %arg5[%dma_wait3A_54, %dma_wait3A_55] : memref<5120x2048xf32, #tpu.memory_space<hbm>> -> memref<5120x2048xf32, #tpu.memory_space<hbm>>
    tpu.wait_indirect_dma semaphore(%arg9 : memref<!tpu.dma_semaphore, #tpu.memory_space<semaphore_mem>>) src(%arg8 : memref<16x2048xf32, #tpu.memory_space<vmem>>) dst(%dma_wait3A_56 : memref<5120x2048xf32, #tpu.memory_space<hbm>>)
    return
  }
}

module attributes {stable_mosaic.version = 14 : i64} {
  func.func @_route_body(%arg0: memref<2048x2xi32, #tpu.memory_space<vmem>>, %arg1: memref<2048x2xf32, #tpu.memory_space<vmem>>, %arg2: memref<2048x1xi32, #tpu.memory_space<vmem>>, %arg3: memref<2048x1xi32, #tpu.memory_space<vmem>>, %arg4: memref<2048x1xf32, #tpu.memory_space<vmem>>, %arg5: memref<2048x1xf32, #tpu.memory_space<vmem>>, %arg6: memref<128x1xi32, #tpu.memory_space<vmem>>, %arg7: memref<1x1xi32, #tpu.memory_space<vmem>>) attributes {dimension_semantics = [], scalar_prefetch = 0 : i64, scratch_operands = 0 : i64, tpu.core_type = #tpu.core_type<tc>} {
    %get3A = arith.constant 0 : index
    %get3A_0 = arith.constant 0 : index
    %get3A_1 = vector.load %arg1[%get3A, %get3A_0] : memref<2048x2xf32, #tpu.memory_space<vmem>>, vector<2048x2xf32>
    %slice3A = vector.extract_strided_slice %get3A_1 {offsets = [0, 0], sizes = [2048, 1], strides = [1, 1]} : vector<2048x2xf32> to vector<2048x1xf32>
    %slice3A_2 = vector.extract_strided_slice %get3A_1 {offsets = [0, 1], sizes = [2048, 1], strides = [1, 1]} : vector<2048x2xf32> to vector<2048x1xf32>
    %add3A = arith.addf %slice3A, %slice3A_2 : vector<2048x1xf32>
    %slice3A_3 = vector.extract_strided_slice %get3A_1 {offsets = [0, 0], sizes = [2048, 1], strides = [1, 1]} : vector<2048x2xf32> to vector<2048x1xf32>
    %div3A = arith.divf %slice3A_3, %add3A : vector<2048x1xf32>
    %swap3A = arith.constant 0 : index
    %swap3A_4 = arith.constant 0 : index
    %swap3A_5 = vector.load %arg4[%swap3A, %swap3A_4] : memref<2048x1xf32, #tpu.memory_space<vmem>>, vector<2048x1xf32>
    tpu.vector_store %arg4[%swap3A, %swap3A_4], %div3A {strides = array<i32>} : memref<2048x1xf32, #tpu.memory_space<vmem>>, vector<2048x1xf32>,
    %slice3A_6 = vector.extract_strided_slice %get3A_1 {offsets = [0, 1], sizes = [2048, 1], strides = [1, 1]} : vector<2048x2xf32> to vector<2048x1xf32>
    %div3A_7 = arith.divf %slice3A_6, %add3A : vector<2048x1xf32>
    %swap3A_8 = arith.constant 0 : index
    %swap3A_9 = arith.constant 0 : index
    %swap3A_10 = vector.load %arg5[%swap3A_8, %swap3A_9] : memref<2048x1xf32, #tpu.memory_space<vmem>>, vector<2048x1xf32>
    tpu.vector_store %arg5[%swap3A_8, %swap3A_9], %div3A_7 {strides = array<i32>} : memref<2048x1xf32, #tpu.memory_space<vmem>>, vector<2048x1xf32>,
    %get3A_11 = arith.constant 0 : index
    %get3A_12 = arith.constant 0 : index
    %get3A_13 = vector.load %arg0[%get3A_11, %get3A_12] : memref<2048x2xi32, #tpu.memory_space<vmem>>, vector<2048x2xi32>
    %iota3A = tpu.iota {dimensions = array<i32: 1>} : vector<2048x8xi32>
    %slice3A_14 = vector.extract_strided_slice %get3A_13 {offsets = [0, 0], sizes = [2048, 1], strides = [1, 1]} : vector<2048x2xi32> to vector<2048x1xi32>
    %eq3A = vector.broadcast %slice3A_14 : vector<2048x1xi32> to vector<2048x8xi32>
    %eq3A_15 = arith.cmpi eq, %iota3A, %eq3A : vector<2048x8xi32>
    %convert_element_type3A = arith.extui %eq3A_15 : vector<2048x8xi1> to vector<2048x8xi32>
    %convert_element_type3A_16 = arith.sitofp %convert_element_type3A : vector<2048x8xi32> to vector<2048x8xf32>
    %slice3A_17 = vector.extract_strided_slice %get3A_13 {offsets = [0, 1], sizes = [2048, 1], strides = [1, 1]} : vector<2048x2xi32> to vector<2048x1xi32>
    %eq3A_18 = vector.broadcast %slice3A_17 : vector<2048x1xi32> to vector<2048x8xi32>
    %eq3A_19 = arith.cmpi eq, %iota3A, %eq3A_18 : vector<2048x8xi32>
    %convert_element_type3A_20 = arith.extui %eq3A_19 : vector<2048x8xi1> to vector<2048x8xi32>
    %convert_element_type3A_21 = arith.sitofp %convert_element_type3A_20 : vector<2048x8xi32> to vector<2048x8xf32>
    %concatenate3A = tpu.concatenate %convert_element_type3A_16, %convert_element_type3A_21 in 0 : vector<2048x8xf32>, vector<2048x8xf32> -> vector<4096x8xf32>
    %iota3A_22 = tpu.iota {dimensions = array<i32: 0>} : vector<128x128xi32>
    %iota3A_23 = tpu.iota {dimensions = array<i32: 1>} : vector<128x128xi32>
    %ge3A = arith.cmpi sge, %iota3A_22, %iota3A_23 : vector<128x128xi32>
    %convert_element_type3A_24 = arith.extui %ge3A : vector<128x128xi1> to vector<128x128xi32>
    %convert_element_type3A_25 = arith.sitofp %convert_element_type3A_24 : vector<128x128xi32> to vector<128x128xf32>
    %slice3A_26 = vector.extract_strided_slice %concatenate3A {offsets = [0, 0], sizes = [128, 8], strides = [1, 1]} : vector<4096x8xf32> to vector<128x8xf32>
    %dot_general3A = arith.constant dense<0.000000e+00> : vector<128x8xf32>
    %dot_general3A_27 = tpu.matmul %convert_element_type3A_25, %slice3A_26, %dot_general3A {dimension_numbers = #tpu.dot_dimension_numbers<[1], [0], [0], [1], [0, 0, 1, 1], [], []>, precision = #tpu.contract_precision<fp32>, transpose_lhs_hint = false} : vector<128x128xf32>, vector<128x8xf32>, vector<128x8xf32> -> vector<128x8xf32>
    %slice3A_28 = vector.extract_strided_slice %concatenate3A {offsets = [128, 0], sizes = [128, 8], strides = [1, 1]} : vector<4096x8xf32> to vector<128x8xf32>
    %dot_general3A_29 = arith.constant dense<0.000000e+00> : vector<128x8xf32>
    %dot_general3A_30 = tpu.matmul %convert_element_type3A_25, %slice3A_28, %dot_general3A_29 {dimension_numbers = #tpu.dot_dimension_numbers<[1], [0], [0], [1], [0, 0, 1, 1], [], []>, precision = #tpu.contract_precision<fp32>, transpose_lhs_hint = false} : vector<128x128xf32>, vector<128x8xf32>, vector<128x8xf32> -> vector<128x8xf32>
    %slice3A_31 = vector.extract_strided_slice %concatenate3A {offsets = [256, 0], sizes = [128, 8], strides = [1, 1]} : vector<4096x8xf32> to vector<128x8xf32>
    %dot_general3A_32 = arith.constant dense<0.000000e+00> : vector<128x8xf32>
    %dot_general3A_33 = tpu.matmul %convert_element_type3A_25, %slice3A_31, %dot_general3A_32 {dimension_numbers = #tpu.dot_dimension_numbers<[1], [0], [0], [1], [0, 0, 1, 1], [], []>, precision = #tpu.contract_precision<fp32>, transpose_lhs_hint = false} : vector<128x128xf32>, vector<128x8xf32>, vector<128x8xf32> -> vector<128x8xf32>
    %slice3A_34 = vector.extract_strided_slice %concatenate3A {offsets = [384, 0], sizes = [128, 8], strides = [1, 1]} : vector<4096x8xf32> to vector<128x8xf32>
    %dot_general3A_35 = arith.constant dense<0.000000e+00> : vector<128x8xf32>
    %dot_general3A_36 = tpu.matmul %convert_element_type3A_25, %slice3A_34, %dot_general3A_35 {dimension_numbers = #tpu.dot_dimension_numbers<[1], [0], [0], [1], [0, 0, 1, 1], [], []>, precision = #tpu.contract_precision<fp32>, transpose_lhs_hint = false} : vector<128x128xf32>, vector<128x8xf32>, vector<128x8xf32> -> vector<128x8xf32>
    %slice3A_37 = vector.extract_strided_slice %concatenate3A {offsets = [512, 0], sizes = [128, 8], strides = [1, 1]} : vector<4096x8xf32> to vector<128x8xf32>
    %dot_general3A_38 = arith.constant dense<0.000000e+00> : vector<128x8xf32>
    %dot_general3A_39 = tpu.matmul %convert_element_type3A_25, %slice3A_37, %dot_general3A_38 {dimension_numbers = #tpu.dot_dimension_numbers<[1], [0], [0], [1], [0, 0, 1, 1], [], []>, precision = #tpu.contract_precision<fp32>, transpose_lhs_hint = false} : vector<128x128xf32>, vector<128x8xf32>, vector<128x8xf32> -> vector<128x8xf32>
    %slice3A_40 = vector.extract_strided_slice %concatenate3A {offsets = [640, 0], sizes = [128, 8], strides = [1, 1]} : vector<4096x8xf32> to vector<128x8xf32>
    %dot_general3A_41 = arith.constant dense<0.000000e+00> : vector<128x8xf32>
    %dot_general3A_42 = tpu.matmul %convert_element_type3A_25, %slice3A_40, %dot_general3A_41 {dimension_numbers = #tpu.dot_dimension_numbers<[1], [0], [0], [1], [0, 0, 1, 1], [], []>, precision = #tpu.contract_precision<fp32>, transpose_lhs_hint = false} : vector<128x128xf32>, vector<128x8xf32>, vector<128x8xf32> -> vector<128x8xf32>
    %slice3A_43 = vector.extract_strided_slice %concatenate3A {offsets = [768, 0], sizes = [128, 8], strides = [1, 1]} : vector<4096x8xf32> to vector<128x8xf32>
    %dot_general3A_44 = arith.constant dense<0.000000e+00> : vector<128x8xf32>
    %dot_general3A_45 = tpu.matmul %convert_element_type3A_25, %slice3A_43, %dot_general3A_44 {dimension_numbers = #tpu.dot_dimension_numbers<[1], [0], [0], [1], [0, 0, 1, 1], [], []>, precision = #tpu.contract_precision<fp32>, transpose_lhs_hint = false} : vector<128x128xf32>, vector<128x8xf32>, vector<128x8xf32> -> vector<128x8xf32>
    %slice3A_46 = vector.extract_strided_slice %concatenate3A {offsets = [896, 0], sizes = [128, 8], strides = [1, 1]} : vector<4096x8xf32> to vector<128x8xf32>
    %dot_general3A_47 = arith.constant dense<0.000000e+00> : vector<128x8xf32>
    %dot_general3A_48 = tpu.matmul %convert_element_type3A_25, %slice3A_46, %dot_general3A_47 {dimension_numbers = #tpu.dot_dimension_numbers<[1], [0], [0], [1], [0, 0, 1, 1], [], []>, precision = #tpu.contract_precision<fp32>, transpose_lhs_hint = false} : vector<128x128xf32>, vector<128x8xf32>, vector<128x8xf32> -> vector<128x8xf32>
    %slice3A_49 = vector.extract_strided_slice %concatenate3A {offsets = [1024, 0], sizes = [128, 8], strides = [1, 1]} : vector<4096x8xf32> to vector<128x8xf32>
    %dot_general3A_50 = arith.constant dense<0.000000e+00> : vector<128x8xf32>
    %dot_general3A_51 = tpu.matmul %convert_element_type3A_25, %slice3A_49, %dot_general3A_50 {dimension_numbers = #tpu.dot_dimension_numbers<[1], [0], [0], [1], [0, 0, 1, 1], [], []>, precision = #tpu.contract_precision<fp32>, transpose_lhs_hint = false} : vector<128x128xf32>, vector<128x8xf32>, vector<128x8xf32> -> vector<128x8xf32>
    %slice3A_52 = vector.extract_strided_slice %concatenate3A {offsets = [1152, 0], sizes = [128, 8], strides = [1, 1]} : vector<4096x8xf32> to vector<128x8xf32>
    %dot_general3A_53 = arith.constant dense<0.000000e+00> : vector<128x8xf32>
    %dot_general3A_54 = tpu.matmul %convert_element_type3A_25, %slice3A_52, %dot_general3A_53 {dimension_numbers = #tpu.dot_dimension_numbers<[1], [0], [0], [1], [0, 0, 1, 1], [], []>, precision = #tpu.contract_precision<fp32>, transpose_lhs_hint = false} : vector<128x128xf32>, vector<128x8xf32>, vector<128x8xf32> -> vector<128x8xf32>
    %slice3A_55 = vector.extract_strided_slice %concatenate3A {offsets = [1280, 0], sizes = [128, 8], strides = [1, 1]} : vector<4096x8xf32> to vector<128x8xf32>
    %dot_general3A_56 = arith.constant dense<0.000000e+00> : vector<128x8xf32>
    %dot_general3A_57 = tpu.matmul %convert_element_type3A_25, %slice3A_55, %dot_general3A_56 {dimension_numbers = #tpu.dot_dimension_numbers<[1], [0], [0], [1], [0, 0, 1, 1], [], []>, precision = #tpu.contract_precision<fp32>, transpose_lhs_hint = false} : vector<128x128xf32>, vector<128x8xf32>, vector<128x8xf32> -> vector<128x8xf32>
    %slice3A_58 = vector.extract_strided_slice %concatenate3A {offsets = [1408, 0], sizes = [128, 8], strides = [1, 1]} : vector<4096x8xf32> to vector<128x8xf32>
    %dot_general3A_59 = arith.constant dense<0.000000e+00> : vector<128x8xf32>
    %dot_general3A_60 = tpu.matmul %convert_element_type3A_25, %slice3A_58, %dot_general3A_59 {dimension_numbers = #tpu.dot_dimension_numbers<[1], [0], [0], [1], [0, 0, 1, 1], [], []>, precision = #tpu.contract_precision<fp32>, transpose_lhs_hint = false} : vector<128x128xf32>, vector<128x8xf32>, vector<128x8xf32> -> vector<128x8xf32>
    %slice3A_61 = vector.extract_strided_slice %concatenate3A {offsets = [1536, 0], sizes = [128, 8], strides = [1, 1]} : vector<4096x8xf32> to vector<128x8xf32>
    %dot_general3A_62 = arith.constant dense<0.000000e+00> : vector<128x8xf32>
    %dot_general3A_63 = tpu.matmul %convert_element_type3A_25, %slice3A_61, %dot_general3A_62 {dimension_numbers = #tpu.dot_dimension_numbers<[1], [0], [0], [1], [0, 0, 1, 1], [], []>, precision = #tpu.contract_precision<fp32>, transpose_lhs_hint = false} : vector<128x128xf32>, vector<128x8xf32>, vector<128x8xf32> -> vector<128x8xf32>
    %slice3A_64 = vector.extract_strided_slice %concatenate3A {offsets = [1664, 0], sizes = [128, 8], strides = [1, 1]} : vector<4096x8xf32> to vector<128x8xf32>
    %dot_general3A_65 = arith.constant dense<0.000000e+00> : vector<128x8xf32>
    %dot_general3A_66 = tpu.matmul %convert_element_type3A_25, %slice3A_64, %dot_general3A_65 {dimension_numbers = #tpu.dot_dimension_numbers<[1], [0], [0], [1], [0, 0, 1, 1], [], []>, precision = #tpu.contract_precision<fp32>, transpose_lhs_hint = false} : vector<128x128xf32>, vector<128x8xf32>, vector<128x8xf32> -> vector<128x8xf32>
    %slice3A_67 = vector.extract_strided_slice %concatenate3A {offsets = [1792, 0], sizes = [128, 8], strides = [1, 1]} : vector<4096x8xf32> to vector<128x8xf32>
    %dot_general3A_68 = arith.constant dense<0.000000e+00> : vector<128x8xf32>
    %dot_general3A_69 = tpu.matmul %convert_element_type3A_25, %slice3A_67, %dot_general3A_68 {dimension_numbers = #tpu.dot_dimension_numbers<[1], [0], [0], [1], [0, 0, 1, 1], [], []>, precision = #tpu.contract_precision<fp32>, transpose_lhs_hint = false} : vector<128x128xf32>, vector<128x8xf32>, vector<128x8xf32> -> vector<128x8xf32>
    %slice3A_70 = vector.extract_strided_slice %concatenate3A {offsets = [1920, 0], sizes = [128, 8], strides = [1, 1]} : vector<4096x8xf32> to vector<128x8xf32>
    %dot_general3A_71 = arith.constant dense<0.000000e+00> : vector<128x8xf32>
    %dot_general3A_72 = tpu.matmul %convert_element_type3A_25, %slice3A_70, %dot_general3A_71 {dimension_numbers = #tpu.dot_dimension_numbers<[1], [0], [0], [1], [0, 0, 1, 1], [], []>, precision = #tpu.contract_precision<fp32>, transpose_lhs_hint = false} : vector<128x128xf32>, vector<128x8xf32>, vector<128x8xf32> -> vector<128x8xf32>
    %slice3A_73 = vector.extract_strided_slice %concatenate3A {offsets = [2048, 0], sizes = [128, 8], strides = [1, 1]} : vector<4096x8xf32> to vector<128x8xf32>
    %dot_general3A_74 = arith.constant dense<0.000000e+00> : vector<128x8xf32>
    %dot_general3A_75 = tpu.matmul %convert_element_type3A_25, %slice3A_73, %dot_general3A_74 {dimension_numbers = #tpu.dot_dimension_numbers<[1], [0], [0], [1], [0, 0, 1, 1], [], []>, precision = #tpu.contract_precision<fp32>, transpose_lhs_hint = false} : vector<128x128xf32>, vector<128x8xf32>, vector<128x8xf32> -> vector<128x8xf32>
    %slice3A_76 = vector.extract_strided_slice %concatenate3A {offsets = [2176, 0], sizes = [128, 8], strides = [1, 1]} : vector<4096x8xf32> to vector<128x8xf32>
    %dot_general3A_77 = arith.constant dense<0.000000e+00> : vector<128x8xf32>
    %dot_general3A_78 = tpu.matmul %convert_element_type3A_25, %slice3A_76, %dot_general3A_77 {dimension_numbers = #tpu.dot_dimension_numbers<[1], [0], [0], [1], [0, 0, 1, 1], [], []>, precision = #tpu.contract_precision<fp32>, transpose_lhs_hint = false} : vector<128x128xf32>, vector<128x8xf32>, vector<128x8xf32> -> vector<128x8xf32>
    %slice3A_79 = vector.extract_strided_slice %concatenate3A {offsets = [2304, 0], sizes = [128, 8], strides = [1, 1]} : vector<4096x8xf32> to vector<128x8xf32>
    %dot_general3A_80 = arith.constant dense<0.000000e+00> : vector<128x8xf32>
    %dot_general3A_81 = tpu.matmul %convert_element_type3A_25, %slice3A_79, %dot_general3A_80 {dimension_numbers = #tpu.dot_dimension_numbers<[1], [0], [0], [1], [0, 0, 1, 1], [], []>, precision = #tpu.contract_precision<fp32>, transpose_lhs_hint = false} : vector<128x128xf32>, vector<128x8xf32>, vector<128x8xf32> -> vector<128x8xf32>
    %slice3A_82 = vector.extract_strided_slice %concatenate3A {offsets = [2432, 0], sizes = [128, 8], strides = [1, 1]} : vector<4096x8xf32> to vector<128x8xf32>
    %dot_general3A_83 = arith.constant dense<0.000000e+00> : vector<128x8xf32>
    %dot_general3A_84 = tpu.matmul %convert_element_type3A_25, %slice3A_82, %dot_general3A_83 {dimension_numbers = #tpu.dot_dimension_numbers<[1], [0], [0], [1], [0, 0, 1, 1], [], []>, precision = #tpu.contract_precision<fp32>, transpose_lhs_hint = false} : vector<128x128xf32>, vector<128x8xf32>, vector<128x8xf32> -> vector<128x8xf32>
    %slice3A_85 = vector.extract_strided_slice %concatenate3A {offsets = [2560, 0], sizes = [128, 8], strides = [1, 1]} : vector<4096x8xf32> to vector<128x8xf32>
    %dot_general3A_86 = arith.constant dense<0.000000e+00> : vector<128x8xf32>
    %dot_general3A_87 = tpu.matmul %convert_element_type3A_25, %slice3A_85, %dot_general3A_86 {dimension_numbers = #tpu.dot_dimension_numbers<[1], [0], [0], [1], [0, 0, 1, 1], [], []>, precision = #tpu.contract_precision<fp32>, transpose_lhs_hint = false} : vector<128x128xf32>, vector<128x8xf32>, vector<128x8xf32> -> vector<128x8xf32>
    %slice3A_88 = vector.extract_strided_slice %concatenate3A {offsets = [2688, 0], sizes = [128, 8], strides = [1, 1]} : vector<4096x8xf32> to vector<128x8xf32>
    %dot_general3A_89 = arith.constant dense<0.000000e+00> : vector<128x8xf32>
    %dot_general3A_90 = tpu.matmul %convert_element_type3A_25, %slice3A_88, %dot_general3A_89 {dimension_numbers = #tpu.dot_dimension_numbers<[1], [0], [0], [1], [0, 0, 1, 1], [], []>, precision = #tpu.contract_precision<fp32>, transpose_lhs_hint = false} : vector<128x128xf32>, vector<128x8xf32>, vector<128x8xf32> -> vector<128x8xf32>
    %slice3A_91 = vector.extract_strided_slice %concatenate3A {offsets = [2816, 0], sizes = [128, 8], strides = [1, 1]} : vector<4096x8xf32> to vector<128x8xf32>
    %dot_general3A_92 = arith.constant dense<0.000000e+00> : vector<128x8xf32>
    %dot_general3A_93 = tpu.matmul %convert_element_type3A_25, %slice3A_91, %dot_general3A_92 {dimension_numbers = #tpu.dot_dimension_numbers<[1], [0], [0], [1], [0, 0, 1, 1], [], []>, precision = #tpu.contract_precision<fp32>, transpose_lhs_hint = false} : vector<128x128xf32>, vector<128x8xf32>, vector<128x8xf32> -> vector<128x8xf32>
    %slice3A_94 = vector.extract_strided_slice %concatenate3A {offsets = [2944, 0], sizes = [128, 8], strides = [1, 1]} : vector<4096x8xf32> to vector<128x8xf32>
    %dot_general3A_95 = arith.constant dense<0.000000e+00> : vector<128x8xf32>
    %dot_general3A_96 = tpu.matmul %convert_element_type3A_25, %slice3A_94, %dot_general3A_95 {dimension_numbers = #tpu.dot_dimension_numbers<[1], [0], [0], [1], [0, 0, 1, 1], [], []>, precision = #tpu.contract_precision<fp32>, transpose_lhs_hint = false} : vector<128x128xf32>, vector<128x8xf32>, vector<128x8xf32> -> vector<128x8xf32>
    %slice3A_97 = vector.extract_strided_slice %concatenate3A {offsets = [3072, 0], sizes = [128, 8], strides = [1, 1]} : vector<4096x8xf32> to vector<128x8xf32>
    %dot_general3A_98 = arith.constant dense<0.000000e+00> : vector<128x8xf32>
    %dot_general3A_99 = tpu.matmul %convert_element_type3A_25, %slice3A_97, %dot_general3A_98 {dimension_numbers = #tpu.dot_dimension_numbers<[1], [0], [0], [1], [0, 0, 1, 1], [], []>, precision = #tpu.contract_precision<fp32>, transpose_lhs_hint = false} : vector<128x128xf32>, vector<128x8xf32>, vector<128x8xf32> -> vector<128x8xf32>
    %slice3A_100 = vector.extract_strided_slice %concatenate3A {offsets = [3200, 0], sizes = [128, 8], strides = [1, 1]} : vector<4096x8xf32> to vector<128x8xf32>
    %dot_general3A_101 = arith.constant dense<0.000000e+00> : vector<128x8xf32>
    %dot_general3A_102 = tpu.matmul %convert_element_type3A_25, %slice3A_100, %dot_general3A_101 {dimension_numbers = #tpu.dot_dimension_numbers<[1], [0], [0], [1], [0, 0, 1, 1], [], []>, precision = #tpu.contract_precision<fp32>, transpose_lhs_hint = false} : vector<128x128xf32>, vector<128x8xf32>, vector<128x8xf32> -> vector<128x8xf32>
    %slice3A_103 = vector.extract_strided_slice %concatenate3A {offsets = [3328, 0], sizes = [128, 8], strides = [1, 1]} : vector<4096x8xf32> to vector<128x8xf32>
    %dot_general3A_104 = arith.constant dense<0.000000e+00> : vector<128x8xf32>
    %dot_general3A_105 = tpu.matmul %convert_element_type3A_25, %slice3A_103, %dot_general3A_104 {dimension_numbers = #tpu.dot_dimension_numbers<[1], [0], [0], [1], [0, 0, 1, 1], [], []>, precision = #tpu.contract_precision<fp32>, transpose_lhs_hint = false} : vector<128x128xf32>, vector<128x8xf32>, vector<128x8xf32> -> vector<128x8xf32>
    %slice3A_106 = vector.extract_strided_slice %concatenate3A {offsets = [3456, 0], sizes = [128, 8], strides = [1, 1]} : vector<4096x8xf32> to vector<128x8xf32>
    %dot_general3A_107 = arith.constant dense<0.000000e+00> : vector<128x8xf32>
    %dot_general3A_108 = tpu.matmul %convert_element_type3A_25, %slice3A_106, %dot_general3A_107 {dimension_numbers = #tpu.dot_dimension_numbers<[1], [0], [0], [1], [0, 0, 1, 1], [], []>, precision = #tpu.contract_precision<fp32>, transpose_lhs_hint = false} : vector<128x128xf32>, vector<128x8xf32>, vector<128x8xf32> -> vector<128x8xf32>
    %slice3A_109 = vector.extract_strided_slice %concatenate3A {offsets = [3584, 0], sizes = [128, 8], strides = [1, 1]} : vector<4096x8xf32> to vector<128x8xf32>
    %dot_general3A_110 = arith.constant dense<0.000000e+00> : vector<128x8xf32>
    %dot_general3A_111 = tpu.matmul %convert_element_type3A_25, %slice3A_109, %dot_general3A_110 {dimension_numbers = #tpu.dot_dimension_numbers<[1], [0], [0], [1], [0, 0, 1, 1], [], []>, precision = #tpu.contract_precision<fp32>, transpose_lhs_hint = false} : vector<128x128xf32>, vector<128x8xf32>, vector<128x8xf32> -> vector<128x8xf32>
    %slice3A_112 = vector.extract_strided_slice %concatenate3A {offsets = [3712, 0], sizes = [128, 8], strides = [1, 1]} : vector<4096x8xf32> to vector<128x8xf32>
    %dot_general3A_113 = arith.constant dense<0.000000e+00> : vector<128x8xf32>
    %dot_general3A_114 = tpu.matmul %convert_element_type3A_25, %slice3A_112, %dot_general3A_113 {dimension_numbers = #tpu.dot_dimension_numbers<[1], [0], [0], [1], [0, 0, 1, 1], [], []>, precision = #tpu.contract_precision<fp32>, transpose_lhs_hint = false} : vector<128x128xf32>, vector<128x8xf32>, vector<128x8xf32> -> vector<128x8xf32>
    %slice3A_115 = vector.extract_strided_slice %concatenate3A {offsets = [3840, 0], sizes = [128, 8], strides = [1, 1]} : vector<4096x8xf32> to vector<128x8xf32>
    %dot_general3A_116 = arith.constant dense<0.000000e+00> : vector<128x8xf32>
    %dot_general3A_117 = tpu.matmul %convert_element_type3A_25, %slice3A_115, %dot_general3A_116 {dimension_numbers = #tpu.dot_dimension_numbers<[1], [0], [0], [1], [0, 0, 1, 1], [], []>, precision = #tpu.contract_precision<fp32>, transpose_lhs_hint = false} : vector<128x128xf32>, vector<128x8xf32>, vector<128x8xf32> -> vector<128x8xf32>
    %slice3A_118 = vector.extract_strided_slice %concatenate3A {offsets = [3968, 0], sizes = [128, 8], strides = [1, 1]} : vector<4096x8xf32> to vector<128x8xf32>
    %dot_general3A_119 = arith.constant dense<0.000000e+00> : vector<128x8xf32>
    %dot_general3A_120 = tpu.matmul %convert_element_type3A_25, %slice3A_118, %dot_general3A_119 {dimension_numbers = #tpu.dot_dimension_numbers<[1], [0], [0], [1], [0, 0, 1, 1], [], []>, precision = #tpu.contract_precision<fp32>, transpose_lhs_hint = false} : vector<128x128xf32>, vector<128x8xf32>, vector<128x8xf32> -> vector<128x8xf32>
    %concatenate3A_121 = tpu.concatenate %dot_general3A_27, %dot_general3A_30, %dot_general3A_33, %dot_general3A_36, %dot_general3A_39, %dot_general3A_42, %dot_general3A_45, %dot_general3A_48, %dot_general3A_51, %dot_general3A_54, %dot_general3A_57, %dot_general3A_60, %dot_general3A_63, %dot_general3A_66, %dot_general3A_69, %dot_general3A_72, %dot_general3A_75, %dot_general3A_78, %dot_general3A_81, %dot_general3A_84, %dot_general3A_87, %dot_general3A_90, %dot_general3A_93, %dot_general3A_96, %dot_general3A_99, %dot_general3A_102, %dot_general3A_105, %dot_general3A_108, %dot_general3A_111, %dot_general3A_114, %dot_general3A_117, %dot_general3A_120 in 0 : vector<128x8xf32>, vector<128x8xf32>, vector<128x8xf32>, vector<128x8xf32>, vector<128x8xf32>, vector<128x8xf32>, vector<128x8xf32>, vector<128x8xf32>, vector<128x8xf32>, vector<128x8xf32>, vector<128x8xf32>, vector<128x8xf32>, vector<128x8xf32>, vector<128x8xf32>, vector<128x8xf32>, vector<128x8xf32>, vector<128x8xf32>, vector<128x8xf32>, vector<128x8xf32>, vector<128x8xf32>, vector<128x8xf32>, vector<128x8xf32>, vector<128x8xf32>, vector<128x8xf32>, vector<128x8xf32>, vector<128x8xf32>, vector<128x8xf32>, vector<128x8xf32>, vector<128x8xf32>, vector<128x8xf32>, vector<128x8xf32>, vector<128x8xf32> -> vector<4096x8xf32>
    %slice3A_122 = vector.extract_strided_slice %dot_general3A_27 {offsets = [127, 0], sizes = [1, 8], strides = [1, 1]} : vector<128x8xf32> to vector<1x8xf32>
    %slice3A_123 = vector.extract_strided_slice %dot_general3A_30 {offsets = [127, 0], sizes = [1, 8], strides = [1, 1]} : vector<128x8xf32> to vector<1x8xf32>
    %slice3A_124 = vector.extract_strided_slice %dot_general3A_33 {offsets = [127, 0], sizes = [1, 8], strides = [1, 1]} : vector<128x8xf32> to vector<1x8xf32>
    %slice3A_125 = vector.extract_strided_slice %dot_general3A_36 {offsets = [127, 0], sizes = [1, 8], strides = [1, 1]} : vector<128x8xf32> to vector<1x8xf32>
    %slice3A_126 = vector.extract_strided_slice %dot_general3A_39 {offsets = [127, 0], sizes = [1, 8], strides = [1, 1]} : vector<128x8xf32> to vector<1x8xf32>
    %slice3A_127 = vector.extract_strided_slice %dot_general3A_42 {offsets = [127, 0], sizes = [1, 8], strides = [1, 1]} : vector<128x8xf32> to vector<1x8xf32>
    %slice3A_128 = vector.extract_strided_slice %dot_general3A_45 {offsets = [127, 0], sizes = [1, 8], strides = [1, 1]} : vector<128x8xf32> to vector<1x8xf32>
    %slice3A_129 = vector.extract_strided_slice %dot_general3A_48 {offsets = [127, 0], sizes = [1, 8], strides = [1, 1]} : vector<128x8xf32> to vector<1x8xf32>
    %slice3A_130 = vector.extract_strided_slice %dot_general3A_51 {offsets = [127, 0], sizes = [1, 8], strides = [1, 1]} : vector<128x8xf32> to vector<1x8xf32>
    %slice3A_131 = vector.extract_strided_slice %dot_general3A_54 {offsets = [127, 0], sizes = [1, 8], strides = [1, 1]} : vector<128x8xf32> to vector<1x8xf32>
    %slice3A_132 = vector.extract_strided_slice %dot_general3A_57 {offsets = [127, 0], sizes = [1, 8], strides = [1, 1]} : vector<128x8xf32> to vector<1x8xf32>
    %slice3A_133 = vector.extract_strided_slice %dot_general3A_60 {offsets = [127, 0], sizes = [1, 8], strides = [1, 1]} : vector<128x8xf32> to vector<1x8xf32>
    %slice3A_134 = vector.extract_strided_slice %dot_general3A_63 {offsets = [127, 0], sizes = [1, 8], strides = [1, 1]} : vector<128x8xf32> to vector<1x8xf32>
    %slice3A_135 = vector.extract_strided_slice %dot_general3A_66 {offsets = [127, 0], sizes = [1, 8], strides = [1, 1]} : vector<128x8xf32> to vector<1x8xf32>
    %slice3A_136 = vector.extract_strided_slice %dot_general3A_69 {offsets = [127, 0], sizes = [1, 8], strides = [1, 1]} : vector<128x8xf32> to vector<1x8xf32>
    %slice3A_137 = vector.extract_strided_slice %dot_general3A_72 {offsets = [127, 0], sizes = [1, 8], strides = [1, 1]} : vector<128x8xf32> to vector<1x8xf32>
    %slice3A_138 = vector.extract_strided_slice %dot_general3A_75 {offsets = [127, 0], sizes = [1, 8], strides = [1, 1]} : vector<128x8xf32> to vector<1x8xf32>
    %slice3A_139 = vector.extract_strided_slice %dot_general3A_78 {offsets = [127, 0], sizes = [1, 8], strides = [1, 1]} : vector<128x8xf32> to vector<1x8xf32>
    %slice3A_140 = vector.extract_strided_slice %dot_general3A_81 {offsets = [127, 0], sizes = [1, 8], strides = [1, 1]} : vector<128x8xf32> to vector<1x8xf32>
    %slice3A_141 = vector.extract_strided_slice %dot_general3A_84 {offsets = [127, 0], sizes = [1, 8], strides = [1, 1]} : vector<128x8xf32> to vector<1x8xf32>
    %slice3A_142 = vector.extract_strided_slice %dot_general3A_87 {offsets = [127, 0], sizes = [1, 8], strides = [1, 1]} : vector<128x8xf32> to vector<1x8xf32>
    %slice3A_143 = vector.extract_strided_slice %dot_general3A_90 {offsets = [127, 0], sizes = [1, 8], strides = [1, 1]} : vector<128x8xf32> to vector<1x8xf32>
    %slice3A_144 = vector.extract_strided_slice %dot_general3A_93 {offsets = [127, 0], sizes = [1, 8], strides = [1, 1]} : vector<128x8xf32> to vector<1x8xf32>
    %slice3A_145 = vector.extract_strided_slice %dot_general3A_96 {offsets = [127, 0], sizes = [1, 8], strides = [1, 1]} : vector<128x8xf32> to vector<1x8xf32>
    %slice3A_146 = vector.extract_strided_slice %dot_general3A_99 {offsets = [127, 0], sizes = [1, 8], strides = [1, 1]} : vector<128x8xf32> to vector<1x8xf32>
    %slice3A_147 = vector.extract_strided_slice %dot_general3A_102 {offsets = [127, 0], sizes = [1, 8], strides = [1, 1]} : vector<128x8xf32> to vector<1x8xf32>
    %slice3A_148 = vector.extract_strided_slice %dot_general3A_105 {offsets = [127, 0], sizes = [1, 8], strides = [1, 1]} : vector<128x8xf32> to vector<1x8xf32>
    %slice3A_149 = vector.extract_strided_slice %dot_general3A_108 {offsets = [127, 0], sizes = [1, 8], strides = [1, 1]} : vector<128x8xf32> to vector<1x8xf32>
    %slice3A_150 = vector.extract_strided_slice %dot_general3A_111 {offsets = [127, 0], sizes = [1, 8], strides = [1, 1]} : vector<128x8xf32> to vector<1x8xf32>
    %slice3A_151 = vector.extract_strided_slice %dot_general3A_114 {offsets = [127, 0], sizes = [1, 8], strides = [1, 1]} : vector<128x8xf32> to vector<1x8xf32>
    %slice3A_152 = vector.extract_strided_slice %dot_general3A_117 {offsets = [127, 0], sizes = [1, 8], strides = [1, 1]} : vector<128x8xf32> to vector<1x8xf32>
    %slice3A_153 = vector.extract_strided_slice %dot_general3A_120 {offsets = [127, 0], sizes = [1, 8], strides = [1, 1]} : vector<128x8xf32> to vector<1x8xf32>
    %concatenate3A_154 = tpu.concatenate %slice3A_122, %slice3A_123, %slice3A_124, %slice3A_125, %slice3A_126, %slice3A_127, %slice3A_128, %slice3A_129, %slice3A_130, %slice3A_131, %slice3A_132, %slice3A_133, %slice3A_134, %slice3A_135, %slice3A_136, %slice3A_137, %slice3A_138, %slice3A_139, %slice3A_140, %slice3A_141, %slice3A_142, %slice3A_143, %slice3A_144, %slice3A_145, %slice3A_146, %slice3A_147, %slice3A_148, %slice3A_149, %slice3A_150, %slice3A_151, %slice3A_152, %slice3A_153 in 0 : vector<1x8xf32>, vector<1x8xf32>, vector<1x8xf32>, vector<1x8xf32>, vector<1x8xf32>, vector<1x8xf32>, vector<1x8xf32>, vector<1x8xf32>, vector<1x8xf32>, vector<1x8xf32>, vector<1x8xf32>, vector<1x8xf32>, vector<1x8xf32>, vector<1x8xf32>, vector<1x8xf32>, vector<1x8xf32>, vector<1x8xf32>, vector<1x8xf32>, vector<1x8xf32>, vector<1x8xf32>, vector<1x8xf32>, vector<1x8xf32>, vector<1x8xf32>, vector<1x8xf32>, vector<1x8xf32>, vector<1x8xf32>, vector<1x8xf32>, vector<1x8xf32>, vector<1x8xf32>, vector<1x8xf32>, vector<1x8xf32>, vector<1x8xf32> -> vector<32x8xf32>
    %iota3A_155 = tpu.iota {dimensions = array<i32: 0>} : vector<32x32xi32>
    %iota3A_156 = tpu.iota {dimensions = array<i32: 1>} : vector<32x32xi32>
    %gt3A = arith.cmpi sgt, %iota3A_155, %iota3A_156 : vector<32x32xi32>
    %convert_element_type3A_157 = arith.extui %gt3A : vector<32x32xi1> to vector<32x32xi32>
    %convert_element_type3A_158 = arith.sitofp %convert_element_type3A_157 : vector<32x32xi32> to vector<32x32xf32>
    %dot_general3A_159 = arith.constant dense<0.000000e+00> : vector<32x8xf32>
    %dot_general3A_160 = tpu.matmul %convert_element_type3A_158, %concatenate3A_154, %dot_general3A_159 {dimension_numbers = #tpu.dot_dimension_numbers<[1], [0], [0], [1], [0, 0, 1, 1], [], []>, precision = #tpu.contract_precision<fp32>, transpose_lhs_hint = false} : vector<32x32xf32>, vector<32x8xf32>, vector<32x8xf32> -> vector<32x8xf32>
    %iota3A_161 = tpu.iota {dimensions = array<i32: 0>} : vector<4096x1xi32>
    %jit3A = arith.constant 128 : i32
    %div3A_162 = vector.broadcast %jit3A : i32 to vector<4096x1xi32>
    %div3A_163 = arith.divsi %iota3A_161, %div3A_162 : vector<4096x1xi32>
    %sign3A = arith.constant 0 : i32
    %sign3A_164 = vector.broadcast %sign3A : i32 to vector<4096x1xi32>
    %sign3A_165 = arith.cmpi sgt, %iota3A_161, %sign3A_164 : vector<4096x1xi32>
    %sign3A_166 = arith.extui %sign3A_165 : vector<4096x1xi1> to vector<4096x1xi32>
    %sign3A_167 = arith.constant 0 : i32
    %sign3A_168 = vector.broadcast %sign3A_167 : i32 to vector<4096x1xi32>
    %sign3A_169 = arith.cmpi slt, %iota3A_161, %sign3A_168 : vector<4096x1xi32>
    %sign3A_170 = arith.extui %sign3A_169 : vector<4096x1xi1> to vector<4096x1xi32>
    %sign3A_171 = arith.subi %sign3A_166, %sign3A_170 : vector<4096x1xi32>
    %sign3A_172 = arith.constant 0 : i32
    %sign3A_173 = arith.cmpi sgt, %jit3A, %sign3A_172 : i32
    %sign3A_174 = arith.extui %sign3A_173 : i1 to i32
    %sign3A_175 = arith.constant 0 : i32
    %sign3A_176 = arith.cmpi slt, %jit3A, %sign3A_175 : i32
    %sign3A_177 = arith.extui %sign3A_176 : i1 to i32
    %sign3A_178 = arith.subi %sign3A_174, %sign3A_177 : i32
    %ne3A = vector.broadcast %sign3A_178 : i32 to vector<4096x1xi32>
    %ne3A_179 = arith.cmpi ne, %sign3A_171, %ne3A : vector<4096x1xi32>
    %rem3A = vector.broadcast %jit3A : i32 to vector<4096x1xi32>
    %rem3A_180 = arith.remsi %iota3A_161, %rem3A : vector<4096x1xi32>
    %ne3A_181 = arith.constant 0 : i32
    %ne3A_182 = vector.broadcast %ne3A_181 : i32 to vector<4096x1xi32>
    %ne3A_183 = arith.cmpi ne, %rem3A_180, %ne3A_182 : vector<4096x1xi32>
    %and3A = arith.andi %ne3A_179, %ne3A_183 : vector<4096x1xi1>
    %sub3A = arith.constant 1 : i32
    %sub3A_184 = vector.broadcast %sub3A : i32 to vector<4096x1xi32>
    %sub3A_185 = arith.subi %div3A_163, %sub3A_184 : vector<4096x1xi32>
    %select_n3A = arith.select %and3A, %sub3A_185, %div3A_163 : vector<4096x1xi1>, vector<4096x1xi32>
    %iota3A_186 = tpu.iota {dimensions = array<i32: 1>} : vector<4096x32xi32>
    %eq3A_187 = vector.broadcast %select_n3A : vector<4096x1xi32> to vector<4096x32xi32>
    %eq3A_188 = arith.cmpi eq, %eq3A_187, %iota3A_186 : vector<4096x32xi32>
    %convert_element_type3A_189 = arith.extui %eq3A_188 : vector<4096x32xi1> to vector<4096x32xi32>
    %convert_element_type3A_190 = arith.sitofp %convert_element_type3A_189 : vector<4096x32xi32> to vector<4096x32xf32>
    %dot_general3A_191 = arith.constant dense<0.000000e+00> : vector<4096x8xf32>
    %dot_general3A_192 = tpu.matmul %convert_element_type3A_190, %dot_general3A_160, %dot_general3A_191 {dimension_numbers = #tpu.dot_dimension_numbers<[1], [0], [0], [1], [0, 0, 1, 1], [], []>, precision = #tpu.contract_precision<fp32>, transpose_lhs_hint = false} : vector<4096x32xf32>, vector<32x8xf32>, vector<4096x8xf32> -> vector<4096x8xf32>
    %add3A_193 = arith.addf %concatenate3A_121, %dot_general3A_192 : vector<4096x8xf32>
    %sub3A_194 = arith.constant 1.000000e+00 : f32
    %sub3A_195 = vector.broadcast %sub3A_194 : f32 to vector<4096x8xf32>
    %sub3A_196 = arith.subf %add3A_193, %sub3A_195 : vector<4096x8xf32>
    %mul3A = arith.mulf %sub3A_196, %concatenate3A : vector<4096x8xf32>
    %reduce_sum3A = arith.constant dense<0.000000e+00> : vector<4096xf32>
    %reduce_sum3A_197 = vector.multi_reduction <add>, %mul3A, %reduce_sum3A [1] : vector<4096x8xf32> to vector<4096xf32>
    %broadcast_in_dim3A = vector.shape_cast %reduce_sum3A_197 : vector<4096xf32> to vector<4096x1xf32>
    %slice3A_198 = vector.extract_strided_slice %concatenate3A_154 {offsets = [31, 0], sizes = [1, 8], strides = [1, 1]} : vector<32x8xf32> to vector<1x8xf32>
    %slice3A_199 = vector.extract_strided_slice %dot_general3A_160 {offsets = [31, 0], sizes = [1, 8], strides = [1, 1]} : vector<32x8xf32> to vector<1x8xf32>
    %add3A_200 = arith.addf %slice3A_198, %slice3A_199 : vector<1x8xf32>
    %convert_element_type3A_201 = arith.fptosi %add3A_200 : vector<1x8xf32> to vector<1x8xi32>
    %add3A_202 = arith.constant 127 : i32
    %add3A_203 = vector.broadcast %add3A_202 : i32 to vector<1x8xi32>
    %add3A_204 = arith.addi %convert_element_type3A_201, %add3A_203 : vector<1x8xi32>
    %shift_right_arithmetic3A = arith.constant 7 : i32
    %shift_right_arithmetic3A_205 = vector.broadcast %shift_right_arithmetic3A : i32 to vector<1x8xi32>
    %shift_right_arithmetic3A_206 = arith.shrsi %add3A_204, %shift_right_arithmetic3A_205 : vector<1x8xi32>
    %iota3A_207 = tpu.iota {dimensions = array<i32: 0>} : vector<8x8xi32>
    %iota3A_208 = tpu.iota {dimensions = array<i32: 1>} : vector<8x8xi32>
    %lt3A = arith.cmpi slt, %iota3A_207, %iota3A_208 : vector<8x8xi32>
    %convert_element_type3A_209 = arith.extui %lt3A : vector<8x8xi1> to vector<8x8xi32>
    %convert_element_type3A_210 = arith.sitofp %convert_element_type3A_209 : vector<8x8xi32> to vector<8x8xf32>
    %convert_element_type3A_211 = arith.sitofp %shift_right_arithmetic3A_206 : vector<1x8xi32> to vector<1x8xf32>
    %dot_general3A_212 = arith.constant dense<0.000000e+00> : vector<1x8xf32>
    %dot_general3A_213 = tpu.matmul %convert_element_type3A_211, %convert_element_type3A_210, %dot_general3A_212 {dimension_numbers = #tpu.dot_dimension_numbers<[1], [0], [0], [1], [0, 0, 1, 1], [], []>, precision = #tpu.contract_precision<fp32>, transpose_lhs_hint = false} : vector<1x8xf32>, vector<8x8xf32>, vector<1x8xf32> -> vector<1x8xf32>
    %mul3A_214 = arith.constant 1.280000e+02 : f32
    %mul3A_215 = vector.broadcast %mul3A_214 : f32 to vector<1x8xf32>
    %mul3A_216 = arith.mulf %dot_general3A_213, %mul3A_215 : vector<1x8xf32>
    %mul3A_217 = vector.broadcast %mul3A_216 : vector<1x8xf32> to vector<4096x8xf32>
    %mul3A_218 = arith.mulf %concatenate3A, %mul3A_217 : vector<4096x8xf32>
    %reduce_sum3A_219 = arith.constant dense<0.000000e+00> : vector<4096xf32>
    %reduce_sum3A_220 = vector.multi_reduction <add>, %mul3A_218, %reduce_sum3A_219 [1] : vector<4096x8xf32> to vector<4096xf32>
    %broadcast_in_dim3A_221 = vector.shape_cast %reduce_sum3A_220 : vector<4096xf32> to vector<4096x1xf32>
    %add3A_222 = arith.addf %broadcast_in_dim3A, %broadcast_in_dim3A_221 : vector<4096x1xf32>
    %convert_element_type3A_223 = arith.fptosi %add3A_222 : vector<4096x1xf32> to vector<4096x1xi32>
    %slice3A_224 = vector.extract_strided_slice %convert_element_type3A_223 {offsets = [0, 0], sizes = [2048, 1], strides = [1, 1]} : vector<4096x1xi32> to vector<2048x1xi32>
    %swap3A_225 = arith.constant 0 : index
    %swap3A_226 = arith.constant 0 : index
    %swap3A_227 = vector.load %arg2[%swap3A_225, %swap3A_226] : memref<2048x1xi32, #tpu.memory_space<vmem>>, vector<2048x1xi32>
    tpu.vector_store %arg2[%swap3A_225, %swap3A_226], %slice3A_224 {strides = array<i32>} : memref<2048x1xi32, #tpu.memory_space<vmem>>, vector<2048x1xi32>,
    %slice3A_228 = vector.extract_strided_slice %convert_element_type3A_223 {offsets = [2048, 0], sizes = [2048, 1], strides = [1, 1]} : vector<4096x1xi32> to vector<2048x1xi32>
    %swap3A_229 = arith.constant 0 : index
    %swap3A_230 = arith.constant 0 : index
    %swap3A_231 = vector.load %arg3[%swap3A_229, %swap3A_230] : memref<2048x1xi32, #tpu.memory_space<vmem>>, vector<2048x1xi32>
    tpu.vector_store %arg3[%swap3A_229, %swap3A_230], %slice3A_228 {strides = array<i32>} : memref<2048x1xi32, #tpu.memory_space<vmem>>, vector<2048x1xi32>,
    %iota3A_232 = tpu.iota {dimensions = array<i32: 0>} : vector<128x8xi32>
    %convert_element_type3A_233 = arith.fptosi %dot_general3A_213 : vector<1x8xf32> to vector<1x8xi32>
    %ge3A_234 = vector.broadcast %convert_element_type3A_233 : vector<1x8xi32> to vector<128x8xi32>
    %ge3A_235 = arith.cmpi sge, %iota3A_232, %ge3A_234 : vector<128x8xi32>
    %convert_element_type3A_236 = arith.extui %ge3A_235 : vector<128x8xi1> to vector<128x8xi32>
    %reduce_sum3A_237 = arith.constant dense<0> : vector<128xi32>
    %reduce_sum3A_238 = vector.multi_reduction <add>, %convert_element_type3A_236, %reduce_sum3A_237 [1] : vector<128x8xi32> to vector<128xi32>
    %broadcast_in_dim3A_239 = vector.shape_cast %reduce_sum3A_238 : vector<128xi32> to vector<128x1xi32>
    %sub3A_240 = arith.constant 1 : i32
    %sub3A_241 = vector.broadcast %sub3A_240 : i32 to vector<128x1xi32>
    %sub3A_242 = arith.subi %broadcast_in_dim3A_239, %sub3A_241 : vector<128x1xi32>
    %max3A = arith.constant 0 : i32
    %max3A_243 = vector.broadcast %max3A : i32 to vector<128x1xi32>
    %max3A_244 = arith.maxsi %sub3A_242, %max3A_243 : vector<128x1xi32>
    %swap3A_245 = arith.constant 0 : index
    %swap3A_246 = arith.constant 0 : index
    %swap3A_247 = vector.load %arg6[%swap3A_245, %swap3A_246] : memref<128x1xi32, #tpu.memory_space<vmem>>, vector<128x1xi32>
    tpu.vector_store %arg6[%swap3A_245, %swap3A_246], %max3A_244 {strides = array<i32>} : memref<128x1xi32, #tpu.memory_space<vmem>>, vector<128x1xi32>,
    %reduce_sum3A_248 = arith.constant dense<0> : vector<1xi32>
    %reduce_sum3A_249 = vector.multi_reduction <add>, %shift_right_arithmetic3A_206, %reduce_sum3A_248 [1] : vector<1x8xi32> to vector<1xi32>
    %broadcast_in_dim3A_250 = vector.shape_cast %reduce_sum3A_249 : vector<1xi32> to vector<1x1xi32>
    %swap3A_251 = arith.constant 0 : index
    %swap3A_252 = arith.constant 0 : index
    %swap3A_253 = vector.load %arg7[%swap3A_251, %swap3A_252] : memref<1x1xi32, #tpu.memory_space<vmem>>, vector<1x1xi32>
    tpu.vector_store %arg7[%swap3A_251, %swap3A_252], %broadcast_in_dim3A_250 {strides = array<i32>} : memref<1x1xi32, #tpu.memory_space<vmem>>, vector<1x1xi32>,
    return
  }
}

module attributes {stable_mosaic.version = 14 : i64} {
  func.func @_gmm1_body(%arg0: i32, %arg1: i32, %arg2: memref<128xi32, #tpu.memory_space<smem>>, %arg3: memref<1xi32, #tpu.memory_space<smem>>, %arg4: memref<128x2048xf32, #tpu.memory_space<vmem>>, %arg5: memref<1x2048x512xbf16, #tpu.memory_space<vmem>>, %arg6: memref<1x2048x512xbf16, #tpu.memory_space<vmem>>, %arg7: memref<128x512xbf16, #tpu.memory_space<vmem>>) attributes {dimension_semantics = [#tpu.dimension_semantics<arbitrary>, #tpu.dimension_semantics<arbitrary>], iteration_bounds = array<i64: 4, 40>, scalar_prefetch = 2 : i64, scratch_operands = 0 : i64, tpu.core_type = #tpu.core_type<tc>, window_params = [{transform_indices = @transform_0, window_bounds = array<i64: 128, 2048>}, {transform_indices = @transform_1, window_bounds = array<i64: 1, 2048, 512>}, {transform_indices = @transform_2, window_bounds = array<i64: 1, 2048, 512>}, {transform_indices = @transform_3, window_bounds = array<i64: 128, 512>}]} {
    %get3A = arith.constant 0 : index
    %get3A_0 = memref.load %arg3[%get3A] : memref<1xi32, #tpu.memory_space<smem>>
    %lt3A = arith.cmpi slt, %arg1, %get3A_0 : i32
    %convert_element_type3A = arith.extui %lt3A : i1 to i32
    %cond3A = arith.constant 0 : i32
    %cond3A_1 = arith.cmpi ne, %convert_element_type3A, %cond3A : i32
    scf.if %cond3A_1 {
      %get3A_2 = arith.constant 0 : index
      %get3A_3 = arith.constant 0 : index
      %get3A_4 = vector.load %arg4[%get3A_2, %get3A_3] : memref<128x2048xf32, #tpu.memory_space<vmem>>, vector<128x2048xf32>
      %convert_element_type3A_5 = arith.truncf %get3A_4 : vector<128x2048xf32> to vector<128x2048xbf16>
      %get3A_6 = arith.constant 0 : index
      %get3A_7 = arith.constant 0 : index
      %get3A_8 = arith.constant 0 : index
      %get3A_9 = vector.load %arg5[%get3A_6, %get3A_7, %get3A_8] : memref<1x2048x512xbf16, #tpu.memory_space<vmem>>, vector<1x2048x512xbf16>
      %get3A_10 = vector.shape_cast %get3A_9 : vector<1x2048x512xbf16> to vector<2048x512xbf16>
      %dot_general3A = arith.constant dense<0.000000e+00> : vector<128x512xf32>
      %dot_general3A_11 = tpu.matmul %convert_element_type3A_5, %get3A_10, %dot_general3A {dimension_numbers = #tpu.dot_dimension_numbers<[1], [0], [0], [1], [0, 0, 1, 1], [], []>, transpose_lhs_hint = false} : vector<128x2048xbf16>, vector<2048x512xbf16>, vector<128x512xf32> -> vector<128x512xf32>
      %get3A_12 = arith.constant 0 : index
      %get3A_13 = arith.constant 0 : index
      %get3A_14 = arith.constant 0 : index
      %get3A_15 = vector.load %arg6[%get3A_12, %get3A_13, %get3A_14] : memref<1x2048x512xbf16, #tpu.memory_space<vmem>>, vector<1x2048x512xbf16>
      %get3A_16 = vector.shape_cast %get3A_15 : vector<1x2048x512xbf16> to vector<2048x512xbf16>
      %dot_general3A_17 = arith.constant dense<0.000000e+00> : vector<128x512xf32>
      %dot_general3A_18 = tpu.matmul %convert_element_type3A_5, %get3A_16, %dot_general3A_17 {dimension_numbers = #tpu.dot_dimension_numbers<[1], [0], [0], [1], [0, 0, 1, 1], [], []>, transpose_lhs_hint = false} : vector<128x2048xbf16>, vector<2048x512xbf16>, vector<128x512xf32> -> vector<128x512xf32>
      %mul3A = arith.constant 5.000000e-01 : f32
      %mul3A_19 = vector.broadcast %mul3A : f32 to vector<128x512xf32>
      %mul3A_20 = arith.mulf %mul3A_19, %dot_general3A_11 : vector<128x512xf32>
      %mul3A_21 = arith.constant 0.707106769 : f32
      %mul3A_22 = vector.broadcast %mul3A_21 : f32 to vector<128x512xf32>
      %mul3A_23 = arith.mulf %dot_general3A_11, %mul3A_22 : vector<128x512xf32>
      %erf3A = math.erf %mul3A_23 : vector<128x512xf32>
      %add3A = arith.constant 1.000000e+00 : f32
      %add3A_24 = vector.broadcast %add3A : f32 to vector<128x512xf32>
      %add3A_25 = arith.addf %add3A_24, %erf3A : vector<128x512xf32>
      %mul3A_26 = arith.mulf %mul3A_20, %add3A_25 : vector<128x512xf32>
      %mul3A_27 = arith.mulf %mul3A_26, %dot_general3A_18 : vector<128x512xf32>
      %convert_element_type3A_28 = arith.truncf %mul3A_27 : vector<128x512xf32> to vector<128x512xbf16>
      %swap3A = arith.constant 0 : index
      %swap3A_29 = arith.constant 0 : index
      %swap3A_30 = vector.load %arg7[%swap3A, %swap3A_29] : memref<128x512xbf16, #tpu.memory_space<vmem>>, vector<128x512xbf16>
      tpu.vector_store %arg7[%swap3A, %swap3A_29], %convert_element_type3A_28 {strides = array<i32>} : memref<128x512xbf16, #tpu.memory_space<vmem>>, vector<128x512xbf16>,
    } else {
    }
    return
  }
  func.func @transform_0(%arg0: i32, %arg1: i32, %arg2: memref<128xi32, #tpu.memory_space<smem>>, %arg3: memref<1xi32, #tpu.memory_space<smem>>) -> (i32, i32) {
    %c0_i32 = arith.constant 0 : i32
    %c0_i32_0 = arith.constant 0 : i32
    return %arg1, %c0_i32 : i32, i32
  }
  func.func @transform_1(%arg0: i32, %arg1: i32, %arg2: memref<128xi32, #tpu.memory_space<smem>>, %arg3: memref<1xi32, #tpu.memory_space<smem>>) -> (i32, i32, i32) {
    %get3A = arith.index_cast %arg1 : i32 to index
    %get3A_0 = memref.load %arg2[%get3A] : memref<128xi32, #tpu.memory_space<smem>>
    %c0_i32 = arith.constant 0 : i32
    %c0_i32_1 = arith.constant 0 : i32
    return %get3A_0, %c0_i32, %arg0 : i32, i32, i32
  }
  func.func @transform_2(%arg0: i32, %arg1: i32, %arg2: memref<128xi32, #tpu.memory_space<smem>>, %arg3: memref<1xi32, #tpu.memory_space<smem>>) -> (i32, i32, i32) {
    %get3A = arith.index_cast %arg1 : i32 to index
    %get3A_0 = memref.load %arg2[%get3A] : memref<128xi32, #tpu.memory_space<smem>>
    %add3A = arith.constant 4 : i32
    %add3A_1 = arith.addi %arg0, %add3A : i32
    %c0_i32 = arith.constant 0 : i32
    %c0_i32_2 = arith.constant 0 : i32
    return %get3A_0, %c0_i32, %add3A_1 : i32, i32, i32
  }
  func.func @transform_3(%arg0: i32, %arg1: i32, %arg2: memref<128xi32, #tpu.memory_space<smem>>, %arg3: memref<1xi32, #tpu.memory_space<smem>>) -> (i32, i32) {
    %c0_i32 = arith.constant 0 : i32
    return %arg1, %arg0 : i32, i32
  }
}

module attributes {stable_mosaic.version = 14 : i64} {
  func.func @_gmm2_body(%arg0: i32, %arg1: i32, %arg2: memref<128xi32, #tpu.memory_space<smem>>, %arg3: memref<1xi32, #tpu.memory_space<smem>>, %arg4: memref<128x2048xbf16, #tpu.memory_space<vmem>>, %arg5: memref<1x2048x512xbf16, #tpu.memory_space<vmem>>, %arg6: memref<128x512xf32, #tpu.memory_space<vmem>>) attributes {dimension_semantics = [#tpu.dimension_semantics<arbitrary>, #tpu.dimension_semantics<arbitrary>], iteration_bounds = array<i64: 4, 40>, scalar_prefetch = 2 : i64, scratch_operands = 0 : i64, tpu.core_type = #tpu.core_type<tc>, window_params = [{transform_indices = @transform_0, window_bounds = array<i64: 128, 2048>}, {transform_indices = @transform_1, window_bounds = array<i64: 1, 2048, 512>}, {transform_indices = @transform_2, window_bounds = array<i64: 128, 512>}]} {
    %get3A = arith.constant 0 : index
    %get3A_0 = memref.load %arg3[%get3A] : memref<1xi32, #tpu.memory_space<smem>>
    %lt3A = arith.cmpi slt, %arg1, %get3A_0 : i32
    %convert_element_type3A = arith.extui %lt3A : i1 to i32
    %cond3A = arith.constant 0 : i32
    %cond3A_1 = arith.cmpi ne, %convert_element_type3A, %cond3A : i32
    scf.if %cond3A_1 {
      %get3A_2 = arith.constant 0 : index
      %get3A_3 = arith.constant 0 : index
      %get3A_4 = vector.load %arg4[%get3A_2, %get3A_3] : memref<128x2048xbf16, #tpu.memory_space<vmem>>, vector<128x2048xbf16>
      %get3A_5 = arith.constant 0 : index
      %get3A_6 = arith.constant 0 : index
      %get3A_7 = arith.constant 0 : index
      %get3A_8 = vector.load %arg5[%get3A_5, %get3A_6, %get3A_7] : memref<1x2048x512xbf16, #tpu.memory_space<vmem>>, vector<1x2048x512xbf16>
      %get3A_9 = vector.shape_cast %get3A_8 : vector<1x2048x512xbf16> to vector<2048x512xbf16>
      %dot_general3A = arith.constant dense<0.000000e+00> : vector<128x512xf32>
      %dot_general3A_10 = tpu.matmul %get3A_4, %get3A_9, %dot_general3A {dimension_numbers = #tpu.dot_dimension_numbers<[1], [0], [0], [1], [0, 0, 1, 1], [], []>, transpose_lhs_hint = false} : vector<128x2048xbf16>, vector<2048x512xbf16>, vector<128x512xf32> -> vector<128x512xf32>
      %swap3A = arith.constant 0 : index
      %swap3A_11 = arith.constant 0 : index
      %swap3A_12 = vector.load %arg6[%swap3A, %swap3A_11] : memref<128x512xf32, #tpu.memory_space<vmem>>, vector<128x512xf32>
      tpu.vector_store %arg6[%swap3A, %swap3A_11], %dot_general3A_10 {strides = array<i32>} : memref<128x512xf32, #tpu.memory_space<vmem>>, vector<128x512xf32>,
    } else {
    }
    return
  }
  func.func @transform_0(%arg0: i32, %arg1: i32, %arg2: memref<128xi32, #tpu.memory_space<smem>>, %arg3: memref<1xi32, #tpu.memory_space<smem>>) -> (i32, i32) {
    %c0_i32 = arith.constant 0 : i32
    %c0_i32_0 = arith.constant 0 : i32
    return %arg1, %c0_i32 : i32, i32
  }
  func.func @transform_1(%arg0: i32, %arg1: i32, %arg2: memref<128xi32, #tpu.memory_space<smem>>, %arg3: memref<1xi32, #tpu.memory_space<smem>>) -> (i32, i32, i32) {
    %get3A = arith.index_cast %arg1 : i32 to index
    %get3A_0 = memref.load %arg2[%get3A] : memref<128xi32, #tpu.memory_space<smem>>
    %c0_i32 = arith.constant 0 : i32
    %c0_i32_1 = arith.constant 0 : i32
    return %get3A_0, %c0_i32, %arg0 : i32, i32, i32
  }
  func.func @transform_2(%arg0: i32, %arg1: i32, %arg2: memref<128xi32, #tpu.memory_space<smem>>, %arg3: memref<1xi32, #tpu.memory_space<smem>>) -> (i32, i32) {
    %c0_i32 = arith.constant 0 : i32
    return %arg1, %arg0 : i32, i32
  }
}

module attributes {stable_mosaic.version = 14 : i64} {
  func.func @_fin_body(%arg0: i32, %arg1: memref<256x2048xf32, #tpu.memory_space<vmem>>, %arg2: memref<256x2048xf32, #tpu.memory_space<vmem>>, %arg3: memref<256x1xf32, #tpu.memory_space<vmem>>, %arg4: memref<256x1xf32, #tpu.memory_space<vmem>>, %arg5: memref<256x2048xf32, #tpu.memory_space<vmem>>, %arg6: memref<1x2048xf32, #tpu.memory_space<vmem>>, %arg7: memref<256x2048xf32, #tpu.memory_space<vmem>>) attributes {dimension_semantics = [#tpu.dimension_semantics<arbitrary>], iteration_bounds = array<i64: 8>, scalar_prefetch = 0 : i64, scratch_operands = 0 : i64, tpu.core_type = #tpu.core_type<tc>, window_params = [{transform_indices = @transform_0, window_bounds = array<i64: 256, 2048>}, {transform_indices = @transform_1, window_bounds = array<i64: 256, 2048>}, {transform_indices = @transform_2, window_bounds = array<i64: 256, 1>}, {transform_indices = @transform_3, window_bounds = array<i64: 256, 1>}, {transform_indices = @transform_4, window_bounds = array<i64: 256, 2048>}, {pipeline_mode = #tpu.pipeline_mode<synchronous>, transform_indices = @transform_5, window_bounds = array<i64: 1, 2048>}, {transform_indices = @transform_6, window_bounds = array<i64: 256, 2048>}]} {
    %get3A = arith.constant 0 : index
    %get3A_0 = arith.constant 0 : index
    %get3A_1 = vector.load %arg1[%get3A, %get3A_0] : memref<256x2048xf32, #tpu.memory_space<vmem>>, vector<256x2048xf32>
    %get3A_2 = arith.constant 0 : index
    %get3A_3 = arith.constant 0 : index
    %get3A_4 = vector.load %arg3[%get3A_2, %get3A_3] : memref<256x1xf32, #tpu.memory_space<vmem>>, vector<256x1xf32>
    %mul3A = vector.broadcast %get3A_4 : vector<256x1xf32> to vector<256x2048xf32>
    %mul3A_5 = arith.mulf %get3A_1, %mul3A : vector<256x2048xf32>
    %get3A_6 = arith.constant 0 : index
    %get3A_7 = arith.constant 0 : index
    %get3A_8 = vector.load %arg2[%get3A_6, %get3A_7] : memref<256x2048xf32, #tpu.memory_space<vmem>>, vector<256x2048xf32>
    %get3A_9 = arith.constant 0 : index
    %get3A_10 = arith.constant 0 : index
    %get3A_11 = vector.load %arg4[%get3A_9, %get3A_10] : memref<256x1xf32, #tpu.memory_space<vmem>>, vector<256x1xf32>
    %mul3A_12 = vector.broadcast %get3A_11 : vector<256x1xf32> to vector<256x2048xf32>
    %mul3A_13 = arith.mulf %get3A_8, %mul3A_12 : vector<256x2048xf32>
    %add3A = arith.addf %mul3A_5, %mul3A_13 : vector<256x2048xf32>
    %get3A_14 = arith.constant 0 : index
    %get3A_15 = arith.constant 0 : index
    %get3A_16 = vector.load %arg5[%get3A_14, %get3A_15] : memref<256x2048xf32, #tpu.memory_space<vmem>>, vector<256x2048xf32>
    %get3A_17 = arith.constant 0 : index
    %get3A_18 = arith.constant 0 : index
    %get3A_19 = vector.load %arg6[%get3A_17, %get3A_18] : memref<1x2048xf32, #tpu.memory_space<vmem>>, vector<1x2048xf32>
    %square3A = arith.mulf %add3A, %add3A : vector<256x2048xf32>
    %reduce_sum3A = arith.constant dense<0.000000e+00> : vector<256xf32>
    %reduce_sum3A_20 = vector.multi_reduction <add>, %square3A, %reduce_sum3A [1] : vector<256x2048xf32> to vector<256xf32>
    %broadcast_in_dim3A = vector.shape_cast %reduce_sum3A_20 : vector<256xf32> to vector<256x1xf32>
    %div3A = arith.constant 2.048000e+03 : f32
    %div3A_21 = vector.broadcast %div3A : f32 to vector<256x1xf32>
    %div3A_22 = arith.divf %broadcast_in_dim3A, %div3A_21 : vector<256x1xf32>
    %add3A_23 = arith.constant 9.99999974E-6 : f32
    %add3A_24 = vector.broadcast %add3A_23 : f32 to vector<256x1xf32>
    %add3A_25 = arith.addf %div3A_22, %add3A_24 : vector<256x1xf32>
    %rsqrt3A = math.rsqrt %add3A_25 : vector<256x1xf32>
    %mul3A_26 = vector.broadcast %rsqrt3A : vector<256x1xf32> to vector<256x2048xf32>
    %mul3A_27 = arith.mulf %add3A, %mul3A_26 : vector<256x2048xf32>
    %mul3A_28 = vector.broadcast %get3A_19 : vector<1x2048xf32> to vector<256x2048xf32>
    %mul3A_29 = arith.mulf %mul3A_27, %mul3A_28 : vector<256x2048xf32>
    %add3A_30 = arith.addf %get3A_16, %mul3A_29 : vector<256x2048xf32>
    %swap3A = arith.constant 0 : index
    %swap3A_31 = arith.constant 0 : index
    %swap3A_32 = vector.load %arg7[%swap3A, %swap3A_31] : memref<256x2048xf32, #tpu.memory_space<vmem>>, vector<256x2048xf32>
    tpu.vector_store %arg7[%swap3A, %swap3A_31], %add3A_30 {strides = array<i32>} : memref<256x2048xf32, #tpu.memory_space<vmem>>, vector<256x2048xf32>,
    return
  }
  func.func @transform_0(%arg0: i32) -> (i32, i32) {
    %c0_i32 = arith.constant 0 : i32
    %c0_i32_0 = arith.constant 0 : i32
    return %arg0, %c0_i32 : i32, i32
  }
  func.func @transform_1(%arg0: i32) -> (i32, i32) {
    %add3A = arith.constant 8 : i32
    %add3A_0 = arith.addi %arg0, %add3A : i32
    %c0_i32 = arith.constant 0 : i32
    %c0_i32_1 = arith.constant 0 : i32
    return %add3A_0, %c0_i32 : i32, i32
  }
  func.func @transform_2(%arg0: i32) -> (i32, i32) {
    %c0_i32 = arith.constant 0 : i32
    %c0_i32_0 = arith.constant 0 : i32
    return %arg0, %c0_i32 : i32, i32
  }
  func.func @transform_3(%arg0: i32) -> (i32, i32) {
    %c0_i32 = arith.constant 0 : i32
    %c0_i32_0 = arith.constant 0 : i32
    return %arg0, %c0_i32 : i32, i32
  }
  func.func @transform_4(%arg0: i32) -> (i32, i32) {
    %c0_i32 = arith.constant 0 : i32
    %c0_i32_0 = arith.constant 0 : i32
    return %arg0, %c0_i32 : i32, i32
  }
  func.func @transform_5(%arg0: i32) -> (i32, i32) {
    %c0_i32 = arith.constant 0 : i32
    %c0_i32_0 = arith.constant 0 : i32
    %c0_i32_1 = arith.constant 0 : i32
    return %c0_i32, %c0_i32_0 : i32, i32
  }
  func.func @transform_6(%arg0: i32) -> (i32, i32) {
    %c0_i32 = arith.constant 0 : i32
    %c0_i32_0 = arith.constant 0 : i32
    return %arg0, %c0_i32 : i32, i32
  }
}

</mosaic_0001>

<sc_bundles>
// kernel: kernel.11.cloned.1.call-start
scs
__scs_entry_jumppad:
0x0: {  	(pc) =	sbr.rel $0x88, $3  }
0x1: {  	(tag) =	ssettag $0x0;
	lr =	simm.s32 $0x1  }
0x2: {  	[smem:$0x3F96] =	sst lr;
	_ =	strace $0xD0000000  }
0x3: {  	_ = 	snop  }
0x4: {  	_ = 	snop  }
0x5: {  	_ = 	snop  }
0x6: {  	_ = 	snop  }
0x7: {  	_ = 	snop  }
__scs_overlays_trampoline_lowered:
0x8: {  	[smem:$0x3FA5] =	sst s0  }
0x9: {  	[smem:$0x3FA6] =	sst s1  }
0xa: {  	[smem:$0x3FA7] =	sst s2  }
0xb: {  	[smem:$0x3FA8] =	sst s3  }
0xc: {  	[smem:$0x3FA9] =	sst s4  }
0xd: {  	[smem:$0x3FAA] =	sst s5  }
0xe: {  	[smem:$0x3FAB] =	sst s6  }
0xf: {  	[smem:$0x3FAC] =	sst s7  }
0x10: {  	[smem:$0x3FAD] =	sst s8  }
0x11: {  	[smem:$0x3FAE] =	sst s9;
	s0 =	simm.s32 @!p0 $0x0  }
0x12: {  	s1 =	sld [smem:$0x3F94];
	s0 =	simm.s32 @p0 $0x1  }
0x13: {  	[smem:$0x3FAF] =	sst s0;
	s0 =	simm.s32 @!p1 $0x0  }
0x14: {  	s2 =	sld [smem:$0x3F93];
	s0 =	simm.s32 @p1 $0x1  }
0x15: {  	[smem:$0x3FB0] =	sst s0;
	s0 =	simm.s32 @!p2 $0x0  }
0x16: {  	s3 =	sld [smem:$0x3FDB];
	s0 =	simm.s32 @p2 $0x1  }
0x17: {  	s4 =	simm.s32 $0x1BF5;
	[smem:$0x3FB2] =	sst s0  }
0x18: {  	s0 =	sld [smem:$0x3F95];
	_ =	swait.ge [sflag:s4], $0x0  }
0x19: {  	s7 =	sld [smem:$0x3F96]  }
0x1a: {  	s8 =	sadd.s32 $0xFFFFE003, lr  }
0x1b: {  	s9 =	sadd.s32 $0xFFFFFEF7, lr;
	s5 =	simm.s32 $0xFFFFFFFF;
	p2 =	slt.u32 s8, $0xFFFFF086  }
0x1c: {  	p1 =	slt.u32 s9, $0xF7A;
	s5 =	simm.s32 @!p2 $0x0  }
0x1d: {  	s5 =	simm.s32 @p1 $0x1;
	p0 =	seq.s32 s7, s2  }
0x1e: {  	s7 =	smul.u32 @!p0 $0xF7A, s2;
	p2 =	seq.s32 @!p0 s5, $0x0  }
0x1f: {  	s9 =	smul.u32 $0xF7A, s1;
	s8 =	simm.s32 @!p0 $0x1BF5;
	p2 =	por !p2, p0  }
0x20: {  	[sflag:s8] =	ssyncset.s32 @!p0 $0xFFFFF086;
	s6 =	sadd.s32 @!p0 s3, s7;
	s7 =	simm.s32 @!p0 $0x108  }
0x21: {  	s3 =	sadd.s32 s3, s9;
	s6 =	sadd.s32 @!p0 $0x88, s6;
	s7 =	simm.s32 @p2 $0x1082  }
0x22: {  	[simem:s7], [sflag:s8] =	dma.local @!p0 [hbm:s6], $0xF7A  }
0x23: {  	s9 =	sor.u32 $0xD0000000, s2;
	s6 =	simm.s32 $0x108;
	_ =	swait.ge @!p0 [sflag:s8], $0x0  }
0x24: {  	s3 =	sadd.s32 $0x88, s3;
	s6 =	simm.s32 @!p1 $0x1082;
	[sflag:s4] =	ssyncset.s32 $0xFFFFF086  }
0x25: {  	[simem:s6], [sflag:s4] =	dma.local [hbm:s3], $0xF7A  }
0x26: {  	[smem:$0x3F96] =	sst s1;
	(tag) =	ssettag s2;
	_ =	strace s9  }
0x27: {  	s1 =	sld [smem:$0x3FA6]  }
0x28: {  	s2 =	sld [smem:$0x3FA7]  }
0x29: {  	s4 =	sld [smem:$0x3FA9]  }
0x2a: {  	p0 =	seq.s32 s5, $0x0;
	s5 =	sld [smem:$0x3FAA]  }
0x2b: {  	s6 =	sld [smem:$0x3FAB]  }
0x2c: {  	s7 =	sld [smem:$0x3FAC]  }
0x2d: {  	s3 =	simm.s32 $0x108;
	s8 =	sld [smem:$0x3FAD]  }
0x2e: {  	s3 =	simm.s32 @!p0 $0x1082;
	s9 =	sld [smem:$0x3FAE]  }
0x2f: {  	lr =	sadd.s32 s0, s3;
	s0 =	sld [smem:$0x3FA5]  }
0x30: {  	s3 =	sld [smem:$0x3FA8]  }
0x31: {  	[smem:$0x3FB1] =	sst s10  }
0x32: {  	s10 =	sld [smem:$0x3FAF];
	_ =	sdelay $0x3  }
0x33: {  	p0 =	seq.s32 s10, $0x1;
	s10 =	sld [smem:$0x3FB1];
	_ =	sdelay $0x3  }
0x34: {  	[smem:$0x3FB1] =	sst s10  }
0x35: {  	s10 =	sld [smem:$0x3FB0];
	_ =	sdelay $0x3  }
0x36: {  	p1 =	seq.s32 s10, $0x1;
	s10 =	sld [smem:$0x3FB1];
	_ =	sdelay $0x3  }
0x37: {  	[smem:$0x3FB1] =	sst s10  }
0x38: {  	s10 =	sld [smem:$0x3FB2]  }
0x39: {  	_ = 	snop;
	(pc) =	sbr.ind lr, $3  }
0x3a: {  	_ = 	snop  }
0x3b: {  	_ = 	snop  }
0x3c: {  	p2 =	seq.s32 s10, $0x1;
	s10 =	sld [smem:$0x3FB1]  }
0x3d: {  	_ =	shalt  }
0x3e: {  	_ =	shalt  }
0x3f: {  	_ =	shalt  }
0x40: {  	_ =	shalt  }
0x41: {  	_ =	shalt  }
0x42: {  	_ =	shalt  }
0x43: {  	_ =	shalt  }
0x44: {  	_ =	shalt  }
0x45: {  	_ =	shalt  }
0x46: {  	_ =	shalt  }
0x47: {  	_ =	shalt  }
0x48: {  	_ =	shalt  }
0x49: {  	_ =	shalt  }
0x4a: {  	_ =	shalt  }
0x4b: {  	_ =	shalt  }
0x4c: {  	_ =	shalt  }
0x4d: {  	_ =	shalt  }
0x4e: {  	_ =	shalt  }
0x4f: {  	_ =	shalt  }
0x50: {  	_ =	shalt  }
0x51: {  	_ =	shalt  }
0x52: {  	_ =	shalt  }
0x53: {  	_ =	shalt  }
0x54: {  	_ =	shalt  }
0x55: {  	_ =	shalt  }
0x56: {  	_ =	shalt  }
0x57: {  	_ =	shalt  }
0x58: {  	_ =	shalt  }
0x59: {  	_ =	shalt  }
0x5a: {  	_ =	shalt  }
0x5b: {  	_ =	shalt  }
0x5c: {  	_ =	shalt  }
0x5d: {  	_ =	shalt  }
0x5e: {  	_ =	shalt  }
0x5f: {  	_ =	shalt  }
0x60: {  	_ =	shalt  }
0x61: {  	_ =	shalt  }
0x62: {  	_ =	shalt  }
0x63: {  	_ =	shalt  }
0x64: {  	_ =	shalt  }
0x65: {  	_ =	shalt  }
0x66: {  	_ =	shalt  }
0x67: {  	_ =	shalt  }
0x68: {  	_ =	shalt  }
0x69: {  	_ =	shalt  }
0x6a: {  	_ =	shalt  }
0x6b: {  	_ =	shalt  }
0x6c: {  	_ =	shalt  }
0x6d: {  	_ =	shalt  }
0x6e: {  	_ =	shalt  }
0x6f: {  	_ =	shalt  }
0x70: {  	_ =	shalt  }
0x71: {  	_ =	shalt  }
0x72: {  	_ =	shalt  }
0x73: {  	_ =	shalt  }
0x74: {  	_ =	shalt  }
0x75: {  	_ =	shalt  }
0x76: {  	_ =	shalt  }
0x77: {  	_ =	shalt  }
0x78: {  	_ =	shalt  }
0x79: {  	_ =	shalt  }
0x7a: {  	_ =	shalt  }
0x7b: {  	_ =	shalt  }
0x7c: {  	_ =	shalt  }
0x7d: {  	_ =	shalt  }
0x7e: {  	_ =	shalt  }
0x7f: {  	_ =	shalt  }
0x80: {  	_ =	shalt  }
0x81: {  	_ =	shalt  }
0x82: {  	_ =	shalt  }
0x83: {  	_ =	shalt  }
0x84: {  	_ =	shalt  }
0x85: {  	_ =	shalt  }
0x86: {  	_ =	shalt  }
0x87: {  	_ =	shalt  }
.Lfunc_end0:
.L_simem_size_0:
called_computation.1_lowered:
.L_overlay_start_0:
0x88: {  	s2 =	sld [smem:$0x3FD9]  }
0x89: {  	s3 =	sld [smem:$0x3FFE];
	_ =	sdelay $0x1  }
0x8a: {  	s1 =	srdreg.scid  }
0x8b: {  	s0 =	sand.u32 $0x1, s1  }
0x8c: {  	s16 =	sshll.u32 s0, $0xA;
	s2 =	sadd.s32 s3, s2  }
0x8d: {  	s2 =	sadd.s32 s2, s16  }
0x8e: {  	[smem:$0x3FBD] =	sst s2  }
0x8f: {  	_ = 	snop  }
0x90: {  	(tm) =	ssettm $0x1  }
0x91: {  	s17 =	sld [smem:$0x3FFB];
	_ =	sdelay $0x3  }
0x92: {  	_ =	strace s17  }
0x93: {  	s2 =	sld [smem:$0x3FFC];
	_ =	sdelay $0x3  }
0x94: {  	_ =	strace s2  }
0x95: {  	s2 =	sld [smem:$0x3FFD];
	_ =	sdelay $0x3  }
0x96: {  	_ =	strace s2  }
0x97: {  	_ =	strace $0x8FFFFFFF  }
0x98: {  	s18 =	sld [smem:$0x3FDB];
	_ =	sdelay $0x1  }
0x99: {  	s19 =	simm.s32 $_scs_section_size  }
0x9a: {  	s4 =	simm.s32 $_size__tile_overlayer_lowered;
	s5 =	simm.s32 $_tile_overlayer_lowered  }
0x9b: {  	s22 =	simm.s32 $0x1BFF;
	s21 =	sshll.u32 s5, $0x1;
	s2 =	sadd.s32 s19, s18  }
0x9c: {  	s6 =	simm.s32 $0x0;
	s20 =	sshll.u32 s4, $0x1;
	s4 =	sadd.s32 s21, s2  }
0x9d: {  	[timem:s6], [sflag:s22] =	dma.local [hbm:s4], s20  }
0x9e: {  	_ =	swait.ge [sflag:s22], s20  }
0x9f: {  	s3 =	ssub.s32 $0x0, s20;
	[sflag:s22] =	ssyncset.done $0x0  }
0xa0: {  	[sflag:s22] =	ssyncadd.s32 s3;
	_ =	sdelay $0x1  }
0xa1: {  	s23 =	simm.s32 $0x1B8B  }
0xa2: {  	_ =	swait.ge [sflag:s23], $0x1  }
0xa3: {  	[sflag:s23] =	ssyncset.done $0x0  }
0xa4: {  	s25 =	simm.s32 $0x1B8E;
	s24 =	sld [smem:$0x3FFE];
	[sflag:s23] =	ssyncadd.s32 $0xFFFFFFFF  }
0xa5: {  	s26 =	simm.s32 $execute0_lowered;
	[smem:$0x3FD2] =	sst s25  }
0xa6: {  	s4 =	sshll.u32 s26, $0x1;
	_ =	strace $0x80000049;
	[dreg:$0x1] =	wrdreg $0xFFFFFFFF  }
0xa7: {  	s28 =	simm.s32 $_size_execute0_lowered;
	s2 =	sadd.s32 s2, s4;
	[dreg:$0x0] =	wrdreg $0x0  }
0xa8: {  	s4 =	sshll.u32 s28, $0x1;
	[dreg:$0x2] =	wrdreg s2  }
0xa9: {  	[dreg:$0x3] =	wrdreg s4  }
0xaa: {  	[dreg:$0x4] =	wrdreg $0xC0  }
0xab: {  	_ =	task [dreg:s6], $0x5FFFF  }
0xac: {  	[dreg:$0x1] =	wrdreg $0xFFFFFFFF  }
0xad: {  	[dreg:$0x0] =	wrdreg $0x60  }
0xae: {  	[dreg:$0x2] =	wrdreg s24  }
0xaf: {  	[dreg:$0x3] =	wrdreg $0x9  }
0xb0: {  	_ =	task.clear_ibuf [dreg:s6], $0x4FFFF;
	_ =	strace $0x90000049  }
0xb1: {  	s29 =	simm.s32 $0x9;
	_ =	strace $0x8000004B  }
0xb2: {  	_ =	swait.ge [sflag:s29], $0x1  }
0xb3: {  	[sflag:s29] =	ssyncadd.s32 $0xFFFFFFFF  }
0xb4: {  	_ =	strace $0x9000004B  }
0xb5: {  	_ =	sfence  }
0xb6: {  	s30 =	sld [smem:$0x0];
	_ =	sdelay $0x2  }
0xb7: {  	s31 =	sshll.u32 s1, $0xD;
	s1 =	sshrl.u32 s1, $0x2  }
0xb8: {  	s3 =	sand.u32 $0x4000, s31;
	s1 =	sadd.s32 s1, s30  }
0xb9: {  	s0 =	sor.u32 s3, s0;
	s1 =	sshll.u32 s1, $0x11  }
0xba: {  	s0 =	sor.u32 s1, s0  }
0xbb: {  	s0 =	sadd.s32 $0x8F2B, s0  }
0xbc: {  	[sflag:s0] =	ssyncadd.remote.s32 $0x1  }
0xbd: {  	_ =	sfence.sel $0xFFFF  }
0xbe: {  	[dreg:$0x0] =	wrdreg $0xFFFFFFFF;
	(pc) =	sbr.abs _section_cstart, $3  }
0xbf: {  	[dreg:$0x1] =	wrdreg $0xFFFFFFFF  }
0xc0: {  	_ =	task.clear_ibuf [dreg:s6], $0x2FFFF;
	_ =	strace $0x9FFFFFFF  }
0xc1: {  	(tm) =	ssettm $0x7FFFFFFF  }
tec
execute0_lowered:
.L_overlay_start_1:
0x0: {  	(tag) =	ssettag $0x1  }
0x1: {  	s0 =	rddreg [dreg:$0x0];
	s1 =	simm.s32 $0x0;
	s4 =	srdreg.scid  }
0x2: {  	s2 =	stileid.u32;
	s28 =	simm.s32 $0x6080;
	s29 =	simm.s32 $0x6880  }
0x3: {  	s30 =	simm.s32 $0x7080;
	s31 =	simm.s32 $0x7880;
	[smem:$0x7FF] =	sst s1  }
0x4: {  	s3 =	sadd.s32 $0x90600, s0;
	s5 =	sadd.s32 $0x90200, s0;
	s4 =	sand.u32 $0x1, s4  }
0x5: {  	s12 =	sadd.s32 $0x90400, s0;
	s6 =	sshll.u32 s2, $0x7;
	s7 =	sshll.u32 s4, $0x6  }
0x6: {  	s8 =	sadd.s32 $0x1D0600, s0;
	s4 =	ssub.s32 $0x2, s4;
	s6 =	sor.u32 s7, s6  }
0x7: {  	_ =	strace $0x8000004A;
	s13 =	sshrl.u32 s4, $0x1;
	s9 =	sshrl.u32 s6, $0x3  }
0x8: {  	s10 =	sor.u32 $0x10, s6;
	s13 =	ssub.s32 s4, s13;
	s17 =	sor.u32 $0x20, s6  }
0x9: {  	s4 =	sadd.s32 $0x90700, s0;
	s14 =	sadd.s32 s5, s9;
	s11 =	sshrl.u32 s10, $0x3  }
0xa: {  	s16 =	sshll.u32 s10, $0x8;
	s10 =	sshll.u32 s17, $0x8;
	s21 =	sadd.s32 s12, s9  }
0xb: {  	s9 =	sadd.s32 $0x90B00, s0;
	s13 =	smax.u32 s13, $0x1;
	[dreg:$0x2] =	wrdreg s14  }
0xc: {  	s15 =	sadd.s32 s5, s11;
	s7 =	sadd.s32 s8, s16;
	s14 =	sshrl.u32 s17, $0x3  }
0xd: {  	s19 =	sadd.s32 s8, s10;
	[dreg:$0x9] =	wrdreg s21;
	s22 =	sadd.s32 s12, s11  }
0xe: {  	s10 =	sadd.s32 $0x90C00, s0;
	s11 =	sadd.s32 $0x90D00, s0;
	[dreg:$0x3] =	wrdreg s15  }
0xf: {  	s17 =	simm.s32 $0x1080;
	s21 =	simm.s32 $0x3080;
	[dreg:$0x4] =	wrdreg s7  }
0x10: {  	s18 =	sadd.s32 s5, s14;
	s15 =	sor.u32 $0x30, s6;
	[dreg:$0x6] =	wrdreg s19  }
0x11: {  	s6 =	sshll.u32 s6, $0x8;
	[dreg:$0xb] =	wrdreg s22;
	s24 =	sadd.s32 s12, s14  }
0x12: {  	s14 =	simm.s32 $0x2;
	s19 =	simm.s32 $0x2080;
	s22 =	simm.s32 $0x3880  }
0x13: {  	[dreg:$0x5] =	wrdreg s18;
	s16 =	sshrl.u32 s15, $0x3;
	s20 =	sshll.u32 s15, $0x8  }
0x14: {  	[dreg:$0xd] =	wrdreg s24;
	s15 =	simm.s32 $0x80;
	s18 =	simm.s32 $0x1880  }
0x15: {  	s24 =	simm.s32 $0x4880;
	s5 =	sadd.s32 s5, s16;
	s7 =	sadd.s32 s8, s20  }
0x16: {  	s26 =	sadd.s32 s12, s16;
	s16 =	simm.s32 $0x880;
	[dreg:$0x7] =	wrdreg s5  }
0x17: {  	s20 =	simm.s32 $0x2880;
	s5 =	sadd.s32 s8, s6;
	[dreg:$0x8] =	wrdreg s7  }
0x18: {  	s6 =	sadd.s32 $0x90800, s0;
	[dreg:$0xf] =	wrdreg s26;
	s8 =	sadd.s32 $0x80000, s5  }
0x19: {  	s7 =	sadd.s32 $0x90900, s0;
	s23 =	sadd.s32 $0x81000, s5;
	[dreg:$0xa] =	wrdreg s8  }
0x1a: {  	v2 =	vlaneseq.u32;
	s26 =	simm.s32 $0x5880;
	s25 =	sadd.s32 $0x82000, s5;
	[dreg:$0xc] =	wrdreg s23  }
0x1b: {  	vm0 =	vmmov $0xffff;
	v1 =	vshrl.u32 v2, $0x3;
	s12 =	sadd.s32 $0x83000, s5;
	s8 =	sadd.s32 $0x90A00, s0;
	[dreg:$0xe] =	wrdreg s25  }
0x1c: {  	v0 =	vand.u32 $0x7, v2;
	v2 =	vor.u32 $0x8, v2;
	v1 =	vmul.u32 $0x8, v1;
	s23 =	simm.s32 $0x4080;
	s25 =	simm.s32 $0x5080;
	s0 =	simm.s32 $0x1  }
.LBB2_1:
0x1d: {  	s2 =	rddreg [dreg:$0x2]  }
0x1e: {  	[tilespmem:s1], [sflag:$0x2] =	stream.linear.gather [hbm4b:s2+s1], $0x10, $0x38;
	[tilespmem:$0x8080] =	vst v63  }
0x1f: {  	_ =	swait.ge [sflag:s14], $0x10  }
0x20: {  	[sflag:s14] =	ssyncset.done $0x0  }
0x21: {  	[sflag:s14] =	ssyncadd.s32 $0xFFFFFFF0  }
0x22: {  	v3 =	vld [tilespmem:$0x0];
	_ =	sdelay $0x4  }
0x23: {  	v4 =	vshll.u32 v3, $0x4  }
0x24: {  	v3 =	vand.u32 $0x7, v3;
	v4 =	vand.u32 $0xFFFFFF80, v4  }
0x25: {  	v3 =	vor.u32 v3, v4  }
0x26: {  	v4 =	vperm.xlane v3, v0;
	_ =	sdelay $0x1  }
0x27: {  	v4 =	vadd.s32 v1, v4;
	_ =	sdelay $0x4  }
0x28: {  	[tilespmem:s15], [sflag:$0x1] =	stream.indirect_vreg.gather [hbm4b:s3+s1], $0x80, v4, vm0, $0xb8;
	[tilespmem:$0x8080] =	vst v63  }
0x29: {  	_ = 	snop  }
0x2a: {  	[tilespmem:s16], [sflag:$0x1] =	stream.indirect_vreg.gather [hbm4b:s4+s1], $0x80, v4, vm0, $0xb8;
	[tilespmem:$0x8080] =	vst v63  }
0x2b: {  	_ = 	snop  }
0x2c: {  	[tilespmem:s17], [sflag:$0x1] =	stream.indirect_vreg.gather [hbm4b:s6+s1], $0x80, v4, vm0, $0xb8;
	[tilespmem:$0x8080] =	vst v63  }
0x2d: {  	_ = 	snop  }
0x2e: {  	[tilespmem:s18], [sflag:$0x1] =	stream.indirect_vreg.gather [hbm4b:s7+s1], $0x80, v4, vm0, $0xb8;
	[tilespmem:$0x8080] =	vst v63  }
0x2f: {  	_ = 	snop  }
0x30: {  	[tilespmem:s19], [sflag:$0x1] =	stream.indirect_vreg.gather [hbm4b:s8+s1], $0x80, v4, vm0, $0xb8;
	[tilespmem:$0x8080] =	vst v63  }
0x31: {  	v3 =	vperm.xlane v3, v2  }
0x32: {  	[tilespmem:s20], [sflag:$0x1] =	stream.indirect_vreg.gather [hbm4b:s9+s1], $0x80, v4, vm0, $0xb8;
	[tilespmem:$0x8080] =	vst v63  }
0x33: {  	v3 =	vadd.s32 v1, v3  }
0x34: {  	[tilespmem:s21], [sflag:$0x1] =	stream.indirect_vreg.gather [hbm4b:s10+s1], $0x80, v4, vm0, $0xb8;
	[tilespmem:$0x8080] =	vst v63  }
0x35: {  	_ = 	snop  }
0x36: {  	[tilespmem:s22], [sflag:$0x1] =	stream.indirect_vreg.gather [hbm4b:s11+s1], $0x80, v4, vm0, $0xb8;
	[tilespmem:$0x8080] =	vst v63  }
0x37: {  	_ = 	snop  }
0x38: {  	[tilespmem:s23], [sflag:$0x1] =	stream.indirect_vreg.gather [hbm4b:s3+s1], $0x80, v3, vm0, $0xb8;
	[tilespmem:$0x8080] =	vst v63  }
0x39: {  	_ = 	snop  }
0x3a: {  	[tilespmem:s24], [sflag:$0x1] =	stream.indirect_vreg.gather [hbm4b:s4+s1], $0x80, v3, vm0, $0xb8;
	[tilespmem:$0x8080] =	vst v63  }
0x3b: {  	_ = 	snop  }
0x3c: {  	[tilespmem:s25], [sflag:$0x1] =	stream.indirect_vreg.gather [hbm4b:s6+s1], $0x80, v3, vm0, $0xb8;
	[tilespmem:$0x8080] =	vst v63  }
0x3d: {  	_ = 	snop  }
0x3e: {  	[tilespmem:s26], [sflag:$0x1] =	stream.indirect_vreg.gather [hbm4b:s7+s1], $0x80, v3, vm0, $0xb8;
	[tilespmem:$0x8080] =	vst v63  }
0x3f: {  	_ = 	snop  }
0x40: {  	[tilespmem:s28], [sflag:$0x1] =	stream.indirect_vreg.gather [hbm4b:s8+s1], $0x80, v3, vm0, $0xb8;
	[tilespmem:$0x8080] =	vst v63  }
0x41: {  	_ = 	snop  }
0x42: {  	[tilespmem:s29], [sflag:$0x1] =	stream.indirect_vreg.gather [hbm4b:s9+s1], $0x80, v3, vm0, $0xb8;
	[tilespmem:$0x8080] =	vst v63  }
0x43: {  	_ = 	snop  }
0x44: {  	[tilespmem:s30], [sflag:$0x1] =	stream.indirect_vreg.gather [hbm4b:s10+s1], $0x80, v3, vm0, $0xb8;
	[tilespmem:$0x8080] =	vst v63  }
0x45: {  	_ = 	snop  }
0x46: {  	[tilespmem:s31], [sflag:$0x1] =	stream.indirect_vreg.gather [hbm4b:s11+s1], $0x80, v3, vm0, $0xb8;
	[tilespmem:$0x8080] =	vst v63  }
0x47: {  	_ =	swait.ge [sflag:s0], $0x8000  }
0x48: {  	[sflag:s0] =	ssyncset.done $0x0  }
0x49: {  	[sflag:s0] =	ssyncadd.s32 $0xFFFF8000  }
0x4a: {  	[hbm4b:s5+s1] =	stream.linear.scatter [tilespmem:s15], [sflag:$0x2], $0x8000, $0x38;
	[tilespmem:$0x8080] =	vst v63  }
0x4b: {  	_ =	swait.ge [sflag:s14], $0x8000  }
0x4c: {  	[sflag:s14] =	ssyncset.done $0x0  }
0x4d: {  	s2 =	rddreg [dreg:$0x3];
	[sflag:s14] =	ssyncadd.s32 $0xFFFF8000  }
0x4e: {  	[tilespmem:s1], [sflag:$0x2] =	stream.linear.gather [hbm4b:s2+s1], $0x10, $0x38;
	[tilespmem:$0x8080] =	vst v63  }
0x4f: {  	_ =	swait.ge [sflag:s14], $0x10  }
0x50: {  	[sflag:s14] =	ssyncset.done $0x0  }
0x51: {  	[sflag:s14] =	ssyncadd.s32 $0xFFFFFFF0  }
0x52: {  	v3 =	vld [tilespmem:$0x0];
	_ =	sdelay $0x4  }
0x53: {  	v57 =	vshll.u32 v3, $0x4  }
0x54: {  	v3 =	vand.u32 $0x7, v3;
	v4 =	vand.u32 $0xFFFFFF80, v57  }
0x55: {  	v3 =	vor.u32 v3, v4  }
0x56: {  	v4 =	vperm.xlane v3, v0;
	_ =	sdelay $0x1  }
0x57: {  	v4 =	vadd.s32 v1, v4;
	_ =	sdelay $0x4  }
0x58: {  	[tilespmem:s15], [sflag:$0x1] =	stream.indirect_vreg.gather [hbm4b:s3+s1], $0x80, v4, vm0, $0xb8;
	[tilespmem:$0x8080] =	vst v63  }
0x59: {  	_ = 	snop  }
0x5a: {  	[tilespmem:s16], [sflag:$0x1] =	stream.indirect_vreg.gather [hbm4b:s4+s1], $0x80, v4, vm0, $0xb8;
	[tilespmem:$0x8080] =	vst v63  }
0x5b: {  	_ = 	snop  }
0x5c: {  	[tilespmem:s17], [sflag:$0x1] =	stream.indirect_vreg.gather [hbm4b:s6+s1], $0x80, v4, vm0, $0xb8;
	[tilespmem:$0x8080] =	vst v63  }
0x5d: {  	_ = 	snop  }
0x5e: {  	[tilespmem:s18], [sflag:$0x1] =	stream.indirect_vreg.gather [hbm4b:s7+s1], $0x80, v4, vm0, $0xb8;
	[tilespmem:$0x8080] =	vst v63  }
0x5f: {  	_ = 	snop  }
0x60: {  	[tilespmem:s19], [sflag:$0x1] =	stream.indirect_vreg.gather [hbm4b:s8+s1], $0x80, v4, vm0, $0xb8;
	[tilespmem:$0x8080] =	vst v63  }
0x61: {  	v3 =	vperm.xlane v3, v2  }
0x62: {  	[tilespmem:s20], [sflag:$0x1] =	stream.indirect_vreg.gather [hbm4b:s9+s1], $0x80, v4, vm0, $0xb8;
	[tilespmem:$0x8080] =	vst v63  }
0x63: {  	v3 =	vadd.s32 v1, v3  }
0x64: {  	[tilespmem:s21], [sflag:$0x1] =	stream.indirect_vreg.gather [hbm4b:s10+s1], $0x80, v4, vm0, $0xb8;
	[tilespmem:$0x8080] =	vst v63  }
0x65: {  	_ = 	snop  }
0x66: {  	[tilespmem:s22], [sflag:$0x1] =	stream.indirect_vreg.gather [hbm4b:s11+s1], $0x80, v4, vm0, $0xb8;
	[tilespmem:$0x8080] =	vst v63  }
0x67: {  	_ = 	snop  }
0x68: {  	[tilespmem:s23], [sflag:$0x1] =	stream.indirect_vreg.gather [hbm4b:s3+s1], $0x80, v3, vm0, $0xb8;
	[tilespmem:$0x8080] =	vst v63  }
0x69: {  	_ = 	snop  }
0x6a: {  	[tilespmem:s24], [sflag:$0x1] =	stream.indirect_vreg.gather [hbm4b:s4+s1], $0x80, v3, vm0, $0xb8;
	[tilespmem:$0x8080] =	vst v63  }
0x6b: {  	_ = 	snop  }
0x6c: {  	[tilespmem:s25], [sflag:$0x1] =	stream.indirect_vreg.gather [hbm4b:s6+s1], $0x80, v3, vm0, $0xb8;
	[tilespmem:$0x8080] =	vst v63  }
0x6d: {  	_ = 	snop  }
0x6e: {  	[tilespmem:s26], [sflag:$0x1] =	stream.indirect_vreg.gather [hbm4b:s7+s1], $0x80, v3, vm0, $0xb8;
	[tilespmem:$0x8080] =	vst v63  }
0x6f: {  	_ = 	snop  }
0x70: {  	[tilespmem:s28], [sflag:$0x1] =	stream.indirect_vreg.gather [hbm4b:s8+s1], $0x80, v3, vm0, $0xb8;
	[tilespmem:$0x8080] =	vst v63  }
0x71: {  	_ = 	snop  }
0x72: {  	[tilespmem:s29], [sflag:$0x1] =	stream.indirect_vreg.gather [hbm4b:s9+s1], $0x80, v3, vm0, $0xb8;
	[tilespmem:$0x8080] =	vst v63  }
0x73: {  	_ = 	snop  }
0x74: {  	[tilespmem:s30], [sflag:$0x1] =	stream.indirect_vreg.gather [hbm4b:s10+s1], $0x80, v3, vm0, $0xb8;
	[tilespmem:$0x8080] =	vst v63  }
0x75: {  	_ = 	snop  }
0x76: {  	[tilespmem:s31], [sflag:$0x1] =	stream.indirect_vreg.gather [hbm4b:s11+s1], $0x80, v3, vm0, $0xb8;
	[tilespmem:$0x8080] =	vst v63  }
0x77: {  	_ =	swait.ge [sflag:s0], $0x8000  }
0x78: {  	[sflag:s0] =	ssyncset.done $0x0  }
0x79: {  	s2 =	rddreg [dreg:$0x4];
	[sflag:s0] =	ssyncadd.s32 $0xFFFF8000  }
0x7a: {  	[hbm4b:s2+s1] =	stream.linear.scatter [tilespmem:s15], [sflag:$0x2], $0x8000, $0x38;
	[tilespmem:$0x8080] =	vst v63  }
0x7b: {  	_ =	swait.ge [sflag:s14], $0x8000  }
0x7c: {  	[sflag:s14] =	ssyncset.done $0x0  }
0x7d: {  	s2 =	rddreg [dreg:$0x5];
	[sflag:s14] =	ssyncadd.s32 $0xFFFF8000  }
0x7e: {  	[tilespmem:s1], [sflag:$0x2] =	stream.linear.gather [hbm4b:s2+s1], $0x10, $0x38;
	[tilespmem:$0x8080] =	vst v63  }
0x7f: {  	_ =	swait.ge [sflag:s14], $0x10  }
0x80: {  	[sflag:s14] =	ssyncset.done $0x0  }
0x81: {  	[sflag:s14] =	ssyncadd.s32 $0xFFFFFFF0  }
0x82: {  	v3 =	vld [tilespmem:$0x0];
	_ =	sdelay $0x4  }
0x83: {  	v58 =	vshll.u32 v3, $0x4  }
0x84: {  	v3 =	vand.u32 $0x7, v3;
	v4 =	vand.u32 $0xFFFFFF80, v58  }
0x85: {  	v3 =	vor.u32 v3, v4  }
0x86: {  	v4 =	vperm.xlane v3, v0;
	_ =	sdelay $0x1  }
0x87: {  	v4 =	vadd.s32 v1, v4;
	_ =	sdelay $0x4  }
0x88: {  	[tilespmem:s15], [sflag:$0x1] =	stream.indirect_vreg.gather [hbm4b:s3+s1], $0x80, v4, vm0, $0xb8;
	[tilespmem:$0x8080] =	vst v63  }
0x89: {  	_ = 	snop  }
0x8a: {  	[tilespmem:s16], [sflag:$0x1] =	stream.indirect_vreg.gather [hbm4b:s4+s1], $0x80, v4, vm0, $0xb8;
	[tilespmem:$0x8080] =	vst v63  }
0x8b: {  	_ = 	snop  }
0x8c: {  	[tilespmem:s17], [sflag:$0x1] =	stream.indirect_vreg.gather [hbm4b:s6+s1], $0x80, v4, vm0, $0xb8;
	[tilespmem:$0x8080] =	vst v63  }
0x8d: {  	_ = 	snop  }
0x8e: {  	[tilespmem:s18], [sflag:$0x1] =	stream.indirect_vreg.gather [hbm4b:s7+s1], $0x80, v4, vm0, $0xb8;
	[tilespmem:$0x8080] =	vst v63  }
0x8f: {  	_ = 	snop  }
0x90: {  	[tilespmem:s19], [sflag:$0x1] =	stream.indirect_vreg.gather [hbm4b:s8+s1], $0x80, v4, vm0, $0xb8;
	[tilespmem:$0x8080] =	vst v63  }
0x91: {  	v3 =	vperm.xlane v3, v2  }
0x92: {  	[tilespmem:s20], [sflag:$0x1] =	stream.indirect_vreg.gather [hbm4b:s9+s1], $0x80, v4, vm0, $0xb8;
	[tilespmem:$0x8080] =	vst v63  }
0x93: {  	v3 =	vadd.s32 v1, v3  }
0x94: {  	[tilespmem:s21], [sflag:$0x1] =	stream.indirect_vreg.gather [hbm4b:s10+s1], $0x80, v4, vm0, $0xb8;
	[tilespmem:$0x8080] =	vst v63  }
0x95: {  	_ = 	snop  }
0x96: {  	[tilespmem:s22], [sflag:$0x1] =	stream.indirect_vreg.gather [hbm4b:s11+s1], $0x80, v4, vm0, $0xb8;
	[tilespmem:$0x8080] =	vst v63  }
0x97: {  	_ = 	snop  }
0x98: {  	[tilespmem:s23], [sflag:$0x1] =	stream.indirect_vreg.gather [hbm4b:s3+s1], $0x80, v3, vm0, $0xb8;
	[tilespmem:$0x8080] =	vst v63  }
0x99: {  	_ = 	snop  }
0x9a: {  	[tilespmem:s24], [sflag:$0x1] =	stream.indirect_vreg.gather [hbm4b:s4+s1], $0x80, v3, vm0, $0xb8;
	[tilespmem:$0x8080] =	vst v63  }
0x9b: {  	_ = 	snop  }
0x9c: {  	[tilespmem:s25], [sflag:$0x1] =	stream.indirect_vreg.gather [hbm4b:s6+s1], $0x80, v3, vm0, $0xb8;
	[tilespmem:$0x8080] =	vst v63  }
0x9d: {  	_ = 	snop  }
0x9e: {  	[tilespmem:s26], [sflag:$0x1] =	stream.indirect_vreg.gather [hbm4b:s7+s1], $0x80, v3, vm0, $0xb8;
	[tilespmem:$0x8080] =	vst v63  }
0x9f: {  	_ = 	snop  }
0xa0: {  	[tilespmem:s28], [sflag:$0x1] =	stream.indirect_vreg.gather [hbm4b:s8+s1], $0x80, v3, vm0, $0xb8;
	[tilespmem:$0x8080] =	vst v63  }
0xa1: {  	_ = 	snop  }
0xa2: {  	[tilespmem:s29], [sflag:$0x1] =	stream.indirect_vreg.gather [hbm4b:s9+s1], $0x80, v3, vm0, $0xb8;
	[tilespmem:$0x8080] =	vst v63  }
0xa3: {  	_ = 	snop  }
0xa4: {  	[tilespmem:s30], [sflag:$0x1] =	stream.indirect_vreg.gather [hbm4b:s10+s1], $0x80, v3, vm0, $0xb8;
	[tilespmem:$0x8080] =	vst v63  }
0xa5: {  	_ = 	snop  }
0xa6: {  	[tilespmem:s31], [sflag:$0x1] =	stream.indirect_vreg.gather [hbm4b:s11+s1], $0x80, v3, vm0, $0xb8;
	[tilespmem:$0x8080] =	vst v63  }
0xa7: {  	_ =	swait.ge [sflag:s0], $0x8000  }
0xa8: {  	[sflag:s0] =	ssyncset.done $0x0  }
0xa9: {  	s2 =	rddreg [dreg:$0x6];
	[sflag:s0] =	ssyncadd.s32 $0xFFFF8000  }
0xaa: {  	[hbm4b:s2+s1] =	stream.linear.scatter [tilespmem:s15], [sflag:$0x2], $0x8000, $0x38;
	[tilespmem:$0x8080] =	vst v63  }
0xab: {  	_ =	swait.ge [sflag:s14], $0x8000  }
0xac: {  	[sflag:s14] =	ssyncset.done $0x0  }
0xad: {  	s2 =	rddreg [dreg:$0x7];
	[sflag:s14] =	ssyncadd.s32 $0xFFFF8000  }
0xae: {  	[tilespmem:s1], [sflag:$0x2] =	stream.linear.gather [hbm4b:s2+s1], $0x10, $0x38;
	[tilespmem:$0x8080] =	vst v63  }
0xaf: {  	_ =	swait.ge [sflag:s14], $0x10  }
0xb0: {  	[sflag:s14] =	ssyncset.done $0x0  }
0xb1: {  	[sflag:s14] =	ssyncadd.s32 $0xFFFFFFF0  }
0xb2: {  	v3 =	vld [tilespmem:$0x0];
	_ =	sdelay $0x4  }
0xb3: {  	v59 =	vshll.u32 v3, $0x4  }
0xb4: {  	v3 =	vand.u32 $0x7, v3;
	v4 =	vand.u32 $0xFFFFFF80, v59  }
0xb5: {  	v3 =	vor.u32 v3, v4  }
0xb6: {  	v4 =	vperm.xlane v3, v0;
	_ =	sdelay $0x1  }
0xb7: {  	v4 =	vadd.s32 v1, v4;
	_ =	sdelay $0x4  }
0xb8: {  	[tilespmem:s15], [sflag:$0x1] =	stream.indirect_vreg.gather [hbm4b:s3+s1], $0x80, v4, vm0, $0xb8;
	[tilespmem:$0x8080] =	vst v63  }
0xb9: {  	_ = 	snop  }
0xba: {  	[tilespmem:s16], [sflag:$0x1] =	stream.indirect_vreg.gather [hbm4b:s4+s1], $0x80, v4, vm0, $0xb8;
	[tilespmem:$0x8080] =	vst v63  }
0xbb: {  	_ = 	snop  }
0xbc: {  	[tilespmem:s17], [sflag:$0x1] =	stream.indirect_vreg.gather [hbm4b:s6+s1], $0x80, v4, vm0, $0xb8;
	[tilespmem:$0x8080] =	vst v63  }
0xbd: {  	_ = 	snop  }
0xbe: {  	[tilespmem:s18], [sflag:$0x1] =	stream.indirect_vreg.gather [hbm4b:s7+s1], $0x80, v4, vm0, $0xb8;
	[tilespmem:$0x8080] =	vst v63  }
0xbf: {  	_ = 	snop  }
0xc0: {  	[tilespmem:s19], [sflag:$0x1] =	stream.indirect_vreg.gather [hbm4b:s8+s1], $0x80, v4, vm0, $0xb8;
	[tilespmem:$0x8080] =	vst v63  }
0xc1: {  	v3 =	vperm.xlane v3, v2  }
0xc2: {  	[tilespmem:s20], [sflag:$0x1] =	stream.indirect_vreg.gather [hbm4b:s9+s1], $0x80, v4, vm0, $0xb8;
	[tilespmem:$0x8080] =	vst v63  }
0xc3: {  	v3 =	vadd.s32 v1, v3  }
0xc4: {  	[tilespmem:s21], [sflag:$0x1] =	stream.indirect_vreg.gather [hbm4b:s10+s1], $0x80, v4, vm0, $0xb8;
	[tilespmem:$0x8080] =	vst v63  }
0xc5: {  	_ = 	snop  }
0xc6: {  	[tilespmem:s22], [sflag:$0x1] =	stream.indirect_vreg.gather [hbm4b:s11+s1], $0x80, v4, vm0, $0xb8;
	[tilespmem:$0x8080] =	vst v63  }
0xc7: {  	_ = 	snop  }
0xc8: {  	[tilespmem:s23], [sflag:$0x1] =	stream.indirect_vreg.gather [hbm4b:s3+s1], $0x80, v3, vm0, $0xb8;
	[tilespmem:$0x8080] =	vst v63  }
0xc9: {  	_ = 	snop  }
0xca: {  	[tilespmem:s24], [sflag:$0x1] =	stream.indirect_vreg.gather [hbm4b:s4+s1], $0x80, v3, vm0, $0xb8;
	[tilespmem:$0x8080] =	vst v63  }
0xcb: {  	_ = 	snop  }
0xcc: {  	[tilespmem:s25], [sflag:$0x1] =	stream.indirect_vreg.gather [hbm4b:s6+s1], $0x80, v3, vm0, $0xb8;
	[tilespmem:$0x8080] =	vst v63  }
0xcd: {  	_ = 	snop  }
0xce: {  	[tilespmem:s26], [sflag:$0x1] =	stream.indirect_vreg.gather [hbm4b:s7+s1], $0x80, v3, vm0, $0xb8;
	[tilespmem:$0x8080] =	vst v63  }
0xcf: {  	_ = 	snop  }
0xd0: {  	[tilespmem:s28], [sflag:$0x1] =	stream.indirect_vreg.gather [hbm4b:s8+s1], $0x80, v3, vm0, $0xb8;
	[tilespmem:$0x8080] =	vst v63  }
0xd1: {  	_ = 	snop  }
0xd2: {  	[tilespmem:s29], [sflag:$0x1] =	stream.indirect_vreg.gather [hbm4b:s9+s1], $0x80, v3, vm0, $0xb8;
	[tilespmem:$0x8080] =	vst v63  }
0xd3: {  	_ = 	snop  }
0xd4: {  	[tilespmem:s30], [sflag:$0x1] =	stream.indirect_vreg.gather [hbm4b:s10+s1], $0x80, v3, vm0, $0xb8;
	[tilespmem:$0x8080] =	vst v63  }
0xd5: {  	_ = 	snop  }
0xd6: {  	[tilespmem:s31], [sflag:$0x1] =	stream.indirect_vreg.gather [hbm4b:s11+s1], $0x80, v3, vm0, $0xb8;
	[tilespmem:$0x8080] =	vst v63  }
0xd7: {  	_ =	swait.ge [sflag:s0], $0x8000  }
0xd8: {  	[sflag:s0] =	ssyncset.done $0x0  }
0xd9: {  	s2 =	rddreg [dreg:$0x8];
	[sflag:s0] =	ssyncadd.s32 $0xFFFF8000  }
0xda: {  	[hbm4b:s2+s1] =	stream.linear.scatter [tilespmem:s15], [sflag:$0x2], $0x8000, $0x38;
	[tilespmem:$0x8080] =	vst v63  }
0xdb: {  	_ =	swait.ge [sflag:s14], $0x8000  }
0xdc: {  	[sflag:s14] =	ssyncset.done $0x0  }
0xdd: {  	s2 =	rddreg [dreg:$0x9];
	[sflag:s14] =	ssyncadd.s32 $0xFFFF8000  }
0xde: {  	[tilespmem:s1], [sflag:$0x2] =	stream.linear.gather [hbm4b:s2+s1], $0x10, $0x38;
	[tilespmem:$0x8080] =	vst v63  }
0xdf: {  	_ =	swait.ge [sflag:s14], $0x10  }
0xe0: {  	[sflag:s14] =	ssyncset.done $0x0  }
0xe1: {  	[sflag:s14] =	ssyncadd.s32 $0xFFFFFFF0  }
0xe2: {  	v3 =	vld [tilespmem:$0x0];
	_ =	sdelay $0x4  }
0xe3: {  	v60 =	vshll.u32 v3, $0x4  }
0xe4: {  	v3 =	vand.u32 $0x7, v3;
	v4 =	vand.u32 $0xFFFFFF80, v60  }
0xe5: {  	v3 =	vor.u32 v3, v4  }
0xe6: {  	v4 =	vperm.xlane v3, v0;
	_ =	sdelay $0x1  }
0xe7: {  	v4 =	vadd.s32 v1, v4;
	_ =	sdelay $0x4  }
0xe8: {  	[tilespmem:s15], [sflag:$0x1] =	stream.indirect_vreg.gather [hbm4b:s3+s1], $0x80, v4, vm0, $0xb8;
	[tilespmem:$0x8080] =	vst v63  }
0xe9: {  	_ = 	snop  }
0xea: {  	[tilespmem:s16], [sflag:$0x1] =	stream.indirect_vreg.gather [hbm4b:s4+s1], $0x80, v4, vm0, $0xb8;
	[tilespmem:$0x8080] =	vst v63  }
0xeb: {  	_ = 	snop  }
0xec: {  	[tilespmem:s17], [sflag:$0x1] =	stream.indirect_vreg.gather [hbm4b:s6+s1], $0x80, v4, vm0, $0xb8;
	[tilespmem:$0x8080] =	vst v63  }
0xed: {  	_ = 	snop  }
0xee: {  	[tilespmem:s18], [sflag:$0x1] =	stream.indirect_vreg.gather [hbm4b:s7+s1], $0x80, v4, vm0, $0xb8;
	[tilespmem:$0x8080] =	vst v63  }
0xef: {  	_ = 	snop  }
0xf0: {  	[tilespmem:s19], [sflag:$0x1] =	stream.indirect_vreg.gather [hbm4b:s8+s1], $0x80, v4, vm0, $0xb8;
	[tilespmem:$0x8080] =	vst v63  }
0xf1: {  	v3 =	vperm.xlane v3, v2  }
0xf2: {  	[tilespmem:s20], [sflag:$0x1] =	stream.indirect_vreg.gather [hbm4b:s9+s1], $0x80, v4, vm0, $0xb8;
	[tilespmem:$0x8080] =	vst v63  }
0xf3: {  	v3 =	vadd.s32 v1, v3  }
0xf4: {  	[tilespmem:s21], [sflag:$0x1] =	stream.indirect_vreg.gather [hbm4b:s10+s1], $0x80, v4, vm0, $0xb8;
	[tilespmem:$0x8080] =	vst v63  }
0xf5: {  	_ = 	snop  }
0xf6: {  	[tilespmem:s22], [sflag:$0x1] =	stream.indirect_vreg.gather [hbm4b:s11+s1], $0x80, v4, vm0, $0xb8;
	[tilespmem:$0x8080] =	vst v63  }
0xf7: {  	_ = 	snop  }
0xf8: {  	[tilespmem:s23], [sflag:$0x1] =	stream.indirect_vreg.gather [hbm4b:s3+s1], $0x80, v3, vm0, $0xb8;
	[tilespmem:$0x8080] =	vst v63  }
0xf9: {  	_ = 	snop  }
0xfa: {  	[tilespmem:s24], [sflag:$0x1] =	stream.indirect_vreg.gather [hbm4b:s4+s1], $0x80, v3, vm0, $0xb8;
	[tilespmem:$0x8080] =	vst v63  }
0xfb: {  	_ = 	snop  }
0xfc: {  	[tilespmem:s25], [sflag:$0x1] =	stream.indirect_vreg.gather [hbm4b:s6+s1], $0x80, v3, vm0, $0xb8;
	[tilespmem:$0x8080] =	vst v63  }
0xfd: {  	_ = 	snop  }
0xfe: {  	[tilespmem:s26], [sflag:$0x1] =	stream.indirect_vreg.gather [hbm4b:s7+s1], $0x80, v3, vm0, $0xb8;
	[tilespmem:$0x8080] =	vst v63  }
0xff: {  	_ = 	snop  }
0x100: {  	[tilespmem:s28], [sflag:$0x1] =	stream.indirect_vreg.gather [hbm4b:s8+s1], $0x80, v3, vm0, $0xb8;
	[tilespmem:$0x8080] =	vst v63  }
0x101: {  	_ = 	snop  }
0x102: {  	[tilespmem:s29], [sflag:$0x1] =	stream.indirect_vreg.gather [hbm4b:s9+s1], $0x80, v3, vm0, $0xb8;
	[tilespmem:$0x8080] =	vst v63  }
0x103: {  	_ = 	snop  }
0x104: {  	[tilespmem:s30], [sflag:$0x1] =	stream.indirect_vreg.gather [hbm4b:s10+s1], $0x80, v3, vm0, $0xb8;
	[tilespmem:$0x8080] =	vst v63  }
0x105: {  	_ = 	snop  }
0x106: {  	[tilespmem:s31], [sflag:$0x1] =	stream.indirect_vreg.gather [hbm4b:s11+s1], $0x80, v3, vm0, $0xb8;
	[tilespmem:$0x8080] =	vst v63  }
0x107: {  	_ =	swait.ge [sflag:s0], $0x8000  }
0x108: {  	[sflag:s0] =	ssyncset.done $0x0  }
0x109: {  	s2 =	rddreg [dreg:$0xa];
	[sflag:s0] =	ssyncadd.s32 $0xFFFF8000  }
0x10a: {  	[hbm4b:s2+s1] =	stream.linear.scatter [tilespmem:s15], [sflag:$0x2], $0x8000, $0x38;
	[tilespmem:$0x8080] =	vst v63  }
0x10b: {  	_ =	swait.ge [sflag:s14], $0x8000  }
0x10c: {  	[sflag:s14] =	ssyncset.done $0x0  }
0x10d: {  	s2 =	rddreg [dreg:$0xb];
	[sflag:s14] =	ssyncadd.s32 $0xFFFF8000  }
0x10e: {  	[tilespmem:s1], [sflag:$0x2] =	stream.linear.gather [hbm4b:s2+s1], $0x10, $0x38;
	[tilespmem:$0x8080] =	vst v63  }
0x10f: {  	_ =	swait.ge [sflag:s14], $0x10  }
0x110: {  	[sflag:s14] =	ssyncset.done $0x0  }
0x111: {  	[sflag:s14] =	ssyncadd.s32 $0xFFFFFFF0  }
0x112: {  	v3 =	vld [tilespmem:$0x0];
	_ =	sdelay $0x4  }
0x113: {  	v61 =	vshll.u32 v3, $0x4  }
0x114: {  	v3 =	vand.u32 $0x7, v3;
	v4 =	vand.u32 $0xFFFFFF80, v61  }
0x115: {  	v3 =	vor.u32 v3, v4  }
0x116: {  	v4 =	vperm.xlane v3, v0;
	_ =	sdelay $0x1  }
0x117: {  	v4 =	vadd.s32 v1, v4;
	_ =	sdelay $0x4  }
0x118: {  	[tilespmem:s15], [sflag:$0x1] =	stream.indirect_vreg.gather [hbm4b:s3+s1], $0x80, v4, vm0, $0xb8;
	[tilespmem:$0x8080] =	vst v63  }
0x119: {  	_ = 	snop  }
0x11a: {  	[tilespmem:s16], [sflag:$0x1] =	stream.indirect_vreg.gather [hbm4b:s4+s1], $0x80, v4, vm0, $0xb8;
	[tilespmem:$0x8080] =	vst v63  }
0x11b: {  	_ = 	snop  }
0x11c: {  	[tilespmem:s17], [sflag:$0x1] =	stream.indirect_vreg.gather [hbm4b:s6+s1], $0x80, v4, vm0, $0xb8;
	[tilespmem:$0x8080] =	vst v63  }
0x11d: {  	_ = 	snop  }
0x11e: {  	[tilespmem:s18], [sflag:$0x1] =	stream.indirect_vreg.gather [hbm4b:s7+s1], $0x80, v4, vm0, $0xb8;
	[tilespmem:$0x8080] =	vst v63  }
0x11f: {  	_ = 	snop  }
0x120: {  	[tilespmem:s19], [sflag:$0x1] =	stream.indirect_vreg.gather [hbm4b:s8+s1], $0x80, v4, vm0, $0xb8;
	[tilespmem:$0x8080] =	vst v63  }
0x121: {  	v3 =	vperm.xlane v3, v2  }
0x122: {  	[tilespmem:s20], [sflag:$0x1] =	stream.indirect_vreg.gather [hbm4b:s9+s1], $0x80, v4, vm0, $0xb8;
	[tilespmem:$0x8080] =	vst v63  }
0x123: {  	v3 =	vadd.s32 v1, v3  }
0x124: {  	[tilespmem:s21], [sflag:$0x1] =	stream.indirect_vreg.gather [hbm4b:s10+s1], $0x80, v4, vm0, $0xb8;
	[tilespmem:$0x8080] =	vst v63  }
0x125: {  	_ = 	snop  }
0x126: {  	[tilespmem:s22], [sflag:$0x1] =	stream.indirect_vreg.gather [hbm4b:s11+s1], $0x80, v4, vm0, $0xb8;
	[tilespmem:$0x8080] =	vst v63  }
0x127: {  	_ = 	snop  }
0x128: {  	[tilespmem:s23], [sflag:$0x1] =	stream.indirect_vreg.gather [hbm4b:s3+s1], $0x80, v3, vm0, $0xb8;
	[tilespmem:$0x8080] =	vst v63  }
0x129: {  	_ = 	snop  }
0x12a: {  	[tilespmem:s24], [sflag:$0x1] =	stream.indirect_vreg.gather [hbm4b:s4+s1], $0x80, v3, vm0, $0xb8;
	[tilespmem:$0x8080] =	vst v63  }
0x12b: {  	_ = 	snop  }
0x12c: {  	[tilespmem:s25], [sflag:$0x1] =	stream.indirect_vreg.gather [hbm4b:s6+s1], $0x80, v3, vm0, $0xb8;
	[tilespmem:$0x8080] =	vst v63  }
0x12d: {  	_ = 	snop  }
0x12e: {  	[tilespmem:s26], [sflag:$0x1] =	stream.indirect_vreg.gather [hbm4b:s7+s1], $0x80, v3, vm0, $0xb8;
	[tilespmem:$0x8080] =	vst v63  }
0x12f: {  	_ = 	snop  }
0x130: {  	[tilespmem:s28], [sflag:$0x1] =	stream.indirect_vreg.gather [hbm4b:s8+s1], $0x80, v3, vm0, $0xb8;
	[tilespmem:$0x8080] =	vst v63  }
0x131: {  	_ = 	snop  }
0x132: {  	[tilespmem:s29], [sflag:$0x1] =	stream.indirect_vreg.gather [hbm4b:s9+s1], $0x80, v3, vm0, $0xb8;
	[tilespmem:$0x8080] =	vst v63  }
0x133: {  	_ = 	snop  }
0x134: {  	[tilespmem:s30], [sflag:$0x1] =	stream.indirect_vreg.gather [hbm4b:s10+s1], $0x80, v3, vm0, $0xb8;
	[tilespmem:$0x8080] =	vst v63  }
0x135: {  	_ = 	snop  }
0x136: {  	[tilespmem:s31], [sflag:$0x1] =	stream.indirect_vreg.gather [hbm4b:s11+s1], $0x80, v3, vm0, $0xb8;
	[tilespmem:$0x8080] =	vst v63  }
0x137: {  	_ =	swait.ge [sflag:s0], $0x8000  }
0x138: {  	[sflag:s0] =	ssyncset.done $0x0  }
0x139: {  	s2 =	rddreg [dreg:$0xc];
	[sflag:s0] =	ssyncadd.s32 $0xFFFF8000  }
0x13a: {  	[hbm4b:s2+s1] =	stream.linear.scatter [tilespmem:s15], [sflag:$0x2], $0x8000, $0x38;
	[tilespmem:$0x8080] =	vst v63  }
0x13b: {  	_ =	swait.ge [sflag:s14], $0x8000  }
0x13c: {  	[sflag:s14] =	ssyncset.done $0x0  }
0x13d: {  	s2 =	rddreg [dreg:$0xd];
	[sflag:s14] =	ssyncadd.s32 $0xFFFF8000  }
0x13e: {  	[tilespmem:s1], [sflag:$0x2] =	stream.linear.gather [hbm4b:s2+s1], $0x10, $0x38;
	[tilespmem:$0x8080] =	vst v63  }
0x13f: {  	_ =	swait.ge [sflag:s14], $0x10  }
0x140: {  	[sflag:s14] =	ssyncset.done $0x0  }
0x141: {  	[sflag:s14] =	ssyncadd.s32 $0xFFFFFFF0  }
0x142: {  	v3 =	vld [tilespmem:$0x0];
	_ =	sdelay $0x4  }
0x143: {  	v62 =	vshll.u32 v3, $0x4  }
0x144: {  	v3 =	vand.u32 $0x7, v3;
	v4 =	vand.u32 $0xFFFFFF80, v62  }
0x145: {  	v3 =	vor.u32 v3, v4  }
0x146: {  	v4 =	vperm.xlane v3, v0;
	_ =	sdelay $0x1  }
0x147: {  	v4 =	vadd.s32 v1, v4;
	_ =	sdelay $0x4  }
0x148: {  	[tilespmem:s15], [sflag:$0x1] =	stream.indirect_vreg.gather [hbm4b:s3+s1], $0x80, v4, vm0, $0xb8;
	[tilespmem:$0x8080] =	vst v63  }
0x149: {  	_ = 	snop  }
0x14a: {  	[tilespmem:s16], [sflag:$0x1] =	stream.indirect_vreg.gather [hbm4b:s4+s1], $0x80, v4, vm0, $0xb8;
	[tilespmem:$0x8080] =	vst v63  }
0x14b: {  	_ = 	snop  }
0x14c: {  	[tilespmem:s17], [sflag:$0x1] =	stream.indirect_vreg.gather [hbm4b:s6+s1], $0x80, v4, vm0, $0xb8;
	[tilespmem:$0x8080] =	vst v63  }
0x14d: {  	_ = 	snop  }
0x14e: {  	[tilespmem:s18], [sflag:$0x1] =	stream.indirect_vreg.gather [hbm4b:s7+s1], $0x80, v4, vm0, $0xb8;
	[tilespmem:$0x8080] =	vst v63  }
0x14f: {  	_ = 	snop  }
0x150: {  	[tilespmem:s19], [sflag:$0x1] =	stream.indirect_vreg.gather [hbm4b:s8+s1], $0x80, v4, vm0, $0xb8;
	[tilespmem:$0x8080] =	vst v63  }
0x151: {  	v3 =	vperm.xlane v3, v2  }
0x152: {  	[tilespmem:s20], [sflag:$0x1] =	stream.indirect_vreg.gather [hbm4b:s9+s1], $0x80, v4, vm0, $0xb8;
	[tilespmem:$0x8080] =	vst v63  }
0x153: {  	v3 =	vadd.s32 v1, v3  }
0x154: {  	[tilespmem:s21], [sflag:$0x1] =	stream.indirect_vreg.gather [hbm4b:s10+s1], $0x80, v4, vm0, $0xb8;
	[tilespmem:$0x8080] =	vst v63  }
0x155: {  	_ = 	snop  }
0x156: {  	[tilespmem:s22], [sflag:$0x1] =	stream.indirect_vreg.gather [hbm4b:s11+s1], $0x80, v4, vm0, $0xb8;
	[tilespmem:$0x8080] =	vst v63  }
0x157: {  	_ = 	snop  }
0x158: {  	[tilespmem:s23], [sflag:$0x1] =	stream.indirect_vreg.gather [hbm4b:s3+s1], $0x80, v3, vm0, $0xb8;
	[tilespmem:$0x8080] =	vst v63  }
0x159: {  	_ = 	snop  }
0x15a: {  	[tilespmem:s24], [sflag:$0x1] =	stream.indirect_vreg.gather [hbm4b:s4+s1], $0x80, v3, vm0, $0xb8;
	[tilespmem:$0x8080] =	vst v63  }
0x15b: {  	_ = 	snop  }
0x15c: {  	[tilespmem:s25], [sflag:$0x1] =	stream.indirect_vreg.gather [hbm4b:s6+s1], $0x80, v3, vm0, $0xb8;
	[tilespmem:$0x8080] =	vst v63  }
0x15d: {  	_ = 	snop  }
0x15e: {  	[tilespmem:s26], [sflag:$0x1] =	stream.indirect_vreg.gather [hbm4b:s7+s1], $0x80, v3, vm0, $0xb8;
	[tilespmem:$0x8080] =	vst v63  }
0x15f: {  	_ = 	snop  }
0x160: {  	[tilespmem:s28], [sflag:$0x1] =	stream.indirect_vreg.gather [hbm4b:s8+s1], $0x80, v3, vm0, $0xb8;
	[tilespmem:$0x8080] =	vst v63  }
0x161: {  	_ = 	snop  }
0x162: {  	[tilespmem:s29], [sflag:$0x1] =	stream.indirect_vreg.gather [hbm4b:s9+s1], $0x80, v3, vm0, $0xb8;
	[tilespmem:$0x8080] =	vst v63  }
0x163: {  	_ = 	snop  }
0x164: {  	[tilespmem:s30], [sflag:$0x1] =	stream.indirect_vreg.gather [hbm4b:s10+s1], $0x80, v3, vm0, $0xb8;
	[tilespmem:$0x8080] =	vst v63  }
0x165: {  	_ = 	snop  }
0x166: {  	[tilespmem:s31], [sflag:$0x1] =	stream.indirect_vreg.gather [hbm4b:s11+s1], $0x80, v3, vm0, $0xb8;
	[tilespmem:$0x8080] =	vst v63  }
0x167: {  	_ =	swait.ge [sflag:s0], $0x8000  }
0x168: {  	[sflag:s0] =	ssyncset.done $0x0  }
0x169: {  	s2 =	rddreg [dreg:$0xe];
	[sflag:s0] =	ssyncadd.s32 $0xFFFF8000  }
0x16a: {  	[hbm4b:s2+s1] =	stream.linear.scatter [tilespmem:s15], [sflag:$0x2], $0x8000, $0x38;
	[tilespmem:$0x8080] =	vst v63  }
0x16b: {  	_ =	swait.ge [sflag:s14], $0x8000  }
0x16c: {  	[sflag:s14] =	ssyncset.done $0x0  }
0x16d: {  	s2 =	rddreg [dreg:$0xf];
	[sflag:s14] =	ssyncadd.s32 $0xFFFF8000  }
0x16e: {  	[tilespmem:s1], [sflag:$0x2] =	stream.linear.gather [hbm4b:s2+s1], $0x10, $0x38;
	[tilespmem:$0x8080] =	vst v63  }
0x16f: {  	_ =	swait.ge [sflag:s14], $0x10  }
0x170: {  	[sflag:s14] =	ssyncset.done $0x0  }
0x171: {  	[sflag:s14] =	ssyncadd.s32 $0xFFFFFFF0  }
0x172: {  	v3 =	vld [tilespmem:$0x0];
	_ =	sdelay $0x4  }
0x173: {  	v63 =	vshll.u32 v3, $0x4  }
0x174: {  	v3 =	vand.u32 $0x7, v3;
	v4 =	vand.u32 $0xFFFFFF80, v63  }
0x175: {  	v3 =	vor.u32 v3, v4  }
0x176: {  	v4 =	vperm.xlane v3, v0;
	_ =	sdelay $0x1  }
0x177: {  	v4 =	vadd.s32 v1, v4;
	_ =	sdelay $0x4  }
0x178: {  	[tilespmem:s15], [sflag:$0x1] =	stream.indirect_vreg.gather [hbm4b:s3+s1], $0x80, v4, vm0, $0xb8;
	[tilespmem:$0x8080] =	vst v63  }
0x179: {  	_ = 	snop  }
0x17a: {  	[tilespmem:s16], [sflag:$0x1] =	stream.indirect_vreg.gather [hbm4b:s4+s1], $0x80, v4, vm0, $0xb8;
	[tilespmem:$0x8080] =	vst v63  }
0x17b: {  	_ = 	snop  }
0x17c: {  	[tilespmem:s17], [sflag:$0x1] =	stream.indirect_vreg.gather [hbm4b:s6+s1], $0x80, v4, vm0, $0xb8;
	[tilespmem:$0x8080] =	vst v63  }
0x17d: {  	_ = 	snop  }
0x17e: {  	[tilespmem:s18], [sflag:$0x1] =	stream.indirect_vreg.gather [hbm4b:s7+s1], $0x80, v4, vm0, $0xb8;
	[tilespmem:$0x8080] =	vst v63  }
0x17f: {  	_ = 	snop  }
0x180: {  	[tilespmem:s19], [sflag:$0x1] =	stream.indirect_vreg.gather [hbm4b:s8+s1], $0x80, v4, vm0, $0xb8;
	[tilespmem:$0x8080] =	vst v63  }
0x181: {  	v3 =	vperm.xlane v3, v2  }
0x182: {  	[tilespmem:s20], [sflag:$0x1] =	stream.indirect_vreg.gather [hbm4b:s9+s1], $0x80, v4, vm0, $0xb8;
	[tilespmem:$0x8080] =	vst v63  }
0x183: {  	v3 =	vadd.s32 v1, v3  }
0x184: {  	[tilespmem:s21], [sflag:$0x1] =	stream.indirect_vreg.gather [hbm4b:s10+s1], $0x80, v4, vm0, $0xb8;
	[tilespmem:$0x8080] =	vst v63  }
0x185: {  	_ = 	snop  }
0x186: {  	[tilespmem:s22], [sflag:$0x1] =	stream.indirect_vreg.gather [hbm4b:s11+s1], $0x80, v4, vm0, $0xb8;
	[tilespmem:$0x8080] =	vst v63  }
0x187: {  	_ = 	snop  }
0x188: {  	[tilespmem:s23], [sflag:$0x1] =	stream.indirect_vreg.gather [hbm4b:s3+s1], $0x80, v3, vm0, $0xb8;
	[tilespmem:$0x8080] =	vst v63  }
0x189: {  	_ = 	snop  }
0x18a: {  	[tilespmem:s24], [sflag:$0x1] =	stream.indirect_vreg.gather [hbm4b:s4+s1], $0x80, v3, vm0, $0xb8;
	[tilespmem:$0x8080] =	vst v63  }
0x18b: {  	_ = 	snop  }
0x18c: {  	[tilespmem:s25], [sflag:$0x1] =	stream.indirect_vreg.gather [hbm4b:s6+s1], $0x80, v3, vm0, $0xb8;
	[tilespmem:$0x8080] =	vst v63  }
0x18d: {  	_ = 	snop  }
0x18e: {  	[tilespmem:s26], [sflag:$0x1] =	stream.indirect_vreg.gather [hbm4b:s7+s1], $0x80, v3, vm0, $0xb8;
	[tilespmem:$0x8080] =	vst v63  }
0x18f: {  	_ = 	snop  }
0x190: {  	[tilespmem:s28], [sflag:$0x1] =	stream.indirect_vreg.gather [hbm4b:s8+s1], $0x80, v3, vm0, $0xb8;
	[tilespmem:$0x8080] =	vst v63  }
0x191: {  	_ = 	snop  }
0x192: {  	[tilespmem:s29], [sflag:$0x1] =	stream.indirect_vreg.gather [hbm4b:s9+s1], $0x80, v3, vm0, $0xb8;
	[tilespmem:$0x8080] =	vst v63  }
0x193: {  	_ = 	snop  }
0x194: {  	[tilespmem:s30], [sflag:$0x1] =	stream.indirect_vreg.gather [hbm4b:s10+s1], $0x80, v3, vm0, $0xb8;
	[tilespmem:$0x8080] =	vst v63  }
0x195: {  	_ = 	snop  }
0x196: {  	[tilespmem:s31], [sflag:$0x1] =	stream.indirect_vreg.gather [hbm4b:s11+s1], $0x80, v3, vm0, $0xb8;
	[tilespmem:$0x8080] =	vst v63  }
0x197: {  	_ =	swait.ge [sflag:s0], $0x8000  }
0x198: {  	p0 =	sne.s32 s13, $0x1;
	[sflag:s0] =	ssyncset.done $0x0  }
.Ltmp0:
0x199: {  	[sflag:s0] =	ssyncadd.s32 $0xFFFF8000;
	(pc) =	sbr.rel @p0 .LBB2_1-.Ltmp0, $4  }
0x19a: {  	[hbm4b:s12+s1] =	stream.linear.scatter [tilespmem:s15], [sflag:$0x2], $0x8000, $0x38;
	[tilespmem:$0x8080] =	vst v63  }
0x19b: {  	_ =	swait.ge [sflag:s14], $0x8000  }
0x19c: {  	[sflag:s14] =	ssyncset.done $0x0  }
0x19d: {  	s13 =	sadd.s32 $0xFFFFFFFF, s13;
	[sflag:s14] =	ssyncadd.s32 $0xFFFF8000  }
0x19e: {  	_ =	sfence.sel $0x180000  }
0x19f: {  	[bflag:$0x0] =	sbarrier.arrive $0xFFFF  }
0x1a0: {  	_ =	strace $0x9000004A  }
0x1a1: {  	s0 =	stileid.u32;
	[bflag:$0x2] =	sbarrier.arrive $0xFFFF  }
0x1a2: {  	p0 =	sne.s32 s0, $0x0;
	s0 =	rddreg [dreg:$0x1]  }
0x1a3: {  	s0 =	sadd.s32 @!p0 $0x100000, s0  }
0x1a4: {  	[sflag:s0] =	ssyncadd.tile.s32 @!p0 $0x1;
	_ =	shalt  }
.Lfunc_end2:
_tile_overlayer_lowered:
.L_overlay_start_2:
0x1a5: {  	(tag) =	ssettag $0x2  }
0x1a6: {  	s0 =	rddreg [dreg:$0x0];
	s2 =	stileid.u32  }
0x1a7: {  	s1 =	rddreg [dreg:$0x1];
	p0 =	sne.s32 s2, $0x0  }
0x1a8: {  	s3 =	rddreg [dreg:$0x2];
	[bflag:$0x3] =	sbarrier.arrive $0xFFFF;
	s2 =	simm.s32 @!p0 $0x1C02  }
0x1a9: {  	[timem:s3], [sflag:s2] =	dma.local @!p0 [hbm:s0], s1  }
0x1aa: {  	s0 =	simm.s32 @!p0 $0x2  }
0x1ab: {  	_ =	swait.ge @!p0 [sflag:s0], s1  }
0x1ac: {  	s1 =	ssub.s32 @!p0 $0x0, s1;
	[sflag:s0] =	ssyncset.done @!p0 $0x0  }
0x1ad: {  	[sflag:s0] =	ssyncadd.s32 @!p0 s1  }
0x1ae: {  	[bflag:$0x3] =	sbarrier.arrive $0xFFFF  }
0x1af: {  	_ =	shalt  }

// kernel: kernel.8.cloned.1.call-start
scs
__scs_entry_jumppad:
0x0: {  	(pc) =	sbr.rel $0x88, $3  }
0x1: {  	(tag) =	ssettag $0x0;
	lr =	simm.s32 $0x1  }
0x2: {  	[smem:$0x3F96] =	sst lr;
	_ =	strace $0xD0000000  }
0x3: {  	_ = 	snop  }
0x4: {  	_ = 	snop  }
0x5: {  	_ = 	snop  }
0x6: {  	_ = 	snop  }
0x7: {  	_ = 	snop  }
__scs_overlays_trampoline_lowered:
0x8: {  	[smem:$0x3FA5] =	sst s0  }
0x9: {  	[smem:$0x3FA6] =	sst s1  }
0xa: {  	[smem:$0x3FA7] =	sst s2  }
0xb: {  	[smem:$0x3FA8] =	sst s3  }
0xc: {  	[smem:$0x3FA9] =	sst s4  }
0xd: {  	[smem:$0x3FAA] =	sst s5  }
0xe: {  	[smem:$0x3FAB] =	sst s6  }
0xf: {  	[smem:$0x3FAC] =	sst s7  }
0x10: {  	[smem:$0x3FAD] =	sst s8  }
0x11: {  	[smem:$0x3FAE] =	sst s9;
	s0 =	simm.s32 @!p0 $0x0  }
0x12: {  	s1 =	sld [smem:$0x3F94];
	s0 =	simm.s32 @p0 $0x1  }
0x13: {  	[smem:$0x3FAF] =	sst s0;
	s0 =	simm.s32 @!p1 $0x0  }
0x14: {  	s2 =	sld [smem:$0x3F93];
	s0 =	simm.s32 @p1 $0x1  }
0x15: {  	[smem:$0x3FB0] =	sst s0;
	s0 =	simm.s32 @!p2 $0x0  }
0x16: {  	s3 =	sld [smem:$0x3FDB];
	s0 =	simm.s32 @p2 $0x1  }
0x17: {  	s4 =	simm.s32 $0x1BF5;
	[smem:$0x3FB2] =	sst s0  }
0x18: {  	s0 =	sld [smem:$0x3F95];
	_ =	swait.ge [sflag:s4], $0x0  }
0x19: {  	s7 =	sld [smem:$0x3F96]  }
0x1a: {  	s8 =	sadd.s32 $0xFFFFE003, lr  }
0x1b: {  	s9 =	sadd.s32 $0xFFFFFEF7, lr;
	s5 =	simm.s32 $0xFFFFFFFF;
	p2 =	slt.u32 s8, $0xFFFFF086  }
0x1c: {  	p1 =	slt.u32 s9, $0xF7A;
	s5 =	simm.s32 @!p2 $0x0  }
0x1d: {  	s5 =	simm.s32 @p1 $0x1;
	p0 =	seq.s32 s7, s2  }
0x1e: {  	s7 =	smul.u32 @!p0 $0xF7A, s2;
	p2 =	seq.s32 @!p0 s5, $0x0  }
0x1f: {  	s9 =	smul.u32 $0xF7A, s1;
	s8 =	simm.s32 @!p0 $0x1BF5;
	p2 =	por !p2, p0  }
0x20: {  	[sflag:s8] =	ssyncset.s32 @!p0 $0xFFFFF086;
	s6 =	sadd.s32 @!p0 s3, s7;
	s7 =	simm.s32 @!p0 $0x108  }
0x21: {  	s3 =	sadd.s32 s3, s9;
	s6 =	sadd.s32 @!p0 $0x88, s6;
	s7 =	simm.s32 @p2 $0x1082  }
0x22: {  	[simem:s7], [sflag:s8] =	dma.local @!p0 [hbm:s6], $0xF7A  }
0x23: {  	s9 =	sor.u32 $0xD0000000, s2;
	s6 =	simm.s32 $0x108;
	_ =	swait.ge @!p0 [sflag:s8], $0x0  }
0x24: {  	s3 =	sadd.s32 $0x88, s3;
	s6 =	simm.s32 @!p1 $0x1082;
	[sflag:s4] =	ssyncset.s32 $0xFFFFF086  }
0x25: {  	[simem:s6], [sflag:s4] =	dma.local [hbm:s3], $0xF7A  }
0x26: {  	[smem:$0x3F96] =	sst s1;
	(tag) =	ssettag s2;
	_ =	strace s9  }
0x27: {  	s1 =	sld [smem:$0x3FA6]  }
0x28: {  	s2 =	sld [smem:$0x3FA7]  }
0x29: {  	s4 =	sld [smem:$0x3FA9]  }
0x2a: {  	p0 =	seq.s32 s5, $0x0;
	s5 =	sld [smem:$0x3FAA]  }
0x2b: {  	s6 =	sld [smem:$0x3FAB]  }
0x2c: {  	s7 =	sld [smem:$0x3FAC]  }
0x2d: {  	s3 =	simm.s32 $0x108;
	s8 =	sld [smem:$0x3FAD]  }
0x2e: {  	s3 =	simm.s32 @!p0 $0x1082;
	s9 =	sld [smem:$0x3FAE]  }
0x2f: {  	lr =	sadd.s32 s0, s3;
	s0 =	sld [smem:$0x3FA5]  }
0x30: {  	s3 =	sld [smem:$0x3FA8]  }
0x31: {  	[smem:$0x3FB1] =	sst s10  }
0x32: {  	s10 =	sld [smem:$0x3FAF];
	_ =	sdelay $0x3  }
0x33: {  	p0 =	seq.s32 s10, $0x1;
	s10 =	sld [smem:$0x3FB1];
	_ =	sdelay $0x3  }
0x34: {  	[smem:$0x3FB1] =	sst s10  }
0x35: {  	s10 =	sld [smem:$0x3FB0];
	_ =	sdelay $0x3  }
0x36: {  	p1 =	seq.s32 s10, $0x1;
	s10 =	sld [smem:$0x3FB1];
	_ =	sdelay $0x3  }
0x37: {  	[smem:$0x3FB1] =	sst s10  }
0x38: {  	s10 =	sld [smem:$0x3FB2]  }
0x39: {  	_ = 	snop;
	(pc) =	sbr.ind lr, $3  }
0x3a: {  	_ = 	snop  }
0x3b: {  	_ = 	snop  }
0x3c: {  	p2 =	seq.s32 s10, $0x1;
	s10 =	sld [smem:$0x3FB1]  }
0x3d: {  	_ =	shalt  }
0x3e: {  	_ =	shalt  }
0x3f: {  	_ =	shalt  }
0x40: {  	_ =	shalt  }
0x41: {  	_ =	shalt  }
0x42: {  	_ =	shalt  }
0x43: {  	_ =	shalt  }
0x44: {  	_ =	shalt  }
0x45: {  	_ =	shalt  }
0x46: {  	_ =	shalt  }
0x47: {  	_ =	shalt  }
0x48: {  	_ =	shalt  }
0x49: {  	_ =	shalt  }
0x4a: {  	_ =	shalt  }
0x4b: {  	_ =	shalt  }
0x4c: {  	_ =	shalt  }
0x4d: {  	_ =	shalt  }
0x4e: {  	_ =	shalt  }
0x4f: {  	_ =	shalt  }
0x50: {  	_ =	shalt  }
0x51: {  	_ =	shalt  }
0x52: {  	_ =	shalt  }
0x53: {  	_ =	shalt  }
0x54: {  	_ =	shalt  }
0x55: {  	_ =	shalt  }
0x56: {  	_ =	shalt  }
0x57: {  	_ =	shalt  }
0x58: {  	_ =	shalt  }
0x59: {  	_ =	shalt  }
0x5a: {  	_ =	shalt  }
0x5b: {  	_ =	shalt  }
0x5c: {  	_ =	shalt  }
0x5d: {  	_ =	shalt  }
0x5e: {  	_ =	shalt  }
0x5f: {  	_ =	shalt  }
0x60: {  	_ =	shalt  }
0x61: {  	_ =	shalt  }
0x62: {  	_ =	shalt  }
0x63: {  	_ =	shalt  }
0x64: {  	_ =	shalt  }
0x65: {  	_ =	shalt  }
0x66: {  	_ =	shalt  }
0x67: {  	_ =	shalt  }
0x68: {  	_ =	shalt  }
0x69: {  	_ =	shalt  }
0x6a: {  	_ =	shalt  }
0x6b: {  	_ =	shalt  }
0x6c: {  	_ =	shalt  }
0x6d: {  	_ =	shalt  }
0x6e: {  	_ =	shalt  }
0x6f: {  	_ =	shalt  }
0x70: {  	_ =	shalt  }
0x71: {  	_ =	shalt  }
0x72: {  	_ =	shalt  }
0x73: {  	_ =	shalt  }
0x74: {  	_ =	shalt  }
0x75: {  	_ =	shalt  }
0x76: {  	_ =	shalt  }
0x77: {  	_ =	shalt  }
0x78: {  	_ =	shalt  }
0x79: {  	_ =	shalt  }
0x7a: {  	_ =	shalt  }
0x7b: {  	_ =	shalt  }
0x7c: {  	_ =	shalt  }
0x7d: {  	_ =	shalt  }
0x7e: {  	_ =	shalt  }
0x7f: {  	_ =	shalt  }
0x80: {  	_ =	shalt  }
0x81: {  	_ =	shalt  }
0x82: {  	_ =	shalt  }
0x83: {  	_ =	shalt  }
0x84: {  	_ =	shalt  }
0x85: {  	_ =	shalt  }
0x86: {  	_ =	shalt  }
0x87: {  	_ =	shalt  }
.Lfunc_end0:
.L_simem_size_0:
called_computation_lowered:
.L_overlay_start_0:
0x88: {  	s2 =	sld [smem:$0x3FD9]  }
0x89: {  	s3 =	sld [smem:$0x3FFE];
	_ =	sdelay $0x1  }
0x8a: {  	s1 =	srdreg.scid  }
0x8b: {  	s0 =	sand.u32 $0x1, s1  }
0x8c: {  	s17 =	sshll.u32 s0, $0xA;
	s2 =	sadd.s32 s3, s2  }
0x8d: {  	s2 =	sadd.s32 s2, s17  }
0x8e: {  	[smem:$0x3FBD] =	sst s2  }
0x8f: {  	_ = 	snop  }
0x90: {  	s2 =	sld [smem:$0x3FD0];
	(tm) =	ssettm $0x1  }
0x91: {  	s18 =	sld [smem:$0x3FFB];
	_ =	sdelay $0x3  }
0x92: {  	_ =	strace s18  }
0x93: {  	s3 =	sld [smem:$0x3FFC];
	_ =	sdelay $0x3  }
0x94: {  	_ =	strace s3  }
0x95: {  	s3 =	sld [smem:$0x3FFD];
	_ =	sdelay $0x3  }
0x96: {  	_ =	strace s3  }
0x97: {  	_ =	strace $0x8FFFFFFF  }
0x98: {  	s19 =	sld [smem:$0x3FDB];
	_ =	sdelay $0x1  }
0x99: {  	s4 =	simm.s32 $_scs_section_size  }
0x9a: {  	s5 =	simm.s32 $_size__tile_overlayer_lowered;
	s6 =	simm.s32 $_tile_overlayer_lowered  }
0x9b: {  	s22 =	simm.s32 $0x1BFF;
	s21 =	sshll.u32 s6, $0x1;
	s3 =	sadd.s32 s4, s19  }
0x9c: {  	s7 =	simm.s32 $0x0;
	s20 =	sshll.u32 s5, $0x1;
	s5 =	sadd.s32 s21, s3  }
0x9d: {  	[timem:s7], [sflag:s22] =	dma.local [hbm:s5], s20  }
0x9e: {  	_ =	swait.ge [sflag:s22], s20  }
0x9f: {  	s4 =	ssub.s32 $0x0, s20;
	[sflag:s22] =	ssyncset.done $0x0  }
0xa0: {  	[sflag:s22] =	ssyncadd.s32 s4;
	_ =	sdelay $0x1  }
0xa1: {  	s23 =	simm.s32 $0x1B8B  }
0xa2: {  	_ =	swait.ge [sflag:s23], $0x1  }
0xa3: {  	[sflag:s23] =	ssyncset.done $0x0  }
0xa4: {  	s25 =	simm.s32 $0x1B8E;
	s24 =	sld [smem:$0x3FFE];
	[sflag:s23] =	ssyncadd.s32 $0xFFFFFFFF  }
0xa5: {  	s26 =	simm.s32 $execute0_lowered;
	[smem:$0x3FD2] =	sst s25  }
0xa6: {  	s5 =	sshll.u32 s26, $0x1;
	_ =	strace $0x80000046;
	[dreg:$0x1] =	wrdreg $0xFFFFFFFF  }
0xa7: {  	s28 =	simm.s32 $_size_execute0_lowered;
	s3 =	sadd.s32 s3, s5;
	[dreg:$0x0] =	wrdreg $0x0  }
0xa8: {  	s5 =	sshll.u32 s28, $0x1;
	[dreg:$0x2] =	wrdreg s3  }
0xa9: {  	[dreg:$0x3] =	wrdreg s5  }
0xaa: {  	[dreg:$0x4] =	wrdreg $0xC0  }
0xab: {  	_ =	task [dreg:s7], $0x5FFFF  }
0xac: {  	[dreg:$0x1] =	wrdreg $0xFFFFFFFF  }
0xad: {  	[dreg:$0x0] =	wrdreg $0x60  }
0xae: {  	[dreg:$0x2] =	wrdreg s2  }
0xaf: {  	[dreg:$0x3] =	wrdreg s24  }
0xb0: {  	[dreg:$0x4] =	wrdreg $0x9  }
0xb1: {  	_ =	task.clear_ibuf [dreg:s7], $0x5FFFF;
	_ =	strace $0x90000046  }
0xb2: {  	s29 =	simm.s32 $0x9;
	_ =	strace $0x80000048  }
0xb3: {  	_ =	swait.ge [sflag:s29], $0x1  }
0xb4: {  	[sflag:s29] =	ssyncadd.s32 $0xFFFFFFFF  }
0xb5: {  	_ =	strace $0x90000048  }
0xb6: {  	_ =	sfence  }
0xb7: {  	s30 =	sld [smem:$0x0];
	_ =	sdelay $0x2  }
0xb8: {  	s31 =	sshll.u32 s1, $0xD;
	s1 =	sshrl.u32 s1, $0x2  }
0xb9: {  	s3 =	sand.u32 $0x4000, s31;
	s1 =	sadd.s32 s1, s30  }
0xba: {  	s0 =	sor.u32 s3, s0;
	s1 =	sshll.u32 s1, $0x11  }
0xbb: {  	s0 =	sor.u32 s1, s0  }
0xbc: {  	s0 =	sadd.s32 $0x8F2B, s0  }
0xbd: {  	[sflag:s0] =	ssyncadd.remote.s32 $0x1  }
0xbe: {  	_ =	sfence.sel $0xFFFF  }
0xbf: {  	[dreg:$0x0] =	wrdreg $0xFFFFFFFF;
	(pc) =	sbr.abs _section_cstart, $3  }
0xc0: {  	[dreg:$0x1] =	wrdreg $0xFFFFFFFF  }
0xc1: {  	_ =	task.clear_ibuf [dreg:s7], $0x2FFFF;
	_ =	strace $0x9FFFFFFF  }
0xc2: {  	(tm) =	ssettm $0x7FFFFFFF  }
0xc3: {  	_ =	shalt  }
tec
execute0_lowered:
.L_overlay_start_1:
0x0: {  	(tag) =	ssettag $0x1  }
0x1: {  	s1 =	srdreg.scid  }
0x2: {  	s11 =	rddreg [dreg:$0x0];
	s0 =	stileid.u32  }
0x3: {  	s10 =	rddreg [dreg:$0x1];
	s2 =	simm.s32 $0x0;
	s16 =	simm.s32 $0x900  }
0x4: {  	s17 =	simm.s32 $0x1100;
	s18 =	simm.s32 $0x1900;
	s28 =	simm.s32 $0x6100  }
0x5: {  	s29 =	simm.s32 $0x6900;
	s30 =	simm.s32 $0x7100;
	s31 =	simm.s32 $0x7900  }
0x6: {  	s1 =	sand.u32 $0x1, s1;
	s3 =	sshll.u32 s0, $0x7;
	[smem:$0x7FF] =	sst s2  }
0x7: {  	s9 =	sadd.s32 $0x90200, s10;
	s12 =	sadd.s32 $0x90400, s10;
	s4 =	sshll.u32 s1, $0x6  }
0x8: {  	_ =	strace $0x80000047;
	s1 =	ssub.s32 $0x2, s1;
	s8 =	sor.u32 s4, s3  }
0x9: {  	s3 =	sadd.s32 $0x90600, s10;
	s7 =	sshrl.u32 s1, $0x1;
	s4 =	sshrl.u32 s8, $0x3  }
0xa: {  	s19 =	sshll.u32 s8, $0x8;
	s6 =	sor.u32 $0x10, s8;
	s1 =	ssub.s32 s1, s7  }
0xb: {  	s22 =	sor.u32 $0x20, s8;
	s7 =	sadd.s32 $0x90A00, s10;
	s23 =	sor.u32 $0x30, s8  }
0xc: {  	s8 =	sadd.s32 $0x90B00, s10;
	s5 =	sadd.s32 s9, s4;
	s4 =	sadd.s32 s12, s4  }
0xd: {  	s20 =	sadd.s32 s11, s19;
	s21 =	sshrl.u32 s6, $0x3;
	s6 =	sshll.u32 s6, $0x8  }
0xe: {  	s14 =	sshrl.u32 s22, $0x3;
	s24 =	sshrl.u32 s23, $0x3;
	[dreg:$0x3] =	wrdreg s5  }
0xf: {  	s26 =	sshll.u32 s23, $0x8;
	s19 =	simm.s32 $0x2100;
	[dreg:$0x4] =	wrdreg s4  }
0x10: {  	s23 =	simm.s32 $0x4100;
	[dreg:$0x5] =	wrdreg s20;
	s13 =	sadd.s32 s9, s21  }
0x11: {  	s4 =	sadd.s32 $0x90700, s10;
	s5 =	sadd.s32 s12, s21;
	s6 =	sadd.s32 s11, s6  }
0x12: {  	s15 =	sadd.s32 s9, s14;
	s14 =	sadd.s32 s12, s14;
	[dreg:$0x6] =	wrdreg s13  }
0x13: {  	s25 =	sadd.s32 s9, s24;
	s9 =	sadd.s32 $0x90C00, s10;
	[dreg:$0x7] =	wrdreg s5  }
0x14: {  	s12 =	sadd.s32 s12, s24;
	s20 =	simm.s32 $0x2900;
	[dreg:$0x8] =	wrdreg s6  }
0x15: {  	s21 =	simm.s32 $0x3100;
	s24 =	simm.s32 $0x4900;
	[dreg:$0x9] =	wrdreg s15  }
0x16: {  	s5 =	sadd.s32 $0x90800, s10;
	s6 =	sadd.s32 $0x90900, s10;
	[dreg:$0xa] =	wrdreg s14  }
0x17: {  	s13 =	sshll.u32 s22, $0x8;
	[dreg:$0xc] =	wrdreg s25;
	s10 =	sadd.s32 $0x90D00, s10  }
0x18: {  	[dreg:$0xd] =	wrdreg s12;
	s12 =	smax.u32 s1, $0x1;
	s14 =	simm.s32 $0x80  }
0x19: {  	v2 =	vlaneseq.u32;
	s15 =	simm.s32 $0x100;
	s22 =	simm.s32 $0x3900;
	s25 =	simm.s32 $0x5100  }
0x1a: {  	vm0 =	vmmov $0xffff;
	v1 =	vshrl.u32 v2, $0x3;
	s1 =	simm.s32 $0x1;
	s13 =	sadd.s32 s11, s13;
	s11 =	sadd.s32 s11, s26  }
0x1b: {  	v0 =	vand.u32 $0x7, v2;
	v2 =	vor.u32 $0x8, v2;
	v1 =	vmul.u32 $0x8, v1;
	s26 =	simm.s32 $0x5900;
	[dreg:$0xb] =	wrdreg s13;
	s13 =	simm.s32 $0x2  }
.LBB2_1:
0x1c: {  	s0 =	rddreg [dreg:$0x3]  }
0x1d: {  	[tilespmem:s2], [sflag:$0x2] =	stream.linear.gather [hbm4b:s0+s2], $0x10, $0x38;
	[tilespmem:$0x8100] =	vst v63  }
0x1e: {  	_ =	swait.ge [sflag:s13], $0x10  }
0x1f: {  	[sflag:s13] =	ssyncset.done $0x0  }
0x20: {  	s0 =	rddreg [dreg:$0x4];
	[sflag:s13] =	ssyncadd.s32 $0xFFFFFFF0  }
0x21: {  	[tilespmem:s14], [sflag:$0x2] =	stream.linear.gather [hbm4b:s0+s2], $0x10, $0x38;
	[tilespmem:$0x8100] =	vst v63  }
0x22: {  	_ =	swait.ge [sflag:s13], $0x10  }
0x23: {  	[sflag:s13] =	ssyncset.done $0x0  }
0x24: {  	s0 =	rddreg [dreg:$0x5];
	[sflag:s13] =	ssyncadd.s32 $0xFFFFFFF0  }
0x25: {  	[tilespmem:s15], [sflag:$0x2] =	stream.linear.gather [hbm4b:s0+s2], $0x8000, $0x38;
	[tilespmem:$0x8100] =	vst v63  }
0x26: {  	_ =	swait.ge [sflag:s13], $0x8000  }
0x27: {  	[sflag:s13] =	ssyncset.done $0x0  }
0x28: {  	[sflag:s13] =	ssyncadd.s32 $0xFFFF8000  }
0x29: {  	v3 =	vld [tilespmem:$0x0];
	_ =	sdelay $0x4  }
0x2a: {  	v4 =	vshll.u32 v3, $0x4  }
0x2b: {  	v3 =	vand.u32 $0x7, v3;
	v4 =	vand.u32 $0xFFFFFF80, v4  }
0x2c: {  	v3 =	vor.u32 v3, v4  }
0x2d: {  	v4 =	vperm.xlane v3, v0;
	_ =	sdelay $0x1  }
0x2e: {  	v4 =	vadd.s32 v1, v4;
	_ =	sdelay $0x4  }
0x2f: {  	[hbm4b:s3+s2] =	stream.indirect_vreg.scatter [tilespmem:s15], [sflag:$0x1], $0x80, v4, vm0, $0xb8;
	[tilespmem:$0x8100] =	vst v63  }
0x30: {  	_ = 	snop  }
0x31: {  	[hbm4b:s4+s2] =	stream.indirect_vreg.scatter [tilespmem:s16], [sflag:$0x1], $0x80, v4, vm0, $0xb8;
	[tilespmem:$0x8100] =	vst v63  }
0x32: {  	_ = 	snop  }
0x33: {  	[hbm4b:s5+s2] =	stream.indirect_vreg.scatter [tilespmem:s17], [sflag:$0x1], $0x80, v4, vm0, $0xb8;
	[tilespmem:$0x8100] =	vst v63  }
0x34: {  	_ = 	snop  }
0x35: {  	[hbm4b:s6+s2] =	stream.indirect_vreg.scatter [tilespmem:s18], [sflag:$0x1], $0x80, v4, vm0, $0xb8;
	[tilespmem:$0x8100] =	vst v63  }
0x36: {  	_ = 	snop  }
0x37: {  	[hbm4b:s7+s2] =	stream.indirect_vreg.scatter [tilespmem:s19], [sflag:$0x1], $0x80, v4, vm0, $0xb8;
	[tilespmem:$0x8100] =	vst v63  }
0x38: {  	v3 =	vperm.xlane v3, v2  }
0x39: {  	[hbm4b:s8+s2] =	stream.indirect_vreg.scatter [tilespmem:s20], [sflag:$0x1], $0x80, v4, vm0, $0xb8;
	[tilespmem:$0x8100] =	vst v63  }
0x3a: {  	v3 =	vadd.s32 v1, v3  }
0x3b: {  	[hbm4b:s9+s2] =	stream.indirect_vreg.scatter [tilespmem:s21], [sflag:$0x1], $0x80, v4, vm0, $0xb8;
	[tilespmem:$0x8100] =	vst v63  }
0x3c: {  	_ = 	snop  }
0x3d: {  	[hbm4b:s10+s2] =	stream.indirect_vreg.scatter [tilespmem:s22], [sflag:$0x1], $0x80, v4, vm0, $0xb8;
	[tilespmem:$0x8100] =	vst v63  }
0x3e: {  	_ = 	snop  }
0x3f: {  	[hbm4b:s3+s2] =	stream.indirect_vreg.scatter [tilespmem:s23], [sflag:$0x1], $0x80, v3, vm0, $0xb8;
	[tilespmem:$0x8100] =	vst v63  }
0x40: {  	_ = 	snop  }
0x41: {  	[hbm4b:s4+s2] =	stream.indirect_vreg.scatter [tilespmem:s24], [sflag:$0x1], $0x80, v3, vm0, $0xb8;
	[tilespmem:$0x8100] =	vst v63  }
0x42: {  	_ = 	snop  }
0x43: {  	[hbm4b:s5+s2] =	stream.indirect_vreg.scatter [tilespmem:s25], [sflag:$0x1], $0x80, v3, vm0, $0xb8;
	[tilespmem:$0x8100] =	vst v63  }
0x44: {  	_ = 	snop  }
0x45: {  	[hbm4b:s6+s2] =	stream.indirect_vreg.scatter [tilespmem:s26], [sflag:$0x1], $0x80, v3, vm0, $0xb8;
	[tilespmem:$0x8100] =	vst v63  }
0x46: {  	_ = 	snop  }
0x47: {  	[hbm4b:s7+s2] =	stream.indirect_vreg.scatter [tilespmem:s28], [sflag:$0x1], $0x80, v3, vm0, $0xb8;
	[tilespmem:$0x8100] =	vst v63  }
0x48: {  	_ = 	snop  }
0x49: {  	[hbm4b:s8+s2] =	stream.indirect_vreg.scatter [tilespmem:s29], [sflag:$0x1], $0x80, v3, vm0, $0xb8;
	[tilespmem:$0x8100] =	vst v63  }
0x4a: {  	_ = 	snop  }
0x4b: {  	[hbm4b:s9+s2] =	stream.indirect_vreg.scatter [tilespmem:s30], [sflag:$0x1], $0x80, v3, vm0, $0xb8;
	[tilespmem:$0x8100] =	vst v63  }
0x4c: {  	_ = 	snop  }
0x4d: {  	[hbm4b:s10+s2] =	stream.indirect_vreg.scatter [tilespmem:s31], [sflag:$0x1], $0x80, v3, vm0, $0xb8;
	[tilespmem:$0x8100] =	vst v63  }
0x4e: {  	_ =	swait.ge [sflag:s1], $0x8000  }
0x4f: {  	[sflag:s1] =	ssyncset.done $0x0  }
0x50: {  	[sflag:s1] =	ssyncadd.s32 $0xFFFF8000  }
0x51: {  	v3 =	vld [tilespmem:$0x80];
	_ =	sdelay $0x4  }
0x52: {  	v57 =	vshll.u32 v3, $0x4  }
0x53: {  	v3 =	vand.u32 $0x7, v3;
	v4 =	vand.u32 $0xFFFFFF80, v57  }
0x54: {  	v3 =	vor.u32 v3, v4  }
0x55: {  	v4 =	vperm.xlane v3, v0;
	_ =	sdelay $0x1  }
0x56: {  	v4 =	vadd.s32 v1, v4;
	_ =	sdelay $0x4  }
0x57: {  	[hbm4b:s3+s2] =	stream.indirect_vreg.scatter [tilespmem:s15], [sflag:$0x1], $0x80, v4, vm0, $0xb8;
	[tilespmem:$0x8100] =	vst v63  }
0x58: {  	_ = 	snop  }
0x59: {  	[hbm4b:s4+s2] =	stream.indirect_vreg.scatter [tilespmem:s16], [sflag:$0x1], $0x80, v4, vm0, $0xb8;
	[tilespmem:$0x8100] =	vst v63  }
0x5a: {  	_ = 	snop  }
0x5b: {  	[hbm4b:s5+s2] =	stream.indirect_vreg.scatter [tilespmem:s17], [sflag:$0x1], $0x80, v4, vm0, $0xb8;
	[tilespmem:$0x8100] =	vst v63  }
0x5c: {  	_ = 	snop  }
0x5d: {  	[hbm4b:s6+s2] =	stream.indirect_vreg.scatter [tilespmem:s18], [sflag:$0x1], $0x80, v4, vm0, $0xb8;
	[tilespmem:$0x8100] =	vst v63  }
0x5e: {  	_ = 	snop  }
0x5f: {  	[hbm4b:s7+s2] =	stream.indirect_vreg.scatter [tilespmem:s19], [sflag:$0x1], $0x80, v4, vm0, $0xb8;
	[tilespmem:$0x8100] =	vst v63  }
0x60: {  	v3 =	vperm.xlane v3, v2  }
0x61: {  	[hbm4b:s8+s2] =	stream.indirect_vreg.scatter [tilespmem:s20], [sflag:$0x1], $0x80, v4, vm0, $0xb8;
	[tilespmem:$0x8100] =	vst v63  }
0x62: {  	v3 =	vadd.s32 v1, v3  }
0x63: {  	[hbm4b:s9+s2] =	stream.indirect_vreg.scatter [tilespmem:s21], [sflag:$0x1], $0x80, v4, vm0, $0xb8;
	[tilespmem:$0x8100] =	vst v63  }
0x64: {  	_ = 	snop  }
0x65: {  	[hbm4b:s10+s2] =	stream.indirect_vreg.scatter [tilespmem:s22], [sflag:$0x1], $0x80, v4, vm0, $0xb8;
	[tilespmem:$0x8100] =	vst v63  }
0x66: {  	_ = 	snop  }
0x67: {  	[hbm4b:s3+s2] =	stream.indirect_vreg.scatter [tilespmem:s23], [sflag:$0x1], $0x80, v3, vm0, $0xb8;
	[tilespmem:$0x8100] =	vst v63  }
0x68: {  	_ = 	snop  }
0x69: {  	[hbm4b:s4+s2] =	stream.indirect_vreg.scatter [tilespmem:s24], [sflag:$0x1], $0x80, v3, vm0, $0xb8;
	[tilespmem:$0x8100] =	vst v63  }
0x6a: {  	_ = 	snop  }
0x6b: {  	[hbm4b:s5+s2] =	stream.indirect_vreg.scatter [tilespmem:s25], [sflag:$0x1], $0x80, v3, vm0, $0xb8;
	[tilespmem:$0x8100] =	vst v63  }
0x6c: {  	_ = 	snop  }
0x6d: {  	[hbm4b:s6+s2] =	stream.indirect_vreg.scatter [tilespmem:s26], [sflag:$0x1], $0x80, v3, vm0, $0xb8;
	[tilespmem:$0x8100] =	vst v63  }
0x6e: {  	_ = 	snop  }
0x6f: {  	[hbm4b:s7+s2] =	stream.indirect_vreg.scatter [tilespmem:s28], [sflag:$0x1], $0x80, v3, vm0, $0xb8;
	[tilespmem:$0x8100] =	vst v63  }
0x70: {  	_ = 	snop  }
0x71: {  	[hbm4b:s8+s2] =	stream.indirect_vreg.scatter [tilespmem:s29], [sflag:$0x1], $0x80, v3, vm0, $0xb8;
	[tilespmem:$0x8100] =	vst v63  }
0x72: {  	_ = 	snop  }
0x73: {  	[hbm4b:s9+s2] =	stream.indirect_vreg.scatter [tilespmem:s30], [sflag:$0x1], $0x80, v3, vm0, $0xb8;
	[tilespmem:$0x8100] =	vst v63  }
0x74: {  	_ = 	snop  }
0x75: {  	[hbm4b:s10+s2] =	stream.indirect_vreg.scatter [tilespmem:s31], [sflag:$0x1], $0x80, v3, vm0, $0xb8;
	[tilespmem:$0x8100] =	vst v63  }
0x76: {  	_ =	swait.ge [sflag:s1], $0x8000  }
0x77: {  	[sflag:s1] =	ssyncset.done $0x0  }
0x78: {  	s0 =	rddreg [dreg:$0x6];
	[sflag:s1] =	ssyncadd.s32 $0xFFFF8000  }
0x79: {  	[tilespmem:s2], [sflag:$0x2] =	stream.linear.gather [hbm4b:s0+s2], $0x10, $0x38;
	[tilespmem:$0x8100] =	vst v63  }
0x7a: {  	_ =	swait.ge [sflag:s13], $0x10  }
0x7b: {  	[sflag:s13] =	ssyncset.done $0x0  }
0x7c: {  	s0 =	rddreg [dreg:$0x7];
	[sflag:s13] =	ssyncadd.s32 $0xFFFFFFF0  }
0x7d: {  	[tilespmem:s14], [sflag:$0x2] =	stream.linear.gather [hbm4b:s0+s2], $0x10, $0x38;
	[tilespmem:$0x8100] =	vst v63  }
0x7e: {  	_ =	swait.ge [sflag:s13], $0x10  }
0x7f: {  	[sflag:s13] =	ssyncset.done $0x0  }
0x80: {  	s0 =	rddreg [dreg:$0x8];
	[sflag:s13] =	ssyncadd.s32 $0xFFFFFFF0  }
0x81: {  	[tilespmem:s15], [sflag:$0x2] =	stream.linear.gather [hbm4b:s0+s2], $0x8000, $0x38;
	[tilespmem:$0x8100] =	vst v63  }
0x82: {  	_ =	swait.ge [sflag:s13], $0x8000  }
0x83: {  	[sflag:s13] =	ssyncset.done $0x0  }
0x84: {  	[sflag:s13] =	ssyncadd.s32 $0xFFFF8000  }
0x85: {  	v3 =	vld [tilespmem:$0x0];
	_ =	sdelay $0x4  }
0x86: {  	v58 =	vshll.u32 v3, $0x4  }
0x87: {  	v3 =	vand.u32 $0x7, v3;
	v4 =	vand.u32 $0xFFFFFF80, v58  }
0x88: {  	v3 =	vor.u32 v3, v4  }
0x89: {  	v4 =	vperm.xlane v3, v0;
	_ =	sdelay $0x1  }
0x8a: {  	v4 =	vadd.s32 v1, v4;
	_ =	sdelay $0x4  }
0x8b: {  	[hbm4b:s3+s2] =	stream.indirect_vreg.scatter [tilespmem:s15], [sflag:$0x1], $0x80, v4, vm0, $0xb8;
	[tilespmem:$0x8100] =	vst v63  }
0x8c: {  	_ = 	snop  }
0x8d: {  	[hbm4b:s4+s2] =	stream.indirect_vreg.scatter [tilespmem:s16], [sflag:$0x1], $0x80, v4, vm0, $0xb8;
	[tilespmem:$0x8100] =	vst v63  }
0x8e: {  	_ = 	snop  }
0x8f: {  	[hbm4b:s5+s2] =	stream.indirect_vreg.scatter [tilespmem:s17], [sflag:$0x1], $0x80, v4, vm0, $0xb8;
	[tilespmem:$0x8100] =	vst v63  }
0x90: {  	_ = 	snop  }
0x91: {  	[hbm4b:s6+s2] =	stream.indirect_vreg.scatter [tilespmem:s18], [sflag:$0x1], $0x80, v4, vm0, $0xb8;
	[tilespmem:$0x8100] =	vst v63  }
0x92: {  	_ = 	snop  }
0x93: {  	[hbm4b:s7+s2] =	stream.indirect_vreg.scatter [tilespmem:s19], [sflag:$0x1], $0x80, v4, vm0, $0xb8;
	[tilespmem:$0x8100] =	vst v63  }
0x94: {  	v3 =	vperm.xlane v3, v2  }
0x95: {  	[hbm4b:s8+s2] =	stream.indirect_vreg.scatter [tilespmem:s20], [sflag:$0x1], $0x80, v4, vm0, $0xb8;
	[tilespmem:$0x8100] =	vst v63  }
0x96: {  	v3 =	vadd.s32 v1, v3  }
0x97: {  	[hbm4b:s9+s2] =	stream.indirect_vreg.scatter [tilespmem:s21], [sflag:$0x1], $0x80, v4, vm0, $0xb8;
	[tilespmem:$0x8100] =	vst v63  }
0x98: {  	_ = 	snop  }
0x99: {  	[hbm4b:s10+s2] =	stream.indirect_vreg.scatter [tilespmem:s22], [sflag:$0x1], $0x80, v4, vm0, $0xb8;
	[tilespmem:$0x8100] =	vst v63  }
0x9a: {  	_ = 	snop  }
0x9b: {  	[hbm4b:s3+s2] =	stream.indirect_vreg.scatter [tilespmem:s23], [sflag:$0x1], $0x80, v3, vm0, $0xb8;
	[tilespmem:$0x8100] =	vst v63  }
0x9c: {  	_ = 	snop  }
0x9d: {  	[hbm4b:s4+s2] =	stream.indirect_vreg.scatter [tilespmem:s24], [sflag:$0x1], $0x80, v3, vm0, $0xb8;
	[tilespmem:$0x8100] =	vst v63  }
0x9e: {  	_ = 	snop  }
0x9f: {  	[hbm4b:s5+s2] =	stream.indirect_vreg.scatter [tilespmem:s25], [sflag:$0x1], $0x80, v3, vm0, $0xb8;
	[tilespmem:$0x8100] =	vst v63  }
0xa0: {  	_ = 	snop  }
0xa1: {  	[hbm4b:s6+s2] =	stream.indirect_vreg.scatter [tilespmem:s26], [sflag:$0x1], $0x80, v3, vm0, $0xb8;
	[tilespmem:$0x8100] =	vst v63  }
0xa2: {  	_ = 	snop  }
0xa3: {  	[hbm4b:s7+s2] =	stream.indirect_vreg.scatter [tilespmem:s28], [sflag:$0x1], $0x80, v3, vm0, $0xb8;
	[tilespmem:$0x8100] =	vst v63  }
0xa4: {  	_ = 	snop  }
0xa5: {  	[hbm4b:s8+s2] =	stream.indirect_vreg.scatter [tilespmem:s29], [sflag:$0x1], $0x80, v3, vm0, $0xb8;
	[tilespmem:$0x8100] =	vst v63  }
0xa6: {  	_ = 	snop  }
0xa7: {  	[hbm4b:s9+s2] =	stream.indirect_vreg.scatter [tilespmem:s30], [sflag:$0x1], $0x80, v3, vm0, $0xb8;
	[tilespmem:$0x8100] =	vst v63  }
0xa8: {  	_ = 	snop  }
0xa9: {  	[hbm4b:s10+s2] =	stream.indirect_vreg.scatter [tilespmem:s31], [sflag:$0x1], $0x80, v3, vm0, $0xb8;
	[tilespmem:$0x8100] =	vst v63  }
0xaa: {  	_ =	swait.ge [sflag:s1], $0x8000  }
0xab: {  	[sflag:s1] =	ssyncset.done $0x0  }
0xac: {  	[sflag:s1] =	ssyncadd.s32 $0xFFFF8000  }
0xad: {  	v3 =	vld [tilespmem:$0x80];
	_ =	sdelay $0x4  }
0xae: {  	v59 =	vshll.u32 v3, $0x4  }
0xaf: {  	v3 =	vand.u32 $0x7, v3;
	v4 =	vand.u32 $0xFFFFFF80, v59  }
0xb0: {  	v3 =	vor.u32 v3, v4  }
0xb1: {  	v4 =	vperm.xlane v3, v0;
	_ =	sdelay $0x1  }
0xb2: {  	v4 =	vadd.s32 v1, v4;
	_ =	sdelay $0x4  }
0xb3: {  	[hbm4b:s3+s2] =	stream.indirect_vreg.scatter [tilespmem:s15], [sflag:$0x1], $0x80, v4, vm0, $0xb8;
	[tilespmem:$0x8100] =	vst v63  }
0xb4: {  	_ = 	snop  }
0xb5: {  	[hbm4b:s4+s2] =	stream.indirect_vreg.scatter [tilespmem:s16], [sflag:$0x1], $0x80, v4, vm0, $0xb8;
	[tilespmem:$0x8100] =	vst v63  }
0xb6: {  	_ = 	snop  }
0xb7: {  	[hbm4b:s5+s2] =	stream.indirect_vreg.scatter [tilespmem:s17], [sflag:$0x1], $0x80, v4, vm0, $0xb8;
	[tilespmem:$0x8100] =	vst v63  }
0xb8: {  	_ = 	snop  }
0xb9: {  	[hbm4b:s6+s2] =	stream.indirect_vreg.scatter [tilespmem:s18], [sflag:$0x1], $0x80, v4, vm0, $0xb8;
	[tilespmem:$0x8100] =	vst v63  }
0xba: {  	_ = 	snop  }
0xbb: {  	[hbm4b:s7+s2] =	stream.indirect_vreg.scatter [tilespmem:s19], [sflag:$0x1], $0x80, v4, vm0, $0xb8;
	[tilespmem:$0x8100] =	vst v63  }
0xbc: {  	v3 =	vperm.xlane v3, v2  }
0xbd: {  	[hbm4b:s8+s2] =	stream.indirect_vreg.scatter [tilespmem:s20], [sflag:$0x1], $0x80, v4, vm0, $0xb8;
	[tilespmem:$0x8100] =	vst v63  }
0xbe: {  	v3 =	vadd.s32 v1, v3  }
0xbf: {  	[hbm4b:s9+s2] =	stream.indirect_vreg.scatter [tilespmem:s21], [sflag:$0x1], $0x80, v4, vm0, $0xb8;
	[tilespmem:$0x8100] =	vst v63  }
0xc0: {  	_ = 	snop  }
0xc1: {  	[hbm4b:s10+s2] =	stream.indirect_vreg.scatter [tilespmem:s22], [sflag:$0x1], $0x80, v4, vm0, $0xb8;
	[tilespmem:$0x8100] =	vst v63  }
0xc2: {  	_ = 	snop  }
0xc3: {  	[hbm4b:s3+s2] =	stream.indirect_vreg.scatter [tilespmem:s23], [sflag:$0x1], $0x80, v3, vm0, $0xb8;
	[tilespmem:$0x8100] =	vst v63  }
0xc4: {  	_ = 	snop  }
0xc5: {  	[hbm4b:s4+s2] =	stream.indirect_vreg.scatter [tilespmem:s24], [sflag:$0x1], $0x80, v3, vm0, $0xb8;
	[tilespmem:$0x8100] =	vst v63  }
0xc6: {  	_ = 	snop  }
0xc7: {  	[hbm4b:s5+s2] =	stream.indirect_vreg.scatter [tilespmem:s25], [sflag:$0x1], $0x80, v3, vm0, $0xb8;
	[tilespmem:$0x8100] =	vst v63  }
0xc8: {  	_ = 	snop  }
0xc9: {  	[hbm4b:s6+s2] =	stream.indirect_vreg.scatter [tilespmem:s26], [sflag:$0x1], $0x80, v3, vm0, $0xb8;
	[tilespmem:$0x8100] =	vst v63  }
0xca: {  	_ = 	snop  }
0xcb: {  	[hbm4b:s7+s2] =	stream.indirect_vreg.scatter [tilespmem:s28], [sflag:$0x1], $0x80, v3, vm0, $0xb8;
	[tilespmem:$0x8100] =	vst v63  }
0xcc: {  	_ = 	snop  }
0xcd: {  	[hbm4b:s8+s2] =	stream.indirect_vreg.scatter [tilespmem:s29], [sflag:$0x1], $0x80, v3, vm0, $0xb8;
	[tilespmem:$0x8100] =	vst v63  }
0xce: {  	_ = 	snop  }
0xcf: {  	[hbm4b:s9+s2] =	stream.indirect_vreg.scatter [tilespmem:s30], [sflag:$0x1], $0x80, v3, vm0, $0xb8;
	[tilespmem:$0x8100] =	vst v63  }
0xd0: {  	_ = 	snop  }
0xd1: {  	[hbm4b:s10+s2] =	stream.indirect_vreg.scatter [tilespmem:s31], [sflag:$0x1], $0x80, v3, vm0, $0xb8;
	[tilespmem:$0x8100] =	vst v63  }
0xd2: {  	_ =	swait.ge [sflag:s1], $0x8000  }
0xd3: {  	[sflag:s1] =	ssyncset.done $0x0  }
0xd4: {  	s0 =	rddreg [dreg:$0x9];
	[sflag:s1] =	ssyncadd.s32 $0xFFFF8000  }
0xd5: {  	[tilespmem:s2], [sflag:$0x2] =	stream.linear.gather [hbm4b:s0+s2], $0x10, $0x38;
	[tilespmem:$0x8100] =	vst v63  }
0xd6: {  	_ =	swait.ge [sflag:s13], $0x10  }
0xd7: {  	[sflag:s13] =	ssyncset.done $0x0  }
0xd8: {  	s0 =	rddreg [dreg:$0xa];
	[sflag:s13] =	ssyncadd.s32 $0xFFFFFFF0  }
0xd9: {  	[tilespmem:s14], [sflag:$0x2] =	stream.linear.gather [hbm4b:s0+s2], $0x10, $0x38;
	[tilespmem:$0x8100] =	vst v63  }
0xda: {  	_ =	swait.ge [sflag:s13], $0x10  }
0xdb: {  	[sflag:s13] =	ssyncset.done $0x0  }
0xdc: {  	s0 =	rddreg [dreg:$0xb];
	[sflag:s13] =	ssyncadd.s32 $0xFFFFFFF0  }
0xdd: {  	[tilespmem:s15], [sflag:$0x2] =	stream.linear.gather [hbm4b:s0+s2], $0x8000, $0x38;
	[tilespmem:$0x8100] =	vst v63  }
0xde: {  	_ =	swait.ge [sflag:s13], $0x8000  }
0xdf: {  	[sflag:s13] =	ssyncset.done $0x0  }
0xe0: {  	[sflag:s13] =	ssyncadd.s32 $0xFFFF8000  }
0xe1: {  	v3 =	vld [tilespmem:$0x0];
	_ =	sdelay $0x4  }
0xe2: {  	v60 =	vshll.u32 v3, $0x4  }
0xe3: {  	v3 =	vand.u32 $0x7, v3;
	v4 =	vand.u32 $0xFFFFFF80, v60  }
0xe4: {  	v3 =	vor.u32 v3, v4  }
0xe5: {  	v4 =	vperm.xlane v3, v0;
	_ =	sdelay $0x1  }
0xe6: {  	v4 =	vadd.s32 v1, v4;
	_ =	sdelay $0x4  }
0xe7: {  	[hbm4b:s3+s2] =	stream.indirect_vreg.scatter [tilespmem:s15], [sflag:$0x1], $0x80, v4, vm0, $0xb8;
	[tilespmem:$0x8100] =	vst v63  }
0xe8: {  	_ = 	snop  }
0xe9: {  	[hbm4b:s4+s2] =	stream.indirect_vreg.scatter [tilespmem:s16], [sflag:$0x1], $0x80, v4, vm0, $0xb8;
	[tilespmem:$0x8100] =	vst v63  }
0xea: {  	_ = 	snop  }
0xeb: {  	[hbm4b:s5+s2] =	stream.indirect_vreg.scatter [tilespmem:s17], [sflag:$0x1], $0x80, v4, vm0, $0xb8;
	[tilespmem:$0x8100] =	vst v63  }
0xec: {  	_ = 	snop  }
0xed: {  	[hbm4b:s6+s2] =	stream.indirect_vreg.scatter [tilespmem:s18], [sflag:$0x1], $0x80, v4, vm0, $0xb8;
	[tilespmem:$0x8100] =	vst v63  }
0xee: {  	_ = 	snop  }
0xef: {  	[hbm4b:s7+s2] =	stream.indirect_vreg.scatter [tilespmem:s19], [sflag:$0x1], $0x80, v4, vm0, $0xb8;
	[tilespmem:$0x8100] =	vst v63  }
0xf0: {  	v3 =	vperm.xlane v3, v2  }
0xf1: {  	[hbm4b:s8+s2] =	stream.indirect_vreg.scatter [tilespmem:s20], [sflag:$0x1], $0x80, v4, vm0, $0xb8;
	[tilespmem:$0x8100] =	vst v63  }
0xf2: {  	v3 =	vadd.s32 v1, v3  }
0xf3: {  	[hbm4b:s9+s2] =	stream.indirect_vreg.scatter [tilespmem:s21], [sflag:$0x1], $0x80, v4, vm0, $0xb8;
	[tilespmem:$0x8100] =	vst v63  }
0xf4: {  	_ = 	snop  }
0xf5: {  	[hbm4b:s10+s2] =	stream.indirect_vreg.scatter [tilespmem:s22], [sflag:$0x1], $0x80, v4, vm0, $0xb8;
	[tilespmem:$0x8100] =	vst v63  }
0xf6: {  	_ = 	snop  }
0xf7: {  	[hbm4b:s3+s2] =	stream.indirect_vreg.scatter [tilespmem:s23], [sflag:$0x1], $0x80, v3, vm0, $0xb8;
	[tilespmem:$0x8100] =	vst v63  }
0xf8: {  	_ = 	snop  }
0xf9: {  	[hbm4b:s4+s2] =	stream.indirect_vreg.scatter [tilespmem:s24], [sflag:$0x1], $0x80, v3, vm0, $0xb8;
	[tilespmem:$0x8100] =	vst v63  }
0xfa: {  	_ = 	snop  }
0xfb: {  	[hbm4b:s5+s2] =	stream.indirect_vreg.scatter [tilespmem:s25], [sflag:$0x1], $0x80, v3, vm0, $0xb8;
	[tilespmem:$0x8100] =	vst v63  }
0xfc: {  	_ = 	snop  }
0xfd: {  	[hbm4b:s6+s2] =	stream.indirect_vreg.scatter [tilespmem:s26], [sflag:$0x1], $0x80, v3, vm0, $0xb8;
	[tilespmem:$0x8100] =	vst v63  }
0xfe: {  	_ = 	snop  }
0xff: {  	[hbm4b:s7+s2] =	stream.indirect_vreg.scatter [tilespmem:s28], [sflag:$0x1], $0x80, v3, vm0, $0xb8;
	[tilespmem:$0x8100] =	vst v63  }
0x100: {  	_ = 	snop  }
0x101: {  	[hbm4b:s8+s2] =	stream.indirect_vreg.scatter [tilespmem:s29], [sflag:$0x1], $0x80, v3, vm0, $0xb8;
	[tilespmem:$0x8100] =	vst v63  }
0x102: {  	_ = 	snop  }
0x103: {  	[hbm4b:s9+s2] =	stream.indirect_vreg.scatter [tilespmem:s30], [sflag:$0x1], $0x80, v3, vm0, $0xb8;
	[tilespmem:$0x8100] =	vst v63  }
0x104: {  	_ = 	snop  }
0x105: {  	[hbm4b:s10+s2] =	stream.indirect_vreg.scatter [tilespmem:s31], [sflag:$0x1], $0x80, v3, vm0, $0xb8;
	[tilespmem:$0x8100] =	vst v63  }
0x106: {  	_ =	swait.ge [sflag:s1], $0x8000  }
0x107: {  	[sflag:s1] =	ssyncset.done $0x0  }
0x108: {  	[sflag:s1] =	ssyncadd.s32 $0xFFFF8000  }
0x109: {  	v3 =	vld [tilespmem:$0x80];
	_ =	sdelay $0x4  }
0x10a: {  	v61 =	vshll.u32 v3, $0x4  }
0x10b: {  	v3 =	vand.u32 $0x7, v3;
	v4 =	vand.u32 $0xFFFFFF80, v61  }
0x10c: {  	v3 =	vor.u32 v3, v4  }
0x10d: {  	v4 =	vperm.xlane v3, v0;
	_ =	sdelay $0x1  }
0x10e: {  	v4 =	vadd.s32 v1, v4;
	_ =	sdelay $0x4  }
0x10f: {  	[hbm4b:s3+s2] =	stream.indirect_vreg.scatter [tilespmem:s15], [sflag:$0x1], $0x80, v4, vm0, $0xb8;
	[tilespmem:$0x8100] =	vst v63  }
0x110: {  	_ = 	snop  }
0x111: {  	[hbm4b:s4+s2] =	stream.indirect_vreg.scatter [tilespmem:s16], [sflag:$0x1], $0x80, v4, vm0, $0xb8;
	[tilespmem:$0x8100] =	vst v63  }
0x112: {  	_ = 	snop  }
0x113: {  	[hbm4b:s5+s2] =	stream.indirect_vreg.scatter [tilespmem:s17], [sflag:$0x1], $0x80, v4, vm0, $0xb8;
	[tilespmem:$0x8100] =	vst v63  }
0x114: {  	_ = 	snop  }
0x115: {  	[hbm4b:s6+s2] =	stream.indirect_vreg.scatter [tilespmem:s18], [sflag:$0x1], $0x80, v4, vm0, $0xb8;
	[tilespmem:$0x8100] =	vst v63  }
0x116: {  	_ = 	snop  }
0x117: {  	[hbm4b:s7+s2] =	stream.indirect_vreg.scatter [tilespmem:s19], [sflag:$0x1], $0x80, v4, vm0, $0xb8;
	[tilespmem:$0x8100] =	vst v63  }
0x118: {  	v3 =	vperm.xlane v3, v2  }
0x119: {  	[hbm4b:s8+s2] =	stream.indirect_vreg.scatter [tilespmem:s20], [sflag:$0x1], $0x80, v4, vm0, $0xb8;
	[tilespmem:$0x8100] =	vst v63  }
0x11a: {  	v3 =	vadd.s32 v1, v3  }
0x11b: {  	[hbm4b:s9+s2] =	stream.indirect_vreg.scatter [tilespmem:s21], [sflag:$0x1], $0x80, v4, vm0, $0xb8;
	[tilespmem:$0x8100] =	vst v63  }
0x11c: {  	_ = 	snop  }
0x11d: {  	[hbm4b:s10+s2] =	stream.indirect_vreg.scatter [tilespmem:s22], [sflag:$0x1], $0x80, v4, vm0, $0xb8;
	[tilespmem:$0x8100] =	vst v63  }
0x11e: {  	_ = 	snop  }
0x11f: {  	[hbm4b:s3+s2] =	stream.indirect_vreg.scatter [tilespmem:s23], [sflag:$0x1], $0x80, v3, vm0, $0xb8;
	[tilespmem:$0x8100] =	vst v63  }
0x120: {  	_ = 	snop  }
0x121: {  	[hbm4b:s4+s2] =	stream.indirect_vreg.scatter [tilespmem:s24], [sflag:$0x1], $0x80, v3, vm0, $0xb8;
	[tilespmem:$0x8100] =	vst v63  }
0x122: {  	_ = 	snop  }
0x123: {  	[hbm4b:s5+s2] =	stream.indirect_vreg.scatter [tilespmem:s25], [sflag:$0x1], $0x80, v3, vm0, $0xb8;
	[tilespmem:$0x8100] =	vst v63  }
0x124: {  	_ = 	snop  }
0x125: {  	[hbm4b:s6+s2] =	stream.indirect_vreg.scatter [tilespmem:s26], [sflag:$0x1], $0x80, v3, vm0, $0xb8;
	[tilespmem:$0x8100] =	vst v63  }
0x126: {  	_ = 	snop  }
0x127: {  	[hbm4b:s7+s2] =	stream.indirect_vreg.scatter [tilespmem:s28], [sflag:$0x1], $0x80, v3, vm0, $0xb8;
	[tilespmem:$0x8100] =	vst v63  }
0x128: {  	_ = 	snop  }
0x129: {  	[hbm4b:s8+s2] =	stream.indirect_vreg.scatter [tilespmem:s29], [sflag:$0x1], $0x80, v3, vm0, $0xb8;
	[tilespmem:$0x8100] =	vst v63  }
0x12a: {  	_ = 	snop  }
0x12b: {  	[hbm4b:s9+s2] =	stream.indirect_vreg.scatter [tilespmem:s30], [sflag:$0x1], $0x80, v3, vm0, $0xb8;
	[tilespmem:$0x8100] =	vst v63  }
0x12c: {  	_ = 	snop  }
0x12d: {  	[hbm4b:s10+s2] =	stream.indirect_vreg.scatter [tilespmem:s31], [sflag:$0x1], $0x80, v3, vm0, $0xb8;
	[tilespmem:$0x8100] =	vst v63  }
0x12e: {  	_ =	swait.ge [sflag:s1], $0x8000  }
0x12f: {  	[sflag:s1] =	ssyncset.done $0x0  }
0x130: {  	s0 =	rddreg [dreg:$0xc];
	[sflag:s1] =	ssyncadd.s32 $0xFFFF8000  }
0x131: {  	[tilespmem:s2], [sflag:$0x2] =	stream.linear.gather [hbm4b:s0+s2], $0x10, $0x38;
	[tilespmem:$0x8100] =	vst v63  }
0x132: {  	_ =	swait.ge [sflag:s13], $0x10  }
0x133: {  	[sflag:s13] =	ssyncset.done $0x0  }
0x134: {  	s0 =	rddreg [dreg:$0xd];
	[sflag:s13] =	ssyncadd.s32 $0xFFFFFFF0  }
0x135: {  	[tilespmem:s14], [sflag:$0x2] =	stream.linear.gather [hbm4b:s0+s2], $0x10, $0x38;
	[tilespmem:$0x8100] =	vst v63  }
0x136: {  	_ =	swait.ge [sflag:s13], $0x10  }
0x137: {  	[sflag:s13] =	ssyncset.done $0x0  }
0x138: {  	[sflag:s13] =	ssyncadd.s32 $0xFFFFFFF0  }
0x139: {  	[tilespmem:s15], [sflag:$0x2] =	stream.linear.gather [hbm4b:s11+s2], $0x8000, $0x38;
	[tilespmem:$0x8100] =	vst v63  }
0x13a: {  	_ =	swait.ge [sflag:s13], $0x8000  }
0x13b: {  	[sflag:s13] =	ssyncset.done $0x0  }
0x13c: {  	[sflag:s13] =	ssyncadd.s32 $0xFFFF8000  }
0x13d: {  	v3 =	vld [tilespmem:$0x0];
	_ =	sdelay $0x4  }
0x13e: {  	v62 =	vshll.u32 v3, $0x4  }
0x13f: {  	v3 =	vand.u32 $0x7, v3;
	v4 =	vand.u32 $0xFFFFFF80, v62  }
0x140: {  	v3 =	vor.u32 v3, v4  }
0x141: {  	v4 =	vperm.xlane v3, v0;
	_ =	sdelay $0x1  }
0x142: {  	v4 =	vadd.s32 v1, v4;
	_ =	sdelay $0x4  }
0x143: {  	[hbm4b:s3+s2] =	stream.indirect_vreg.scatter [tilespmem:s15], [sflag:$0x1], $0x80, v4, vm0, $0xb8;
	[tilespmem:$0x8100] =	vst v63  }
0x144: {  	_ = 	snop  }
0x145: {  	[hbm4b:s4+s2] =	stream.indirect_vreg.scatter [tilespmem:s16], [sflag:$0x1], $0x80, v4, vm0, $0xb8;
	[tilespmem:$0x8100] =	vst v63  }
0x146: {  	_ = 	snop  }
0x147: {  	[hbm4b:s5+s2] =	stream.indirect_vreg.scatter [tilespmem:s17], [sflag:$0x1], $0x80, v4, vm0, $0xb8;
	[tilespmem:$0x8100] =	vst v63  }
0x148: {  	_ = 	snop  }
0x149: {  	[hbm4b:s6+s2] =	stream.indirect_vreg.scatter [tilespmem:s18], [sflag:$0x1], $0x80, v4, vm0, $0xb8;
	[tilespmem:$0x8100] =	vst v63  }
0x14a: {  	_ = 	snop  }
0x14b: {  	[hbm4b:s7+s2] =	stream.indirect_vreg.scatter [tilespmem:s19], [sflag:$0x1], $0x80, v4, vm0, $0xb8;
	[tilespmem:$0x8100] =	vst v63  }
0x14c: {  	v3 =	vperm.xlane v3, v2  }
0x14d: {  	[hbm4b:s8+s2] =	stream.indirect_vreg.scatter [tilespmem:s20], [sflag:$0x1], $0x80, v4, vm0, $0xb8;
	[tilespmem:$0x8100] =	vst v63  }
0x14e: {  	v3 =	vadd.s32 v1, v3  }
0x14f: {  	[hbm4b:s9+s2] =	stream.indirect_vreg.scatter [tilespmem:s21], [sflag:$0x1], $0x80, v4, vm0, $0xb8;
	[tilespmem:$0x8100] =	vst v63  }
0x150: {  	_ = 	snop  }
0x151: {  	[hbm4b:s10+s2] =	stream.indirect_vreg.scatter [tilespmem:s22], [sflag:$0x1], $0x80, v4, vm0, $0xb8;
	[tilespmem:$0x8100] =	vst v63  }
0x152: {  	_ = 	snop  }
0x153: {  	[hbm4b:s3+s2] =	stream.indirect_vreg.scatter [tilespmem:s23], [sflag:$0x1], $0x80, v3, vm0, $0xb8;
	[tilespmem:$0x8100] =	vst v63  }
0x154: {  	_ = 	snop  }
0x155: {  	[hbm4b:s4+s2] =	stream.indirect_vreg.scatter [tilespmem:s24], [sflag:$0x1], $0x80, v3, vm0, $0xb8;
	[tilespmem:$0x8100] =	vst v63  }
0x156: {  	_ = 	snop  }
0x157: {  	[hbm4b:s5+s2] =	stream.indirect_vreg.scatter [tilespmem:s25], [sflag:$0x1], $0x80, v3, vm0, $0xb8;
	[tilespmem:$0x8100] =	vst v63  }
0x158: {  	_ = 	snop  }
0x159: {  	[hbm4b:s6+s2] =	stream.indirect_vreg.scatter [tilespmem:s26], [sflag:$0x1], $0x80, v3, vm0, $0xb8;
	[tilespmem:$0x8100] =	vst v63  }
0x15a: {  	_ = 	snop  }
0x15b: {  	[hbm4b:s7+s2] =	stream.indirect_vreg.scatter [tilespmem:s28], [sflag:$0x1], $0x80, v3, vm0, $0xb8;
	[tilespmem:$0x8100] =	vst v63  }
0x15c: {  	_ = 	snop  }
0x15d: {  	[hbm4b:s8+s2] =	stream.indirect_vreg.scatter [tilespmem:s29], [sflag:$0x1], $0x80, v3, vm0, $0xb8;
	[tilespmem:$0x8100] =	vst v63  }
0x15e: {  	_ = 	snop  }
0x15f: {  	[hbm4b:s9+s2] =	stream.indirect_vreg.scatter [tilespmem:s30], [sflag:$0x1], $0x80, v3, vm0, $0xb8;
	[tilespmem:$0x8100] =	vst v63  }
0x160: {  	_ = 	snop  }
0x161: {  	[hbm4b:s10+s2] =	stream.indirect_vreg.scatter [tilespmem:s31], [sflag:$0x1], $0x80, v3, vm0, $0xb8;
	[tilespmem:$0x8100] =	vst v63  }
0x162: {  	_ =	swait.ge [sflag:s1], $0x8000  }
0x163: {  	[sflag:s1] =	ssyncset.done $0x0  }
0x164: {  	[sflag:s1] =	ssyncadd.s32 $0xFFFF8000  }
0x165: {  	v3 =	vld [tilespmem:$0x80];
	_ =	sdelay $0x4  }
0x166: {  	v63 =	vshll.u32 v3, $0x4  }
0x167: {  	v3 =	vand.u32 $0x7, v3;
	v4 =	vand.u32 $0xFFFFFF80, v63  }
0x168: {  	v3 =	vor.u32 v3, v4  }
0x169: {  	v4 =	vperm.xlane v3, v0;
	_ =	sdelay $0x1  }
0x16a: {  	v4 =	vadd.s32 v1, v4;
	_ =	sdelay $0x4  }
0x16b: {  	[hbm4b:s3+s2] =	stream.indirect_vreg.scatter [tilespmem:s15], [sflag:$0x1], $0x80, v4, vm0, $0xb8;
	[tilespmem:$0x8100] =	vst v63  }
0x16c: {  	_ = 	snop  }
0x16d: {  	[hbm4b:s4+s2] =	stream.indirect_vreg.scatter [tilespmem:s16], [sflag:$0x1], $0x80, v4, vm0, $0xb8;
	[tilespmem:$0x8100] =	vst v63  }
0x16e: {  	_ = 	snop  }
0x16f: {  	[hbm4b:s5+s2] =	stream.indirect_vreg.scatter [tilespmem:s17], [sflag:$0x1], $0x80, v4, vm0, $0xb8;
	[tilespmem:$0x8100] =	vst v63  }
0x170: {  	_ = 	snop  }
0x171: {  	[hbm4b:s6+s2] =	stream.indirect_vreg.scatter [tilespmem:s18], [sflag:$0x1], $0x80, v4, vm0, $0xb8;
	[tilespmem:$0x8100] =	vst v63  }
0x172: {  	_ = 	snop  }
0x173: {  	[hbm4b:s7+s2] =	stream.indirect_vreg.scatter [tilespmem:s19], [sflag:$0x1], $0x80, v4, vm0, $0xb8;
	[tilespmem:$0x8100] =	vst v63  }
0x174: {  	v3 =	vperm.xlane v3, v2  }
0x175: {  	[hbm4b:s8+s2] =	stream.indirect_vreg.scatter [tilespmem:s20], [sflag:$0x1], $0x80, v4, vm0, $0xb8;
	[tilespmem:$0x8100] =	vst v63  }
0x176: {  	v3 =	vadd.s32 v1, v3  }
0x177: {  	[hbm4b:s9+s2] =	stream.indirect_vreg.scatter [tilespmem:s21], [sflag:$0x1], $0x80, v4, vm0, $0xb8;
	[tilespmem:$0x8100] =	vst v63  }
0x178: {  	_ = 	snop  }
0x179: {  	[hbm4b:s10+s2] =	stream.indirect_vreg.scatter [tilespmem:s22], [sflag:$0x1], $0x80, v4, vm0, $0xb8;
	[tilespmem:$0x8100] =	vst v63  }
0x17a: {  	_ = 	snop  }
0x17b: {  	[hbm4b:s3+s2] =	stream.indirect_vreg.scatter [tilespmem:s23], [sflag:$0x1], $0x80, v3, vm0, $0xb8;
	[tilespmem:$0x8100] =	vst v63  }
0x17c: {  	_ = 	snop  }
0x17d: {  	[hbm4b:s4+s2] =	stream.indirect_vreg.scatter [tilespmem:s24], [sflag:$0x1], $0x80, v3, vm0, $0xb8;
	[tilespmem:$0x8100] =	vst v63  }
0x17e: {  	_ = 	snop  }
0x17f: {  	[hbm4b:s5+s2] =	stream.indirect_vreg.scatter [tilespmem:s25], [sflag:$0x1], $0x80, v3, vm0, $0xb8;
	[tilespmem:$0x8100] =	vst v63  }
0x180: {  	_ = 	snop  }
0x181: {  	[hbm4b:s6+s2] =	stream.indirect_vreg.scatter [tilespmem:s26], [sflag:$0x1], $0x80, v3, vm0, $0xb8;
	[tilespmem:$0x8100] =	vst v63  }
0x182: {  	_ = 	snop  }
0x183: {  	[hbm4b:s7+s2] =	stream.indirect_vreg.scatter [tilespmem:s28], [sflag:$0x1], $0x80, v3, vm0, $0xb8;
	[tilespmem:$0x8100] =	vst v63  }
0x184: {  	_ = 	snop  }
0x185: {  	[hbm4b:s8+s2] =	stream.indirect_vreg.scatter [tilespmem:s29], [sflag:$0x1], $0x80, v3, vm0, $0xb8;
	[tilespmem:$0x8100] =	vst v63  }
0x186: {  	p0 =	sne.s32 s12, $0x1  }
0x187: {  	[hbm4b:s9+s2] =	stream.indirect_vreg.scatter [tilespmem:s30], [sflag:$0x1], $0x80, v3, vm0, $0xb8;
	[tilespmem:$0x8100] =	vst v63  }
.Ltmp0:
0x188: {  	_ = 	snop;
	(pc) =	sbr.rel @p0 .LBB2_1-.Ltmp0, $4  }
0x189: {  	[hbm4b:s10+s2] =	stream.indirect_vreg.scatter [tilespmem:s31], [sflag:$0x1], $0x80, v3, vm0, $0xb8;
	[tilespmem:$0x8100] =	vst v63  }
0x18a: {  	_ =	swait.ge [sflag:s1], $0x8000  }
0x18b: {  	[sflag:s1] =	ssyncset.done $0x0  }
0x18c: {  	s12 =	sadd.s32 $0xFFFFFFFF, s12;
	[sflag:s1] =	ssyncadd.s32 $0xFFFF8000  }
0x18d: {  	_ =	sfence.sel $0x180000  }
0x18e: {  	[bflag:$0x0] =	sbarrier.arrive $0xFFFF  }
0x18f: {  	_ =	strace $0x90000047  }
0x190: {  	s0 =	stileid.u32;
	[bflag:$0x2] =	sbarrier.arrive $0xFFFF  }
0x191: {  	p0 =	sne.s32 s0, $0x0;
	s0 =	rddreg [dreg:$0x2]  }
0x192: {  	s0 =	sadd.s32 @!p0 $0x100000, s0  }
0x193: {  	[sflag:s0] =	ssyncadd.tile.s32 @!p0 $0x1;
	_ =	shalt  }
.Lfunc_end2:
_tile_overlayer_lowered:
.L_overlay_start_2:
0x194: {  	(tag) =	ssettag $0x2  }
0x195: {  	s0 =	rddreg [dreg:$0x0];
	s2 =	stileid.u32  }
0x196: {  	s1 =	rddreg [dreg:$0x1];
	p0 =	sne.s32 s2, $0x0  }
0x197: {  	s3 =	rddreg [dreg:$0x2];
	[bflag:$0x3] =	sbarrier.arrive $0xFFFF;
	s2 =	simm.s32 @!p0 $0x1C02  }
0x198: {  	[timem:s3], [sflag:s2] =	dma.local @!p0 [hbm:s0], s1  }
0x199: {  	s0 =	simm.s32 @!p0 $0x2  }
0x19a: {  	_ =	swait.ge @!p0 [sflag:s0], s1  }
0x19b: {  	s1 =	ssub.s32 @!p0 $0x0, s1;
	[sflag:s0] =	ssyncset.done @!p0 $0x0  }
0x19c: {  	[sflag:s0] =	ssyncadd.s32 @!p0 s1  }
0x19d: {  	[bflag:$0x3] =	sbarrier.arrive $0xFFFF  }
0x19e: {  	_ =	shalt  }

</sc_bundles>
